<compile_context>
chip_gen: v7x
topology: tpu7x:2x2x1
jax: 0.10.2.dev20260603
libtpu: 0.0.44.dev20260713+nightly
codegen_flags: <defaults>
</compile_context>

<pallas_src>
import math

import jax
import jax.numpy as jnp
from jax import lax
from jax.experimental import pallas as pl
from jax.experimental.pallas import tpu as pltpu
from jax.experimental.pallas import tpu_sc as plsc

T, D, E, K, FF = 2048, 768, 8, 2, 1536
TM = 128
NP = T * K + E * TM
NB = NP // TM
NBS = T // TM
NBT = NB + NBS
EL = 128
NEG = -3e38
NW = 32



def _router_body(x_ref, rwt_ref, rb_ref, d01_ref, g0_ref, g1_ref, be_ref):
    scale = 1.0 / math.sqrt(D)
    lanes = lax.broadcasted_iota(jnp.int32, (T, EL), 1)
    valid = lanes < E
    lg = jnp.dot(x_ref[:], rwt_ref[:], preferred_element_type=jnp.float32)
    lgv = jnp.where(valid, lg * scale, NEG)
    biased = lgv + rb_ref[:]
    m1 = jnp.max(biased, axis=1, keepdims=True)
    c1 = jnp.logical_and(biased == m1, valid)
    a1 = jnp.min(jnp.where(c1, lanes, EL), axis=1, keepdims=True)
    oh1 = lanes == a1
    b2 = jnp.where(oh1, NEG, biased)
    m2 = jnp.max(b2, axis=1, keepdims=True)
    c2 = jnp.logical_and(b2 == m2, valid)
    a2 = jnp.min(jnp.where(c2, lanes, EL), axis=1, keepdims=True)
    oh2 = lanes == a2
    oh1f = oh1.astype(jnp.float32)
    oh2f = oh2.astype(jnp.float32)
    l1 = jnp.sum(jnp.where(oh1, lgv, 0.0), axis=1, keepdims=True)
    l2 = jnp.sum(jnp.where(oh2, lgv, 0.0), axis=1, keepdims=True)
    mx = jnp.maximum(l1, l2)
    e1 = jnp.exp(l1 - mx)
    e2 = jnp.exp(l2 - mx)
    s = e1 + e2
    g0_ref[:] = jnp.broadcast_to(e1 / s, (T, 16))
    g1_ref[:] = jnp.broadcast_to(e2 / s, (T, 16))
    S = oh1f + oh2f
    tri = (lax.broadcasted_iota(jnp.int32, (T, T), 0)
           > lax.broadcasted_iota(jnp.int32, (T, T), 1)).astype(jnp.bfloat16)
    EXc = lax.dot_general(tri, S.astype(jnp.bfloat16),
                          (((1,), (0,)), ((), ())),
                          preferred_element_type=jnp.float32)
    rank0 = jnp.sum(oh1f * EXc, axis=1, keepdims=True)
    rank1 = jnp.sum(oh2f * (EXc + oh1f), axis=1, keepdims=True)
    cnt = jnp.sum(S, axis=0, keepdims=True)
    nb = (cnt.astype(jnp.int32) + (TM - 1)) // TM
    tri8 = (lax.broadcasted_iota(jnp.int32, (EL, EL), 0)
            < lax.broadcasted_iota(jnp.int32, (EL, EL), 1)).astype(jnp.float32)
    nbf = nb.astype(jnp.float32)
    blk_ex = jnp.dot(nbf, tri8, preferred_element_type=jnp.float32)
    rowoff = TM * blk_ex
    d0 = jnp.sum(oh1f * rowoff, axis=1, keepdims=True) + rank0
    d1 = jnp.sum(oh2f * rowoff, axis=1, keepdims=True) + rank1
    d01_ref[:] = jnp.concatenate([d0, d1], axis=1).astype(jnp.int32)
    inc = blk_ex + nbf
    inc_mat = jnp.broadcast_to(inc, (EL, EL))
    g_rows = lax.broadcasted_iota(jnp.int32, (EL, EL), 0).astype(jnp.float32)
    seg_done = jnp.logical_and(inc_mat <= g_rows, valid[:EL, :])
    be = jnp.minimum(jnp.sum(seg_done.astype(jnp.float32), axis=1,
                             keepdims=True), E - 1)
    be_ref[:] = be.astype(jnp.int32)


def _router(xf, rwt, rb):
    return pl.pallas_call(
        _router_body,
        out_shape=(
            jax.ShapeDtypeStruct((T, 2), jnp.int32),
            jax.ShapeDtypeStruct((T, 16), jnp.float32),
            jax.ShapeDtypeStruct((T, 16), jnp.float32),
            jax.ShapeDtypeStruct((EL, 1), jnp.int32),
        ),
    )(xf, rwt, rb)



_CH = 64


_NR = T * K
_NCH = _NR // (NW * _CH)


def _dispatch_body(x_hbm, tok_hbm, dest_hbm, xs_hbm, tokv, destv, rowsv,
                   sem_i, sem_g, sem_s):
    wid = lax.axis_index("s") * 2 + lax.axis_index("c")
    base = wid * (_NR // NW)
    ci = []
    for c in range(_NCH):
        ci.append(pltpu.async_copy(
            tok_hbm.at[pl.ds(base + c * _CH, _CH)], tokv.at[c], sem_i))
        ci.append(pltpu.async_copy(
            dest_hbm.at[pl.ds(base + c * _CH, _CH)], destv.at[c], sem_i))
    for cp in ci:
        cp.wait()
    cg = [None] * _NCH
    cs = [None] * _NCH
    cg[0] = pltpu.async_copy(x_hbm.at[tokv.at[0]], rowsv.at[0], sem_g)
    for c in range(_NCH):
        if c + 1 < _NCH:
            if c >= 1:
                cs[c - 1].wait()
            cg[c + 1] = pltpu.async_copy(
                x_hbm.at[tokv.at[c + 1]], rowsv.at[(c + 1) % 2], sem_g)
        cg[c].wait()
        cs[c] = pltpu.async_copy(
            rowsv.at[c % 2], xs_hbm.at[destv.at[c]], sem_s)
    for c in range(max(_NCH - 2, 0), _NCH):
        cs[c].wait()


def _dispatch(xf, tok, dest):
    mesh = plsc.VectorSubcoreMesh(core_axis_name="c", subcore_axis_name="s")
    fn = pl.kernel(
        _dispatch_body,
        out_type=jax.ShapeDtypeStruct((NP, D), jnp.float32),
        mesh=mesh,
        scratch_types=[
            pltpu.VMEM((_NCH, _CH), jnp.int32),
            pltpu.VMEM((_NCH, _CH), jnp.int32),
            pltpu.VMEM((2, _CH, D), jnp.float32),
            pltpu.SemaphoreType.DMA,
            pltpu.SemaphoreType.DMA,
            pltpu.SemaphoreType.DMA,
        ],
    )
    return fn(xf, tok, dest)




def _ffn_block(x, w1b, w3b, w2b):
    h1 = lax.dot_general(x, w1b, (((1,), (1,)), ((), ())),
                         preferred_element_type=jnp.float32)
    h3 = lax.dot_general(x, w3b, (((1,), (1,)), ((), ())),
                         preferred_element_type=jnp.float32)
    hidden = h1 * (h3 * jax.nn.sigmoid(h3))
    return lax.dot_general(hidden, w2b, (((1,), (1,)), ((), ())),
                           preferred_element_type=jnp.float32)


def _expert_body(sp_ref, xs_ref, w1_hbm, w3_hbm, w2_hbm, out_ref,
                 w1b, w3b, w2b, s1, s2, s3):
    g = pl.program_id(0)
    fetch = sp_ref[0, g]
    waitf = sp_ref[1, g]
    slot = sp_ref[2, g]
    nxt = sp_ref[3, g]
    cur0 = sp_ref[4, g]

    @pl.when(g == 0)
    def _init():
        pltpu.async_copy(w1_hbm.at[cur0], w1b.at[0], s1).wait()
        pltpu.async_copy(w3_hbm.at[cur0], w3b.at[0], s2).wait()
        pltpu.async_copy(w2_hbm.at[cur0], w2b.at[0], s3).wait()

    @pl.when(fetch == 1)
    def _prefetch():
        pltpu.async_copy(w1_hbm.at[nxt], w1b.at[1 - slot], s1)
        pltpu.async_copy(w3_hbm.at[nxt], w3b.at[1 - slot], s2)
        pltpu.async_copy(w2_hbm.at[nxt], w2b.at[1 - slot], s3)

    @pl.when(waitf == 1)
    def _wait():
        pltpu.make_async_copy(w1_hbm.at[0], w1b.at[slot], s1).wait()
        pltpu.make_async_copy(w3_hbm.at[0], w3b.at[slot], s2).wait()
        pltpu.make_async_copy(w2_hbm.at[0], w2b.at[slot], s3).wait()

    out_ref[:] = _ffn_block(xs_ref[:], w1b[slot], w3b[slot], w2b[slot])


def _experts(sp, xs, w1, w3, w2):
    grid_spec = pltpu.PrefetchScalarGridSpec(
        num_scalar_prefetch=1,
        grid=(NB,),
        in_specs=[
            pl.BlockSpec((TM, D), lambda g, sp: (g, 0)),
            pl.BlockSpec(memory_space=pltpu.HBM),
            pl.BlockSpec(memory_space=pltpu.HBM),
            pl.BlockSpec(memory_space=pltpu.HBM),
        ],
        out_specs=pl.BlockSpec((TM, D), lambda g, sp: (g, 0)),
        scratch_shapes=[
            pltpu.VMEM((2, FF, D), jnp.float32),
            pltpu.VMEM((2, FF, D), jnp.float32),
            pltpu.VMEM((2, D, FF), jnp.float32),
            pltpu.SemaphoreType.DMA,
            pltpu.SemaphoreType.DMA,
            pltpu.SemaphoreType.DMA,
        ],
    )
    return pl.pallas_call(
        _expert_body,
        grid_spec=grid_spec,
        out_shape=jax.ShapeDtypeStruct((NP, D), jnp.float32),
    )(sp, xs, w1, w3, w2)


TMS = 256


def _shared_body(x_ref, sw1_ref, sw3_ref, sw2_ref, out_ref):
    out_ref[:] = _ffn_block(x_ref[:], sw1_ref[:], sw3_ref[:], sw2_ref[:])


def _shared(xf, sw1, sw3, sw2):
    return pl.pallas_call(
        _shared_body,
        grid=(T // TMS,),
        in_specs=[
            pl.BlockSpec((TMS, D), lambda g: (g, 0)),
            pl.BlockSpec((FF, D), lambda g: (0, 0)),
            pl.BlockSpec((FF, D), lambda g: (0, 0)),
            pl.BlockSpec((D, FF), lambda g: (0, 0)),
        ],
        out_specs=pl.BlockSpec((TMS, D), lambda g: (g, 0)),
        out_shape=jax.ShapeDtypeStruct((T, D), jnp.float32),
    )(xf, sw1, sw3, sw2)



_CT = 16


_NCT = T // (NW * _CT)


def _combine_body(eo_hbm, sh_hbm, d01_hbm, g0_hbm, g1_hbm, out_hbm,
                  dv, g0v, g1v, shv, abv, sem_i, sem_ab, sem_o):
    wid = lax.axis_index("s") * 2 + lax.axis_index("c")
    base0 = wid * (T // NW)
    ci = []
    for c in range(_NCT):
        base = base0 + c * _CT
        ci.append(pltpu.async_copy(
            d01_hbm.at[pl.ds(base * K, _CT * K)], dv.at[c], sem_i))
        ci.append(pltpu.async_copy(
            g0_hbm.at[pl.ds(base, _CT)], g0v.at[c], sem_i))
        ci.append(pltpu.async_copy(
            g1_hbm.at[pl.ds(base, _CT)], g1v.at[c], sem_i))
        ci.append(pltpu.async_copy(
            sh_hbm.at[pl.ds(base, _CT)], shv.at[c], sem_i))
    for cp in ci:
        cp.wait()
    cg = [None] * _NCT
    co = [None] * _NCT
    cg[0] = pltpu.async_copy(eo_hbm.at[dv.at[0]], abv.at[0], sem_ab)
    for c in range(_NCT):
        slot = c % 2
        if c + 1 < _NCT:
            cg[c + 1] = pltpu.async_copy(
                eo_hbm.at[dv.at[c + 1]], abv.at[(c + 1) % 2], sem_ab)
        cg[c].wait()

        @plsc.parallel_loop(0, _CT, 1)
        def tok_body(t):
            g0b = g0v[c, t, :]
            g1b = g1v[c, t, :]

            @plsc.parallel_loop(0, D // 16, 1, unroll=4)
            def col_body(cc):
                off = cc * 16
                shv[c, t, pl.ds(off, 16)] = (
                    g0b * abv[slot, 2 * t, pl.ds(off, 16)]
                    + g1b * abv[slot, 2 * t + 1, pl.ds(off, 16)]
                    + shv[c, t, pl.ds(off, 16)])
        co[c] = pltpu.async_copy(
            shv.at[c], out_hbm.at[pl.ds(base0 + c * _CT, _CT)], sem_o)
    for c in range(_NCT):
        co[c].wait()


def _combine(eo, sh, d01, g0, g1):
    mesh = plsc.VectorSubcoreMesh(core_axis_name="c", subcore_axis_name="s")
    fn = pl.kernel(
        _combine_body,
        out_type=jax.ShapeDtypeStruct((T, D), jnp.float32),
        mesh=mesh,
        scratch_types=[
            pltpu.VMEM((_NCT, _CT * K), jnp.int32),
            pltpu.VMEM((_NCT, _CT, 16), jnp.float32),
            pltpu.VMEM((_NCT, _CT, 16), jnp.float32),
            pltpu.VMEM((_NCT, _CT, D), jnp.float32),
            pltpu.VMEM((2, _CT * K, D), jnp.float32),
            pltpu.SemaphoreType.DMA,
            pltpu.SemaphoreType.DMA,
            pltpu.SemaphoreType.DMA,
        ],
    )
    return fn(eo, sh, d01, g0, g1)




def kernel(x, router_w, router_b, w1, w3, w2, sw1, sw3, sw2):
    Bsz, Sl, Dm = x.shape
    xf = x.reshape(-1, Dm)
    rwt = jnp.zeros((D, EL), jnp.float32).at[:, :E].set(router_w.T)
    rb = jnp.zeros((1, EL), jnp.float32).at[0, :E].set(router_b)

    d01, g0, g1, be_col = _router(xf, rwt, rb)
    be = be_col[:NB, 0]
    dest = d01.reshape(T * K)
    tok = jnp.repeat(jnp.arange(T, dtype=jnp.int32), K)

    first = jnp.concatenate(
        [jnp.ones((1,), jnp.bool_), be[1:] != be[:-1]])
    seg_id = jnp.cumsum(first.astype(jnp.int32)) - 1
    nseg = seg_id[-1] + 1
    expert_of_seg = jnp.zeros((NB,), jnp.int32).at[seg_id].set(be)
    nxt_expert = expert_of_seg[jnp.minimum(seg_id + 1, NB - 1)]
    sp = jnp.stack([
        (first & (seg_id + 1 < nseg)).astype(jnp.int32),
        (first & (jnp.arange(NB) > 0)).astype(jnp.int32),
        seg_id % 2,
        nxt_expert,
        jnp.full((NB,), be[0], jnp.int32),
    ])

    xs = _dispatch(xf, tok, dest)
    eo = _experts(sp, xs, w1, w3, w2)
    sh = _shared(xf, sw1, sw3, sw2)
    out = _combine(eo, sh, dest, g0, g1)
    return out.reshape(Bsz, Sl, Dm)

# --- scband reference (transcript-rebuilt; emitter-appended) ---
"""Pipeline reference for scband-mo-elayer-34711925686738 (READ-ONLY COPY).

The authoritative reference and input builder live on the scoring server;
editing this copy changes nothing except your own understanding.
"""

import math
import jax, jax.numpy as jnp
import numpy as np

B, S, D = 1, 2048, 768
E, K, FF = 8, 2, 1536
N_SHARED = 1
SH = FF * N_SHARED


def setup_inputs(seed: int = 0) -> dict:
    key = jax.random.key(seed)
    ks = jax.random.split(key, 9)
    x = jax.random.normal(ks[0], (B, S, D), dtype=jnp.float32)
    router_w = jax.random.normal(ks[1], (E, D), dtype=jnp.float32) * 0.02
    router_b = jnp.zeros((E,), dtype=jnp.float32)
    w1 = jax.random.normal(ks[2], (E, FF, D), dtype=jnp.float32) * 0.02
    w3 = jax.random.normal(ks[3], (E, FF, D), dtype=jnp.float32) * 0.02
    w2 = jax.random.normal(ks[4], (E, D, FF), dtype=jnp.float32) * 0.02
    sw1 = jax.random.normal(ks[5], (SH, D), dtype=jnp.float32) * 0.02
    sw3 = jax.random.normal(ks[6], (SH, D), dtype=jnp.float32) * 0.02
    sw2 = jax.random.normal(ks[7], (D, SH), dtype=jnp.float32) * 0.02
    return {"x": x, "router_w": router_w, "router_b": router_b,
            "w1": w1, "w3": w3, "w2": w2,
            "sw1": sw1, "sw3": sw3, "sw2": sw2}


def reference(x, router_w, router_b, w1, w3, w2, sw1, sw3, sw2):
    Bsz, Sl, Dm = x.shape
    xf = x.reshape(-1, Dm)  # [T, D]
    scale = 1.0 / math.sqrt(Dm)
    # Router
    logits = (xf @ router_w.T) * scale          # original_logits
    biased = logits + router_b
    _, idx = jax.lax.top_k(biased, K)           # [T, K] int32
    onehot = jax.nn.one_hot(idx, E, dtype=logits.dtype)  # [T, K, E]
    mask = jnp.sum(onehot, axis=1)              # [T, E] in {0,1}
    masked = jnp.where(mask > 0, logits, -jnp.inf)
    wfull = jax.nn.softmax(masked, axis=-1)     # [T, E]
    w = jnp.take_along_axis(wfull, idx, axis=-1)  # [T, K]
    # Per-token per-expert gate (topk indices are distinct, so sum == overwrite)
    gate = jnp.einsum('tk,tke->te', w, onehot)  # [T, E]
    # All experts run densely over all tokens (faithful to reference loop)
    h1 = jnp.einsum('td,efd->etf', xf, w1)
    h3 = jnp.einsum('td,efd->etf', xf, w3)
    hidden = h1 * jax.nn.silu(h3)               # [E, T, FF]
    eo = jnp.einsum('etf,edf->etd', hidden, w2) # [E, T, D]
    out = jnp.einsum('etd,te->td', eo, gate)    # [T, D]
    # Shared experts (dropout p=0 / eval mode -> identity)
    sh = (xf @ sw1.T) * jax.nn.silu(xf @ sw3.T)
    out = out + sh @ sw2.T
    return out.reshape(Bsz, Sl, Dm)

if __name__ == "__main__":
    import jax
    _d = setup_inputs()
    print(jax.jit(kernel)(*tuple(_d.values())))

</pallas_src>

<mosaic_0001>
#map = affine_map<(d0, d1) -> (0, 0)>
#map1 = affine_map<(d0, d1) -> (0)>
module attributes {stable_mosaic.version = 14 : i64} {
  func.func @_dispatch_body(%arg0: i32, %arg1: i32, %arg2: memref<2048x768xf32, #tpu.memory_space<hbm>>, %arg3: memref<4096xi32, #tpu.memory_space<hbm>>, %arg4: memref<4096xi32, #tpu.memory_space<hbm>>, %arg5: memref<5120x768xf32, #tpu.memory_space<hbm>>, %arg6: memref<2x64xi32, #tpu.memory_space<vmem>>, %arg7: memref<2x64xi32, #tpu.memory_space<vmem>>, %arg8: memref<2x64x768xf32, #tpu.memory_space<vmem>>, %arg9: memref<!tpu.dma_semaphore, #tpu.memory_space<semaphore_mem>>, %arg10: memref<!tpu.dma_semaphore, #tpu.memory_space<semaphore_mem>>, %arg11: memref<!tpu.dma_semaphore, #tpu.memory_space<semaphore_mem>>) attributes {dimension_semantics = [#tpu.dimension_semantics<core_parallel>, #tpu.dimension_semantics<subcore_parallel>], iteration_bounds = array<i64: 2, 16>, scalar_prefetch = 0 : i64, scratch_operands = 6 : i64, tpu.core_type = #tpu.core_type<sc_vector_subcore>, window_params = [{transform_indices = #map}, {transform_indices = #map1}, {transform_indices = #map1}, {transform_indices = #map}]} {
    %mul3A = arith.constant 2 : i32
    %mul3A_0 = arith.muli %arg1, %mul3A : i32
    %add3A = arith.addi %mul3A_0, %arg0 : i32
    %mul3A_1 = arith.constant 128 : i32
    %mul3A_2 = arith.muli %add3A, %mul3A_1 : i32
    %add3A_3 = arith.constant 0 : i32
    %add3A_4 = arith.addi %mul3A_2, %add3A_3 : i32
    %dma_start3A = arith.constant 0 : i32
    %dma_start3A_5 = arith.constant 0 : i32
    %dma_start3A_6 = tpu.memref_slice %arg6[%dma_start3A, %dma_start3A_5] : memref<2x64xi32, #tpu.memory_space<vmem>> -> memref<1x64xi32, #tpu.memory_space<vmem>>
    %dma_start3A_7 = tpu.memref_squeeze %dma_start3A_6 : memref<1x64xi32, #tpu.memory_space<vmem>> -> memref<64xi32, #tpu.memory_space<vmem>>
    %dma_start3A_8 = tpu.memref_slice %arg3[%add3A_4] : memref<4096xi32, #tpu.memory_space<hbm>> -> memref<64xi32, #tpu.memory_space<hbm>>
    %dma_start3A_9 = arith.constant 0 : i32
    %dma_start3A_10 = tpu.memref_slice %arg6[%dma_start3A, %dma_start3A_9] : memref<2x64xi32, #tpu.memory_space<vmem>> -> memref<1x64xi32, #tpu.memory_space<vmem>>
    %dma_start3A_11 = tpu.memref_squeeze %dma_start3A_10 : memref<1x64xi32, #tpu.memory_space<vmem>> -> memref<64xi32, #tpu.memory_space<vmem>>
    %dma_start3A_12 = tpu.memref_slice %arg3[%add3A_4] : memref<4096xi32, #tpu.memory_space<hbm>> -> memref<64xi32, #tpu.memory_space<hbm>>
    tpu.enqueue_dma source(%dma_start3A_12 : memref<64xi32, #tpu.memory_space<hbm>>) target(%dma_start3A_11 : memref<64xi32, #tpu.memory_space<vmem>>) target_semaphore(%arg9 : memref<!tpu.dma_semaphore, #tpu.memory_space<semaphore_mem>>)
    %add3A_13 = arith.constant 0 : i32
    %add3A_14 = arith.addi %mul3A_2, %add3A_13 : i32
    %dma_start3A_15 = arith.constant 0 : i32
    %dma_start3A_16 = arith.constant 0 : i32
    %dma_start3A_17 = tpu.memref_slice %arg7[%dma_start3A_15, %dma_start3A_16] : memref<2x64xi32, #tpu.memory_space<vmem>> -> memref<1x64xi32, #tpu.memory_space<vmem>>
    %dma_start3A_18 = tpu.memref_squeeze %dma_start3A_17 : memref<1x64xi32, #tpu.memory_space<vmem>> -> memref<64xi32, #tpu.memory_space<vmem>>
    %dma_start3A_19 = tpu.memref_slice %arg4[%add3A_14] : memref<4096xi32, #tpu.memory_space<hbm>> -> memref<64xi32, #tpu.memory_space<hbm>>
    %dma_start3A_20 = arith.constant 0 : i32
    %dma_start3A_21 = tpu.memref_slice %arg7[%dma_start3A_15, %dma_start3A_20] : memref<2x64xi32, #tpu.memory_space<vmem>> -> memref<1x64xi32, #tpu.memory_space<vmem>>
    %dma_start3A_22 = tpu.memref_squeeze %dma_start3A_21 : memref<1x64xi32, #tpu.memory_space<vmem>> -> memref<64xi32, #tpu.memory_space<vmem>>
    %dma_start3A_23 = tpu.memref_slice %arg4[%add3A_14] : memref<4096xi32, #tpu.memory_space<hbm>> -> memref<64xi32, #tpu.memory_space<hbm>>
    tpu.enqueue_dma source(%dma_start3A_23 : memref<64xi32, #tpu.memory_space<hbm>>) target(%dma_start3A_22 : memref<64xi32, #tpu.memory_space<vmem>>) target_semaphore(%arg9 : memref<!tpu.dma_semaphore, #tpu.memory_space<semaphore_mem>>)
    %add3A_24 = arith.constant 64 : i32
    %add3A_25 = arith.addi %mul3A_2, %add3A_24 : i32
    %dma_start3A_26 = arith.constant 1 : i32
    %dma_start3A_27 = arith.constant 0 : i32
    %dma_start3A_28 = tpu.memref_slice %arg6[%dma_start3A_26, %dma_start3A_27] : memref<2x64xi32, #tpu.memory_space<vmem>> -> memref<1x64xi32, #tpu.memory_space<vmem>>
    %dma_start3A_29 = tpu.memref_squeeze %dma_start3A_28 : memref<1x64xi32, #tpu.memory_space<vmem>> -> memref<64xi32, #tpu.memory_space<vmem>>
    %dma_start3A_30 = tpu.memref_slice %arg3[%add3A_25] : memref<4096xi32, #tpu.memory_space<hbm>> -> memref<64xi32, #tpu.memory_space<hbm>>
    %dma_start3A_31 = arith.constant 0 : i32
    %dma_start3A_32 = tpu.memref_slice %arg6[%dma_start3A_26, %dma_start3A_31] : memref<2x64xi32, #tpu.memory_space<vmem>> -> memref<1x64xi32, #tpu.memory_space<vmem>>
    %dma_start3A_33 = tpu.memref_squeeze %dma_start3A_32 : memref<1x64xi32, #tpu.memory_space<vmem>> -> memref<64xi32, #tpu.memory_space<vmem>>
    %dma_start3A_34 = tpu.memref_slice %arg3[%add3A_25] : memref<4096xi32, #tpu.memory_space<hbm>> -> memref<64xi32, #tpu.memory_space<hbm>>
    tpu.enqueue_dma source(%dma_start3A_34 : memref<64xi32, #tpu.memory_space<hbm>>) target(%dma_start3A_33 : memref<64xi32, #tpu.memory_space<vmem>>) target_semaphore(%arg9 : memref<!tpu.dma_semaphore, #tpu.memory_space<semaphore_mem>>)
    %add3A_35 = arith.constant 64 : i32
    %add3A_36 = arith.addi %mul3A_2, %add3A_35 : i32
    %dma_start3A_37 = arith.constant 1 : i32
    %dma_start3A_38 = arith.constant 0 : i32
    %dma_start3A_39 = tpu.memref_slice %arg7[%dma_start3A_37, %dma_start3A_38] : memref<2x64xi32, #tpu.memory_space<vmem>> -> memref<1x64xi32, #tpu.memory_space<vmem>>
    %dma_start3A_40 = tpu.memref_squeeze %dma_start3A_39 : memref<1x64xi32, #tpu.memory_space<vmem>> -> memref<64xi32, #tpu.memory_space<vmem>>
    %dma_start3A_41 = tpu.memref_slice %arg4[%add3A_36] : memref<4096xi32, #tpu.memory_space<hbm>> -> memref<64xi32, #tpu.memory_space<hbm>>
    %dma_start3A_42 = arith.constant 0 : i32
    %dma_start3A_43 = tpu.memref_slice %arg7[%dma_start3A_37, %dma_start3A_42] : memref<2x64xi32, #tpu.memory_space<vmem>> -> memref<1x64xi32, #tpu.memory_space<vmem>>
    %dma_start3A_44 = tpu.memref_squeeze %dma_start3A_43 : memref<1x64xi32, #tpu.memory_space<vmem>> -> memref<64xi32, #tpu.memory_space<vmem>>
    %dma_start3A_45 = tpu.memref_slice %arg4[%add3A_36] : memref<4096xi32, #tpu.memory_space<hbm>> -> memref<64xi32, #tpu.memory_space<hbm>>
    tpu.enqueue_dma source(%dma_start3A_45 : memref<64xi32, #tpu.memory_space<hbm>>) target(%dma_start3A_44 : memref<64xi32, #tpu.memory_space<vmem>>) target_semaphore(%arg9 : memref<!tpu.dma_semaphore, #tpu.memory_space<semaphore_mem>>)
    %dma_wait3A = arith.constant 0 : i32
    %dma_wait3A_46 = arith.constant 0 : i32
    %dma_wait3A_47 = tpu.memref_slice %arg6[%dma_wait3A, %dma_wait3A_46] : memref<2x64xi32, #tpu.memory_space<vmem>> -> memref<1x64xi32, #tpu.memory_space<vmem>>
    %dma_wait3A_48 = tpu.memref_squeeze %dma_wait3A_47 : memref<1x64xi32, #tpu.memory_space<vmem>> -> memref<64xi32, #tpu.memory_space<vmem>>
    %dma_wait3A_49 = tpu.memref_slice %arg3[%add3A_4] : memref<4096xi32, #tpu.memory_space<hbm>> -> memref<64xi32, #tpu.memory_space<hbm>>
    %dma_wait3A_50 = arith.constant 0 : i32
    %dma_wait3A_51 = tpu.memref_slice %arg6[%dma_wait3A, %dma_wait3A_50] : memref<2x64xi32, #tpu.memory_space<vmem>> -> memref<1x64xi32, #tpu.memory_space<vmem>>
    %dma_wait3A_52 = tpu.memref_squeeze %dma_wait3A_51 : memref<1x64xi32, #tpu.memory_space<vmem>> -> memref<64xi32, #tpu.memory_space<vmem>>
    %dma_wait3A_53 = tpu.memref_slice %arg3[%add3A_4] : memref<4096xi32, #tpu.memory_space<hbm>> -> memref<64xi32, #tpu.memory_space<hbm>>
    tpu.wait_dma2 semaphore(%arg9 : memref<!tpu.dma_semaphore, #tpu.memory_space<semaphore_mem>>) src(%dma_wait3A_53 : memref<64xi32, #tpu.memory_space<hbm>>) dst(%dma_wait3A_52 : memref<64xi32, #tpu.memory_space<vmem>>)
    %dma_wait3A_54 = arith.constant 0 : i32
    %dma_wait3A_55 = arith.constant 0 : i32
    %dma_wait3A_56 = tpu.memref_slice %arg7[%dma_wait3A_54, %dma_wait3A_55] : memref<2x64xi32, #tpu.memory_space<vmem>> -> memref<1x64xi32, #tpu.memory_space<vmem>>
    %dma_wait3A_57 = tpu.memref_squeeze %dma_wait3A_56 : memref<1x64xi32, #tpu.memory_space<vmem>> -> memref<64xi32, #tpu.memory_space<vmem>>
    %dma_wait3A_58 = tpu.memref_slice %arg4[%add3A_14] : memref<4096xi32, #tpu.memory_space<hbm>> -> memref<64xi32, #tpu.memory_space<hbm>>
    %dma_wait3A_59 = arith.constant 0 : i32
    %dma_wait3A_60 = tpu.memref_slice %arg7[%dma_wait3A_54, %dma_wait3A_59] : memref<2x64xi32, #tpu.memory_space<vmem>> -> memref<1x64xi32, #tpu.memory_space<vmem>>
    %dma_wait3A_61 = tpu.memref_squeeze %dma_wait3A_60 : memref<1x64xi32, #tpu.memory_space<vmem>> -> memref<64xi32, #tpu.memory_space<vmem>>
    %dma_wait3A_62 = tpu.memref_slice %arg4[%add3A_14] : memref<4096xi32, #tpu.memory_space<hbm>> -> memref<64xi32, #tpu.memory_space<hbm>>
    tpu.wait_dma2 semaphore(%arg9 : memref<!tpu.dma_semaphore, #tpu.memory_space<semaphore_mem>>) src(%dma_wait3A_62 : memref<64xi32, #tpu.memory_space<hbm>>) dst(%dma_wait3A_61 : memref<64xi32, #tpu.memory_space<vmem>>)
    %dma_wait3A_63 = arith.constant 1 : i32
    %dma_wait3A_64 = arith.constant 0 : i32
    %dma_wait3A_65 = tpu.memref_slice %arg6[%dma_wait3A_63, %dma_wait3A_64] : memref<2x64xi32, #tpu.memory_space<vmem>> -> memref<1x64xi32, #tpu.memory_space<vmem>>
    %dma_wait3A_66 = tpu.memref_squeeze %dma_wait3A_65 : memref<1x64xi32, #tpu.memory_space<vmem>> -> memref<64xi32, #tpu.memory_space<vmem>>
    %dma_wait3A_67 = tpu.memref_slice %arg3[%add3A_25] : memref<4096xi32, #tpu.memory_space<hbm>> -> memref<64xi32, #tpu.memory_space<hbm>>
    %dma_wait3A_68 = arith.constant 0 : i32
    %dma_wait3A_69 = tpu.memref_slice %arg6[%dma_wait3A_63, %dma_wait3A_68] : memref<2x64xi32, #tpu.memory_space<vmem>> -> memref<1x64xi32, #tpu.memory_space<vmem>>
    %dma_wait3A_70 = tpu.memref_squeeze %dma_wait3A_69 : memref<1x64xi32, #tpu.memory_space<vmem>> -> memref<64xi32, #tpu.memory_space<vmem>>
    %dma_wait3A_71 = tpu.memref_slice %arg3[%add3A_25] : memref<4096xi32, #tpu.memory_space<hbm>> -> memref<64xi32, #tpu.memory_space<hbm>>
    tpu.wait_dma2 semaphore(%arg9 : memref<!tpu.dma_semaphore, #tpu.memory_space<semaphore_mem>>) src(%dma_wait3A_71 : memref<64xi32, #tpu.memory_space<hbm>>) dst(%dma_wait3A_70 : memref<64xi32, #tpu.memory_space<vmem>>)
    %dma_wait3A_72 = arith.constant 1 : i32
    %dma_wait3A_73 = arith.constant 0 : i32
    %dma_wait3A_74 = tpu.memref_slice %arg7[%dma_wait3A_72, %dma_wait3A_73] : memref<2x64xi32, #tpu.memory_space<vmem>> -> memref<1x64xi32, #tpu.memory_space<vmem>>
    %dma_wait3A_75 = tpu.memref_squeeze %dma_wait3A_74 : memref<1x64xi32, #tpu.memory_space<vmem>> -> memref<64xi32, #tpu.memory_space<vmem>>
    %dma_wait3A_76 = tpu.memref_slice %arg4[%add3A_36] : memref<4096xi32, #tpu.memory_space<hbm>> -> memref<64xi32, #tpu.memory_space<hbm>>
    %dma_wait3A_77 = arith.constant 0 : i32
    %dma_wait3A_78 = tpu.memref_slice %arg7[%dma_wait3A_72, %dma_wait3A_77] : memref<2x64xi32, #tpu.memory_space<vmem>> -> memref<1x64xi32, #tpu.memory_space<vmem>>
    %dma_wait3A_79 = tpu.memref_squeeze %dma_wait3A_78 : memref<1x64xi32, #tpu.memory_space<vmem>> -> memref<64xi32, #tpu.memory_space<vmem>>
    %dma_wait3A_80 = tpu.memref_slice %arg4[%add3A_36] : memref<4096xi32, #tpu.memory_space<hbm>> -> memref<64xi32, #tpu.memory_space<hbm>>
    tpu.wait_dma2 semaphore(%arg9 : memref<!tpu.dma_semaphore, #tpu.memory_space<semaphore_mem>>) src(%dma_wait3A_80 : memref<64xi32, #tpu.memory_space<hbm>>) dst(%dma_wait3A_79 : memref<64xi32, #tpu.memory_space<vmem>>)
    %dma_start3A_81 = arith.constant 0 : i32
    %dma_start3A_82 = arith.constant 0 : i32
    %dma_start3A_83 = arith.constant 0 : i32
    %dma_start3A_84 = arith.constant 0 : i32
    %dma_start3A_85 = tpu.memref_slice %arg8[%dma_start3A_82, %dma_start3A_83, %dma_start3A_84] : memref<2x64x768xf32, #tpu.memory_space<vmem>> -> memref<1x64x768xf32, #tpu.memory_space<vmem>>
    %dma_start3A_86 = tpu.memref_squeeze %dma_start3A_85 : memref<1x64x768xf32, #tpu.memory_space<vmem>> -> memref<64x768xf32, #tpu.memory_space<vmem>>
    %dma_start3A_87 = arith.constant 0 : i32
    %dma_start3A_88 = tpu.memref_slice %arg6[%dma_start3A_81, %dma_start3A_87] : memref<2x64xi32, #tpu.memory_space<vmem>> -> memref<1x64xi32, #tpu.memory_space<vmem>>
    %dma_start3A_89 = tpu.memref_squeeze %dma_start3A_88 : memref<1x64xi32, #tpu.memory_space<vmem>> -> memref<64xi32, #tpu.memory_space<vmem>>
    %dma_start3A_90 = arith.constant 0 : i32
    %dma_start3A_91 = arith.constant 0 : i32
    %dma_start3A_92 = tpu.memref_slice %arg2[%dma_start3A_90, %dma_start3A_91] : memref<2048x768xf32, #tpu.memory_space<hbm>> -> memref<2048x768xf32, #tpu.memory_space<hbm>>
    tpu.enqueue_indirect_dma source(%dma_start3A_92 : memref<2048x768xf32, #tpu.memory_space<hbm>>) target(%dma_start3A_86 : memref<64x768xf32, #tpu.memory_space<vmem>>) offsets(%dma_start3A_89 : memref<64xi32, #tpu.memory_space<vmem>>) semaphore(%arg10 : memref<!tpu.dma_semaphore, #tpu.memory_space<semaphore_mem>>)
    %dma_start3A_93 = arith.constant 1 : i32
    %dma_start3A_94 = arith.constant 1 : i32
    %dma_start3A_95 = arith.constant 0 : i32
    %dma_start3A_96 = arith.constant 0 : i32
    %dma_start3A_97 = tpu.memref_slice %arg8[%dma_start3A_94, %dma_start3A_95, %dma_start3A_96] : memref<2x64x768xf32, #tpu.memory_space<vmem>> -> memref<1x64x768xf32, #tpu.memory_space<vmem>>
    %dma_start3A_98 = tpu.memref_squeeze %dma_start3A_97 : memref<1x64x768xf32, #tpu.memory_space<vmem>> -> memref<64x768xf32, #tpu.memory_space<vmem>>
    %dma_start3A_99 = arith.constant 0 : i32
    %dma_start3A_100 = tpu.memref_slice %arg6[%dma_start3A_93, %dma_start3A_99] : memref<2x64xi32, #tpu.memory_space<vmem>> -> memref<1x64xi32, #tpu.memory_space<vmem>>
    %dma_start3A_101 = tpu.memref_squeeze %dma_start3A_100 : memref<1x64xi32, #tpu.memory_space<vmem>> -> memref<64xi32, #tpu.memory_space<vmem>>
    %dma_start3A_102 = arith.constant 0 : i32
    %dma_start3A_103 = arith.constant 0 : i32
    %dma_start3A_104 = tpu.memref_slice %arg2[%dma_start3A_102, %dma_start3A_103] : memref<2048x768xf32, #tpu.memory_space<hbm>> -> memref<2048x768xf32, #tpu.memory_space<hbm>>
    tpu.enqueue_indirect_dma source(%dma_start3A_104 : memref<2048x768xf32, #tpu.memory_space<hbm>>) target(%dma_start3A_98 : memref<64x768xf32, #tpu.memory_space<vmem>>) offsets(%dma_start3A_101 : memref<64xi32, #tpu.memory_space<vmem>>) semaphore(%arg10 : memref<!tpu.dma_semaphore, #tpu.memory_space<semaphore_mem>>)
    %dma_wait3A_105 = arith.constant 0 : i32
    %dma_wait3A_106 = arith.constant 0 : i32
    %dma_wait3A_107 = arith.constant 0 : i32
    %dma_wait3A_108 = arith.constant 0 : i32
    %dma_wait3A_109 = tpu.memref_slice %arg8[%dma_wait3A_106, %dma_wait3A_107, %dma_wait3A_108] : memref<2x64x768xf32, #tpu.memory_space<vmem>> -> memref<1x64x768xf32, #tpu.memory_space<vmem>>
    %dma_wait3A_110 = tpu.memref_squeeze %dma_wait3A_109 : memref<1x64x768xf32, #tpu.memory_space<vmem>> -> memref<64x768xf32, #tpu.memory_space<vmem>>
    %dma_wait3A_111 = arith.constant 0 : i32
    %dma_wait3A_112 = tpu.memref_slice %arg6[%dma_wait3A_105, %dma_wait3A_111] : memref<2x64xi32, #tpu.memory_space<vmem>> -> memref<1x64xi32, #tpu.memory_space<vmem>>
    %dma_wait3A_113 = tpu.memref_squeeze %dma_wait3A_112 : memref<1x64xi32, #tpu.memory_space<vmem>> -> memref<64xi32, #tpu.memory_space<vmem>>
    %dma_wait3A_114 = arith.constant 0 : i32
    %dma_wait3A_115 = arith.constant 0 : i32
    %dma_wait3A_116 = tpu.memref_slice %arg2[%dma_wait3A_114, %dma_wait3A_115] : memref<2048x768xf32, #tpu.memory_space<hbm>> -> memref<2048x768xf32, #tpu.memory_space<hbm>>
    tpu.wait_indirect_dma semaphore(%arg10 : memref<!tpu.dma_semaphore, #tpu.memory_space<semaphore_mem>>) src(%dma_wait3A_116 : memref<2048x768xf32, #tpu.memory_space<hbm>>) dst(%dma_wait3A_110 : memref<64x768xf32, #tpu.memory_space<vmem>>)
    %dma_start3A_117 = arith.constant 0 : i32
    %dma_start3A_118 = arith.constant 0 : i32
    %dma_start3A_119 = arith.constant 0 : i32
    %dma_start3A_120 = arith.constant 0 : i32
    %dma_start3A_121 = tpu.memref_slice %arg8[%dma_start3A_117, %dma_start3A_119, %dma_start3A_120] : memref<2x64x768xf32, #tpu.memory_space<vmem>> -> memref<1x64x768xf32, #tpu.memory_space<vmem>>
    %dma_start3A_122 = tpu.memref_squeeze %dma_start3A_121 : memref<1x64x768xf32, #tpu.memory_space<vmem>> -> memref<64x768xf32, #tpu.memory_space<vmem>>
    %dma_start3A_123 = arith.constant 0 : i32
    %dma_start3A_124 = tpu.memref_slice %arg7[%dma_start3A_118, %dma_start3A_123] : memref<2x64xi32, #tpu.memory_space<vmem>> -> memref<1x64xi32, #tpu.memory_space<vmem>>
    %dma_start3A_125 = tpu.memref_squeeze %dma_start3A_124 : memref<1x64xi32, #tpu.memory_space<vmem>> -> memref<64xi32, #tpu.memory_space<vmem>>
    %dma_start3A_126 = arith.constant 0 : i32
    %dma_start3A_127 = arith.constant 0 : i32
    %dma_start3A_128 = tpu.memref_slice %arg5[%dma_start3A_126, %dma_start3A_127] : memref<5120x768xf32, #tpu.memory_space<hbm>> -> memref<5120x768xf32, #tpu.memory_space<hbm>>
    tpu.enqueue_indirect_dma source(%dma_start3A_122 : memref<64x768xf32, #tpu.memory_space<vmem>>) target(%dma_start3A_128 : memref<5120x768xf32, #tpu.memory_space<hbm>>) offsets(%dma_start3A_125 : memref<64xi32, #tpu.memory_space<vmem>>) semaphore(%arg11 : memref<!tpu.dma_semaphore, #tpu.memory_space<semaphore_mem>>)
    %dma_wait3A_129 = arith.constant 1 : i32
    %dma_wait3A_130 = arith.constant 1 : i32
    %dma_wait3A_131 = arith.constant 0 : i32
    %dma_wait3A_132 = arith.constant 0 : i32
    %dma_wait3A_133 = tpu.memref_slice %arg8[%dma_wait3A_130, %dma_wait3A_131, %dma_wait3A_132] : memref<2x64x768xf32, #tpu.memory_space<vmem>> -> memref<1x64x768xf32, #tpu.memory_space<vmem>>
    %dma_wait3A_134 = tpu.memref_squeeze %dma_wait3A_133 : memref<1x64x768xf32, #tpu.memory_space<vmem>> -> memref<64x768xf32, #tpu.memory_space<vmem>>
    %dma_wait3A_135 = arith.constant 0 : i32
    %dma_wait3A_136 = tpu.memref_slice %arg6[%dma_wait3A_129, %dma_wait3A_135] : memref<2x64xi32, #tpu.memory_space<vmem>> -> memref<1x64xi32, #tpu.memory_space<vmem>>
    %dma_wait3A_137 = tpu.memref_squeeze %dma_wait3A_136 : memref<1x64xi32, #tpu.memory_space<vmem>> -> memref<64xi32, #tpu.memory_space<vmem>>
    %dma_wait3A_138 = arith.constant 0 : i32
    %dma_wait3A_139 = arith.constant 0 : i32
    %dma_wait3A_140 = tpu.memref_slice %arg2[%dma_wait3A_138, %dma_wait3A_139] : memref<2048x768xf32, #tpu.memory_space<hbm>> -> memref<2048x768xf32, #tpu.memory_space<hbm>>
    tpu.wait_indirect_dma semaphore(%arg10 : memref<!tpu.dma_semaphore, #tpu.memory_space<semaphore_mem>>) src(%dma_wait3A_140 : memref<2048x768xf32, #tpu.memory_space<hbm>>) dst(%dma_wait3A_134 : memref<64x768xf32, #tpu.memory_space<vmem>>)
    %dma_start3A_141 = arith.constant 1 : i32
    %dma_start3A_142 = arith.constant 1 : i32
    %dma_start3A_143 = arith.constant 0 : i32
    %dma_start3A_144 = arith.constant 0 : i32
    %dma_start3A_145 = tpu.memref_slice %arg8[%dma_start3A_141, %dma_start3A_143, %dma_start3A_144] : memref<2x64x768xf32, #tpu.memory_space<vmem>> -> memref<1x64x768xf32, #tpu.memory_space<vmem>>
    %dma_start3A_146 = tpu.memref_squeeze %dma_start3A_145 : memref<1x64x768xf32, #tpu.memory_space<vmem>> -> memref<64x768xf32, #tpu.memory_space<vmem>>
    %dma_start3A_147 = arith.constant 0 : i32
    %dma_start3A_148 = tpu.memref_slice %arg7[%dma_start3A_142, %dma_start3A_147] : memref<2x64xi32, #tpu.memory_space<vmem>> -> memref<1x64xi32, #tpu.memory_space<vmem>>
    %dma_start3A_149 = tpu.memref_squeeze %dma_start3A_148 : memref<1x64xi32, #tpu.memory_space<vmem>> -> memref<64xi32, #tpu.memory_space<vmem>>
    %dma_start3A_150 = arith.constant 0 : i32
    %dma_start3A_151 = arith.constant 0 : i32
    %dma_start3A_152 = tpu.memref_slice %arg5[%dma_start3A_150, %dma_start3A_151] : memref<5120x768xf32, #tpu.memory_space<hbm>> -> memref<5120x768xf32, #tpu.memory_space<hbm>>
    tpu.enqueue_indirect_dma source(%dma_start3A_146 : memref<64x768xf32, #tpu.memory_space<vmem>>) target(%dma_start3A_152 : memref<5120x768xf32, #tpu.memory_space<hbm>>) offsets(%dma_start3A_149 : memref<64xi32, #tpu.memory_space<vmem>>) semaphore(%arg11 : memref<!tpu.dma_semaphore, #tpu.memory_space<semaphore_mem>>)
    %dma_wait3A_153 = arith.constant 0 : i32
    %dma_wait3A_154 = arith.constant 0 : i32
    %dma_wait3A_155 = arith.constant 0 : i32
    %dma_wait3A_156 = arith.constant 0 : i32
    %dma_wait3A_157 = tpu.memref_slice %arg8[%dma_wait3A_153, %dma_wait3A_155, %dma_wait3A_156] : memref<2x64x768xf32, #tpu.memory_space<vmem>> -> memref<1x64x768xf32, #tpu.memory_space<vmem>>
    %dma_wait3A_158 = tpu.memref_squeeze %dma_wait3A_157 : memref<1x64x768xf32, #tpu.memory_space<vmem>> -> memref<64x768xf32, #tpu.memory_space<vmem>>
    %dma_wait3A_159 = arith.constant 0 : i32
    %dma_wait3A_160 = tpu.memref_slice %arg7[%dma_wait3A_154, %dma_wait3A_159] : memref<2x64xi32, #tpu.memory_space<vmem>> -> memref<1x64xi32, #tpu.memory_space<vmem>>
    %dma_wait3A_161 = tpu.memref_squeeze %dma_wait3A_160 : memref<1x64xi32, #tpu.memory_space<vmem>> -> memref<64xi32, #tpu.memory_space<vmem>>
    %dma_wait3A_162 = arith.constant 0 : i32
    %dma_wait3A_163 = arith.constant 0 : i32
    %dma_wait3A_164 = tpu.memref_slice %arg5[%dma_wait3A_162, %dma_wait3A_163] : memref<5120x768xf32, #tpu.memory_space<hbm>> -> memref<5120x768xf32, #tpu.memory_space<hbm>>
    tpu.wait_indirect_dma semaphore(%arg11 : memref<!tpu.dma_semaphore, #tpu.memory_space<semaphore_mem>>) src(%dma_wait3A_158 : memref<64x768xf32, #tpu.memory_space<vmem>>) dst(%dma_wait3A_164 : memref<5120x768xf32, #tpu.memory_space<hbm>>)
    %dma_wait3A_165 = arith.constant 1 : i32
    %dma_wait3A_166 = arith.constant 1 : i32
    %dma_wait3A_167 = arith.constant 0 : i32
    %dma_wait3A_168 = arith.constant 0 : i32
    %dma_wait3A_169 = tpu.memref_slice %arg8[%dma_wait3A_165, %dma_wait3A_167, %dma_wait3A_168] : memref<2x64x768xf32, #tpu.memory_space<vmem>> -> memref<1x64x768xf32, #tpu.memory_space<vmem>>
    %dma_wait3A_170 = tpu.memref_squeeze %dma_wait3A_169 : memref<1x64x768xf32, #tpu.memory_space<vmem>> -> memref<64x768xf32, #tpu.memory_space<vmem>>
    %dma_wait3A_171 = arith.constant 0 : i32
    %dma_wait3A_172 = tpu.memref_slice %arg7[%dma_wait3A_166, %dma_wait3A_171] : memref<2x64xi32, #tpu.memory_space<vmem>> -> memref<1x64xi32, #tpu.memory_space<vmem>>
    %dma_wait3A_173 = tpu.memref_squeeze %dma_wait3A_172 : memref<1x64xi32, #tpu.memory_space<vmem>> -> memref<64xi32, #tpu.memory_space<vmem>>
    %dma_wait3A_174 = arith.constant 0 : i32
    %dma_wait3A_175 = arith.constant 0 : i32
    %dma_wait3A_176 = tpu.memref_slice %arg5[%dma_wait3A_174, %dma_wait3A_175] : memref<5120x768xf32, #tpu.memory_space<hbm>> -> memref<5120x768xf32, #tpu.memory_space<hbm>>
    tpu.wait_indirect_dma semaphore(%arg11 : memref<!tpu.dma_semaphore, #tpu.memory_space<semaphore_mem>>) src(%dma_wait3A_170 : memref<64x768xf32, #tpu.memory_space<vmem>>) dst(%dma_wait3A_176 : memref<5120x768xf32, #tpu.memory_space<hbm>>)
    return
  }
}

#map = affine_map<(d0, d1) -> (0, 0)>
#map1 = affine_map<(d0, d1) -> (0)>
module attributes {stable_mosaic.version = 14 : i64} {
  func.func @_combine_body(%arg0: i32, %arg1: i32, %arg2: memref<5120x768xf32, #tpu.memory_space<hbm>>, %arg3: memref<2048x768xf32, #tpu.memory_space<hbm>>, %arg4: memref<4096xi32, #tpu.memory_space<hbm>>, %arg5: memref<2048x16xf32, #tpu.memory_space<hbm>>, %arg6: memref<2048x16xf32, #tpu.memory_space<hbm>>, %arg7: memref<2048x768xf32, #tpu.memory_space<hbm>>, %arg8: memref<4x32xi32, #tpu.memory_space<vmem>>, %arg9: memref<4x16x16xf32, #tpu.memory_space<vmem>>, %arg10: memref<4x16x16xf32, #tpu.memory_space<vmem>>, %arg11: memref<4x16x768xf32, #tpu.memory_space<vmem>>, %arg12: memref<2x32x768xf32, #tpu.memory_space<vmem>>, %arg13: memref<!tpu.dma_semaphore, #tpu.memory_space<semaphore_mem>>, %arg14: memref<!tpu.dma_semaphore, #tpu.memory_space<semaphore_mem>>, %arg15: memref<!tpu.dma_semaphore, #tpu.memory_space<semaphore_mem>>) attributes {dimension_semantics = [#tpu.dimension_semantics<core_parallel>, #tpu.dimension_semantics<subcore_parallel>], iteration_bounds = array<i64: 2, 16>, scalar_prefetch = 0 : i64, scratch_operands = 8 : i64, tpu.core_type = #tpu.core_type<sc_vector_subcore>, window_params = [{transform_indices = #map}, {transform_indices = #map}, {transform_indices = #map1}, {transform_indices = #map}, {transform_indices = #map}, {transform_indices = #map}]} {
    %mul3A = arith.constant 2 : i32
    %mul3A_0 = arith.muli %arg1, %mul3A : i32
    %add3A = arith.addi %mul3A_0, %arg0 : i32
    %mul3A_1 = arith.constant 64 : i32
    %mul3A_2 = arith.muli %add3A, %mul3A_1 : i32
    %add3A_3 = arith.constant 0 : i32
    %add3A_4 = arith.addi %mul3A_2, %add3A_3 : i32
    %mul3A_5 = arith.constant 2 : i32
    %mul3A_6 = arith.muli %add3A_4, %mul3A_5 : i32
    %dma_start3A = arith.constant 0 : i32
    %dma_start3A_7 = arith.constant 0 : i32
    %dma_start3A_8 = tpu.memref_slice %arg8[%dma_start3A, %dma_start3A_7] : memref<4x32xi32, #tpu.memory_space<vmem>> -> memref<1x32xi32, #tpu.memory_space<vmem>>
    %dma_start3A_9 = tpu.memref_squeeze %dma_start3A_8 : memref<1x32xi32, #tpu.memory_space<vmem>> -> memref<32xi32, #tpu.memory_space<vmem>>
    %dma_start3A_10 = tpu.memref_slice %arg4[%mul3A_6] : memref<4096xi32, #tpu.memory_space<hbm>> -> memref<32xi32, #tpu.memory_space<hbm>>
    %dma_start3A_11 = arith.constant 0 : i32
    %dma_start3A_12 = tpu.memref_slice %arg8[%dma_start3A, %dma_start3A_11] : memref<4x32xi32, #tpu.memory_space<vmem>> -> memref<1x32xi32, #tpu.memory_space<vmem>>
    %dma_start3A_13 = tpu.memref_squeeze %dma_start3A_12 : memref<1x32xi32, #tpu.memory_space<vmem>> -> memref<32xi32, #tpu.memory_space<vmem>>
    %dma_start3A_14 = tpu.memref_slice %arg4[%mul3A_6] : memref<4096xi32, #tpu.memory_space<hbm>> -> memref<32xi32, #tpu.memory_space<hbm>>
    tpu.enqueue_dma source(%dma_start3A_14 : memref<32xi32, #tpu.memory_space<hbm>>) target(%dma_start3A_13 : memref<32xi32, #tpu.memory_space<vmem>>) target_semaphore(%arg13 : memref<!tpu.dma_semaphore, #tpu.memory_space<semaphore_mem>>)
    %dma_start3A_15 = arith.constant 0 : i32
    %dma_start3A_16 = arith.constant 0 : i32
    %dma_start3A_17 = arith.constant 0 : i32
    %dma_start3A_18 = tpu.memref_slice %arg9[%dma_start3A_15, %dma_start3A_16, %dma_start3A_17] : memref<4x16x16xf32, #tpu.memory_space<vmem>> -> memref<1x16x16xf32, #tpu.memory_space<vmem>>
    %dma_start3A_19 = tpu.memref_squeeze %dma_start3A_18 : memref<1x16x16xf32, #tpu.memory_space<vmem>> -> memref<16x16xf32, #tpu.memory_space<vmem>>
    %dma_start3A_20 = arith.constant 0 : i32
    %dma_start3A_21 = tpu.memref_slice %arg5[%add3A_4, %dma_start3A_20] : memref<2048x16xf32, #tpu.memory_space<hbm>> -> memref<16x16xf32, #tpu.memory_space<hbm>>
    %dma_start3A_22 = arith.constant 0 : i32
    %dma_start3A_23 = arith.constant 0 : i32
    %dma_start3A_24 = tpu.memref_slice %arg9[%dma_start3A_15, %dma_start3A_22, %dma_start3A_23] : memref<4x16x16xf32, #tpu.memory_space<vmem>> -> memref<1x16x16xf32, #tpu.memory_space<vmem>>
    %dma_start3A_25 = tpu.memref_squeeze %dma_start3A_24 : memref<1x16x16xf32, #tpu.memory_space<vmem>> -> memref<16x16xf32, #tpu.memory_space<vmem>>
    %dma_start3A_26 = arith.constant 0 : i32
    %dma_start3A_27 = tpu.memref_slice %arg5[%add3A_4, %dma_start3A_26] : memref<2048x16xf32, #tpu.memory_space<hbm>> -> memref<16x16xf32, #tpu.memory_space<hbm>>
    tpu.enqueue_dma source(%dma_start3A_27 : memref<16x16xf32, #tpu.memory_space<hbm>>) target(%dma_start3A_25 : memref<16x16xf32, #tpu.memory_space<vmem>>) target_semaphore(%arg13 : memref<!tpu.dma_semaphore, #tpu.memory_space<semaphore_mem>>)
    %dma_start3A_28 = arith.constant 0 : i32
    %dma_start3A_29 = arith.constant 0 : i32
    %dma_start3A_30 = arith.constant 0 : i32
    %dma_start3A_31 = tpu.memref_slice %arg10[%dma_start3A_28, %dma_start3A_29, %dma_start3A_30] : memref<4x16x16xf32, #tpu.memory_space<vmem>> -> memref<1x16x16xf32, #tpu.memory_space<vmem>>
    %dma_start3A_32 = tpu.memref_squeeze %dma_start3A_31 : memref<1x16x16xf32, #tpu.memory_space<vmem>> -> memref<16x16xf32, #tpu.memory_space<vmem>>
    %dma_start3A_33 = arith.constant 0 : i32
    %dma_start3A_34 = tpu.memref_slice %arg6[%add3A_4, %dma_start3A_33] : memref<2048x16xf32, #tpu.memory_space<hbm>> -> memref<16x16xf32, #tpu.memory_space<hbm>>
    %dma_start3A_35 = arith.constant 0 : i32
    %dma_start3A_36 = arith.constant 0 : i32
    %dma_start3A_37 = tpu.memref_slice %arg10[%dma_start3A_28, %dma_start3A_35, %dma_start3A_36] : memref<4x16x16xf32, #tpu.memory_space<vmem>> -> memref<1x16x16xf32, #tpu.memory_space<vmem>>
    %dma_start3A_38 = tpu.memref_squeeze %dma_start3A_37 : memref<1x16x16xf32, #tpu.memory_space<vmem>> -> memref<16x16xf32, #tpu.memory_space<vmem>>
    %dma_start3A_39 = arith.constant 0 : i32
    %dma_start3A_40 = tpu.memref_slice %arg6[%add3A_4, %dma_start3A_39] : memref<2048x16xf32, #tpu.memory_space<hbm>> -> memref<16x16xf32, #tpu.memory_space<hbm>>
    tpu.enqueue_dma source(%dma_start3A_40 : memref<16x16xf32, #tpu.memory_space<hbm>>) target(%dma_start3A_38 : memref<16x16xf32, #tpu.memory_space<vmem>>) target_semaphore(%arg13 : memref<!tpu.dma_semaphore, #tpu.memory_space<semaphore_mem>>)
    %dma_start3A_41 = arith.constant 0 : i32
    %dma_start3A_42 = arith.constant 0 : i32
    %dma_start3A_43 = arith.constant 0 : i32
    %dma_start3A_44 = tpu.memref_slice %arg11[%dma_start3A_41, %dma_start3A_42, %dma_start3A_43] : memref<4x16x768xf32, #tpu.memory_space<vmem>> -> memref<1x16x768xf32, #tpu.memory_space<vmem>>
    %dma_start3A_45 = tpu.memref_squeeze %dma_start3A_44 : memref<1x16x768xf32, #tpu.memory_space<vmem>> -> memref<16x768xf32, #tpu.memory_space<vmem>>
    %dma_start3A_46 = arith.constant 0 : i32
    %dma_start3A_47 = tpu.memref_slice %arg3[%add3A_4, %dma_start3A_46] : memref<2048x768xf32, #tpu.memory_space<hbm>> -> memref<16x768xf32, #tpu.memory_space<hbm>>
    %dma_start3A_48 = arith.constant 0 : i32
    %dma_start3A_49 = arith.constant 0 : i32
    %dma_start3A_50 = tpu.memref_slice %arg11[%dma_start3A_41, %dma_start3A_48, %dma_start3A_49] : memref<4x16x768xf32, #tpu.memory_space<vmem>> -> memref<1x16x768xf32, #tpu.memory_space<vmem>>
    %dma_start3A_51 = tpu.memref_squeeze %dma_start3A_50 : memref<1x16x768xf32, #tpu.memory_space<vmem>> -> memref<16x768xf32, #tpu.memory_space<vmem>>
    %dma_start3A_52 = arith.constant 0 : i32
    %dma_start3A_53 = tpu.memref_slice %arg3[%add3A_4, %dma_start3A_52] : memref<2048x768xf32, #tpu.memory_space<hbm>> -> memref<16x768xf32, #tpu.memory_space<hbm>>
    tpu.enqueue_dma source(%dma_start3A_53 : memref<16x768xf32, #tpu.memory_space<hbm>>) target(%dma_start3A_51 : memref<16x768xf32, #tpu.memory_space<vmem>>) target_semaphore(%arg13 : memref<!tpu.dma_semaphore, #tpu.memory_space<semaphore_mem>>)
    %add3A_54 = arith.constant 16 : i32
    %add3A_55 = arith.addi %mul3A_2, %add3A_54 : i32
    %mul3A_56 = arith.constant 2 : i32
    %mul3A_57 = arith.muli %add3A_55, %mul3A_56 : i32
    %dma_start3A_58 = arith.constant 1 : i32
    %dma_start3A_59 = arith.constant 0 : i32
    %dma_start3A_60 = tpu.memref_slice %arg8[%dma_start3A_58, %dma_start3A_59] : memref<4x32xi32, #tpu.memory_space<vmem>> -> memref<1x32xi32, #tpu.memory_space<vmem>>
    %dma_start3A_61 = tpu.memref_squeeze %dma_start3A_60 : memref<1x32xi32, #tpu.memory_space<vmem>> -> memref<32xi32, #tpu.memory_space<vmem>>
    %dma_start3A_62 = tpu.memref_slice %arg4[%mul3A_57] : memref<4096xi32, #tpu.memory_space<hbm>> -> memref<32xi32, #tpu.memory_space<hbm>>
    %dma_start3A_63 = arith.constant 0 : i32
    %dma_start3A_64 = tpu.memref_slice %arg8[%dma_start3A_58, %dma_start3A_63] : memref<4x32xi32, #tpu.memory_space<vmem>> -> memref<1x32xi32, #tpu.memory_space<vmem>>
    %dma_start3A_65 = tpu.memref_squeeze %dma_start3A_64 : memref<1x32xi32, #tpu.memory_space<vmem>> -> memref<32xi32, #tpu.memory_space<vmem>>
    %dma_start3A_66 = tpu.memref_slice %arg4[%mul3A_57] : memref<4096xi32, #tpu.memory_space<hbm>> -> memref<32xi32, #tpu.memory_space<hbm>>
    tpu.enqueue_dma source(%dma_start3A_66 : memref<32xi32, #tpu.memory_space<hbm>>) target(%dma_start3A_65 : memref<32xi32, #tpu.memory_space<vmem>>) target_semaphore(%arg13 : memref<!tpu.dma_semaphore, #tpu.memory_space<semaphore_mem>>)
    %dma_start3A_67 = arith.constant 1 : i32
    %dma_start3A_68 = arith.constant 0 : i32
    %dma_start3A_69 = arith.constant 0 : i32
    %dma_start3A_70 = tpu.memref_slice %arg9[%dma_start3A_67, %dma_start3A_68, %dma_start3A_69] : memref<4x16x16xf32, #tpu.memory_space<vmem>> -> memref<1x16x16xf32, #tpu.memory_space<vmem>>
    %dma_start3A_71 = tpu.memref_squeeze %dma_start3A_70 : memref<1x16x16xf32, #tpu.memory_space<vmem>> -> memref<16x16xf32, #tpu.memory_space<vmem>>
    %dma_start3A_72 = arith.constant 0 : i32
    %dma_start3A_73 = tpu.memref_slice %arg5[%add3A_55, %dma_start3A_72] : memref<2048x16xf32, #tpu.memory_space<hbm>> -> memref<16x16xf32, #tpu.memory_space<hbm>>
    %dma_start3A_74 = arith.constant 0 : i32
    %dma_start3A_75 = arith.constant 0 : i32
    %dma_start3A_76 = tpu.memref_slice %arg9[%dma_start3A_67, %dma_start3A_74, %dma_start3A_75] : memref<4x16x16xf32, #tpu.memory_space<vmem>> -> memref<1x16x16xf32, #tpu.memory_space<vmem>>
    %dma_start3A_77 = tpu.memref_squeeze %dma_start3A_76 : memref<1x16x16xf32, #tpu.memory_space<vmem>> -> memref<16x16xf32, #tpu.memory_space<vmem>>
    %dma_start3A_78 = arith.constant 0 : i32
    %dma_start3A_79 = tpu.memref_slice %arg5[%add3A_55, %dma_start3A_78] : memref<2048x16xf32, #tpu.memory_space<hbm>> -> memref<16x16xf32, #tpu.memory_space<hbm>>
    tpu.enqueue_dma source(%dma_start3A_79 : memref<16x16xf32, #tpu.memory_space<hbm>>) target(%dma_start3A_77 : memref<16x16xf32, #tpu.memory_space<vmem>>) target_semaphore(%arg13 : memref<!tpu.dma_semaphore, #tpu.memory_space<semaphore_mem>>)
    %dma_start3A_80 = arith.constant 1 : i32
    %dma_start3A_81 = arith.constant 0 : i32
    %dma_start3A_82 = arith.constant 0 : i32
    %dma_start3A_83 = tpu.memref_slice %arg10[%dma_start3A_80, %dma_start3A_81, %dma_start3A_82] : memref<4x16x16xf32, #tpu.memory_space<vmem>> -> memref<1x16x16xf32, #tpu.memory_space<vmem>>
    %dma_start3A_84 = tpu.memref_squeeze %dma_start3A_83 : memref<1x16x16xf32, #tpu.memory_space<vmem>> -> memref<16x16xf32, #tpu.memory_space<vmem>>
    %dma_start3A_85 = arith.constant 0 : i32
    %dma_start3A_86 = tpu.memref_slice %arg6[%add3A_55, %dma_start3A_85] : memref<2048x16xf32, #tpu.memory_space<hbm>> -> memref<16x16xf32, #tpu.memory_space<hbm>>
    %dma_start3A_87 = arith.constant 0 : i32
    %dma_start3A_88 = arith.constant 0 : i32
    %dma_start3A_89 = tpu.memref_slice %arg10[%dma_start3A_80, %dma_start3A_87, %dma_start3A_88] : memref<4x16x16xf32, #tpu.memory_space<vmem>> -> memref<1x16x16xf32, #tpu.memory_space<vmem>>
    %dma_start3A_90 = tpu.memref_squeeze %dma_start3A_89 : memref<1x16x16xf32, #tpu.memory_space<vmem>> -> memref<16x16xf32, #tpu.memory_space<vmem>>
    %dma_start3A_91 = arith.constant 0 : i32
    %dma_start3A_92 = tpu.memref_slice %arg6[%add3A_55, %dma_start3A_91] : memref<2048x16xf32, #tpu.memory_space<hbm>> -> memref<16x16xf32, #tpu.memory_space<hbm>>
    tpu.enqueue_dma source(%dma_start3A_92 : memref<16x16xf32, #tpu.memory_space<hbm>>) target(%dma_start3A_90 : memref<16x16xf32, #tpu.memory_space<vmem>>) target_semaphore(%arg13 : memref<!tpu.dma_semaphore, #tpu.memory_space<semaphore_mem>>)
    %dma_start3A_93 = arith.constant 1 : i32
    %dma_start3A_94 = arith.constant 0 : i32
    %dma_start3A_95 = arith.constant 0 : i32
    %dma_start3A_96 = tpu.memref_slice %arg11[%dma_start3A_93, %dma_start3A_94, %dma_start3A_95] : memref<4x16x768xf32, #tpu.memory_space<vmem>> -> memref<1x16x768xf32, #tpu.memory_space<vmem>>
    %dma_start3A_97 = tpu.memref_squeeze %dma_start3A_96 : memref<1x16x768xf32, #tpu.memory_space<vmem>> -> memref<16x768xf32, #tpu.memory_space<vmem>>
    %dma_start3A_98 = arith.constant 0 : i32
    %dma_start3A_99 = tpu.memref_slice %arg3[%add3A_55, %dma_start3A_98] : memref<2048x768xf32, #tpu.memory_space<hbm>> -> memref<16x768xf32, #tpu.memory_space<hbm>>
    %dma_start3A_100 = arith.constant 0 : i32
    %dma_start3A_101 = arith.constant 0 : i32
    %dma_start3A_102 = tpu.memref_slice %arg11[%dma_start3A_93, %dma_start3A_100, %dma_start3A_101] : memref<4x16x768xf32, #tpu.memory_space<vmem>> -> memref<1x16x768xf32, #tpu.memory_space<vmem>>
    %dma_start3A_103 = tpu.memref_squeeze %dma_start3A_102 : memref<1x16x768xf32, #tpu.memory_space<vmem>> -> memref<16x768xf32, #tpu.memory_space<vmem>>
    %dma_start3A_104 = arith.constant 0 : i32
    %dma_start3A_105 = tpu.memref_slice %arg3[%add3A_55, %dma_start3A_104] : memref<2048x768xf32, #tpu.memory_space<hbm>> -> memref<16x768xf32, #tpu.memory_space<hbm>>
    tpu.enqueue_dma source(%dma_start3A_105 : memref<16x768xf32, #tpu.memory_space<hbm>>) target(%dma_start3A_103 : memref<16x768xf32, #tpu.memory_space<vmem>>) target_semaphore(%arg13 : memref<!tpu.dma_semaphore, #tpu.memory_space<semaphore_mem>>)
    %add3A_106 = arith.constant 32 : i32
    %add3A_107 = arith.addi %mul3A_2, %add3A_106 : i32
    %mul3A_108 = arith.constant 2 : i32
    %mul3A_109 = arith.muli %add3A_107, %mul3A_108 : i32
    %dma_start3A_110 = arith.constant 2 : i32
    %dma_start3A_111 = arith.constant 0 : i32
    %dma_start3A_112 = tpu.memref_slice %arg8[%dma_start3A_110, %dma_start3A_111] : memref<4x32xi32, #tpu.memory_space<vmem>> -> memref<1x32xi32, #tpu.memory_space<vmem>>
    %dma_start3A_113 = tpu.memref_squeeze %dma_start3A_112 : memref<1x32xi32, #tpu.memory_space<vmem>> -> memref<32xi32, #tpu.memory_space<vmem>>
    %dma_start3A_114 = tpu.memref_slice %arg4[%mul3A_109] : memref<4096xi32, #tpu.memory_space<hbm>> -> memref<32xi32, #tpu.memory_space<hbm>>
    %dma_start3A_115 = arith.constant 0 : i32
    %dma_start3A_116 = tpu.memref_slice %arg8[%dma_start3A_110, %dma_start3A_115] : memref<4x32xi32, #tpu.memory_space<vmem>> -> memref<1x32xi32, #tpu.memory_space<vmem>>
    %dma_start3A_117 = tpu.memref_squeeze %dma_start3A_116 : memref<1x32xi32, #tpu.memory_space<vmem>> -> memref<32xi32, #tpu.memory_space<vmem>>
    %dma_start3A_118 = tpu.memref_slice %arg4[%mul3A_109] : memref<4096xi32, #tpu.memory_space<hbm>> -> memref<32xi32, #tpu.memory_space<hbm>>
    tpu.enqueue_dma source(%dma_start3A_118 : memref<32xi32, #tpu.memory_space<hbm>>) target(%dma_start3A_117 : memref<32xi32, #tpu.memory_space<vmem>>) target_semaphore(%arg13 : memref<!tpu.dma_semaphore, #tpu.memory_space<semaphore_mem>>)
    %dma_start3A_119 = arith.constant 2 : i32
    %dma_start3A_120 = arith.constant 0 : i32
    %dma_start3A_121 = arith.constant 0 : i32
    %dma_start3A_122 = tpu.memref_slice %arg9[%dma_start3A_119, %dma_start3A_120, %dma_start3A_121] : memref<4x16x16xf32, #tpu.memory_space<vmem>> -> memref<1x16x16xf32, #tpu.memory_space<vmem>>
    %dma_start3A_123 = tpu.memref_squeeze %dma_start3A_122 : memref<1x16x16xf32, #tpu.memory_space<vmem>> -> memref<16x16xf32, #tpu.memory_space<vmem>>
    %dma_start3A_124 = arith.constant 0 : i32
    %dma_start3A_125 = tpu.memref_slice %arg5[%add3A_107, %dma_start3A_124] : memref<2048x16xf32, #tpu.memory_space<hbm>> -> memref<16x16xf32, #tpu.memory_space<hbm>>
    %dma_start3A_126 = arith.constant 0 : i32
    %dma_start3A_127 = arith.constant 0 : i32
    %dma_start3A_128 = tpu.memref_slice %arg9[%dma_start3A_119, %dma_start3A_126, %dma_start3A_127] : memref<4x16x16xf32, #tpu.memory_space<vmem>> -> memref<1x16x16xf32, #tpu.memory_space<vmem>>
    %dma_start3A_129 = tpu.memref_squeeze %dma_start3A_128 : memref<1x16x16xf32, #tpu.memory_space<vmem>> -> memref<16x16xf32, #tpu.memory_space<vmem>>
    %dma_start3A_130 = arith.constant 0 : i32
    %dma_start3A_131 = tpu.memref_slice %arg5[%add3A_107, %dma_start3A_130] : memref<2048x16xf32, #tpu.memory_space<hbm>> -> memref<16x16xf32, #tpu.memory_space<hbm>>
    tpu.enqueue_dma source(%dma_start3A_131 : memref<16x16xf32, #tpu.memory_space<hbm>>) target(%dma_start3A_129 : memref<16x16xf32, #tpu.memory_space<vmem>>) target_semaphore(%arg13 : memref<!tpu.dma_semaphore, #tpu.memory_space<semaphore_mem>>)
    %dma_start3A_132 = arith.constant 2 : i32
    %dma_start3A_133 = arith.constant 0 : i32
    %dma_start3A_134 = arith.constant 0 : i32
    %dma_start3A_135 = tpu.memref_slice %arg10[%dma_start3A_132, %dma_start3A_133, %dma_start3A_134] : memref<4x16x16xf32, #tpu.memory_space<vmem>> -> memref<1x16x16xf32, #tpu.memory_space<vmem>>
    %dma_start3A_136 = tpu.memref_squeeze %dma_start3A_135 : memref<1x16x16xf32, #tpu.memory_space<vmem>> -> memref<16x16xf32, #tpu.memory_space<vmem>>
    %dma_start3A_137 = arith.constant 0 : i32
    %dma_start3A_138 = tpu.memref_slice %arg6[%add3A_107, %dma_start3A_137] : memref<2048x16xf32, #tpu.memory_space<hbm>> -> memref<16x16xf32, #tpu.memory_space<hbm>>
    %dma_start3A_139 = arith.constant 0 : i32
    %dma_start3A_140 = arith.constant 0 : i32
    %dma_start3A_141 = tpu.memref_slice %arg10[%dma_start3A_132, %dma_start3A_139, %dma_start3A_140] : memref<4x16x16xf32, #tpu.memory_space<vmem>> -> memref<1x16x16xf32, #tpu.memory_space<vmem>>
    %dma_start3A_142 = tpu.memref_squeeze %dma_start3A_141 : memref<1x16x16xf32, #tpu.memory_space<vmem>> -> memref<16x16xf32, #tpu.memory_space<vmem>>
    %dma_start3A_143 = arith.constant 0 : i32
    %dma_start3A_144 = tpu.memref_slice %arg6[%add3A_107, %dma_start3A_143] : memref<2048x16xf32, #tpu.memory_space<hbm>> -> memref<16x16xf32, #tpu.memory_space<hbm>>
    tpu.enqueue_dma source(%dma_start3A_144 : memref<16x16xf32, #tpu.memory_space<hbm>>) target(%dma_start3A_142 : memref<16x16xf32, #tpu.memory_space<vmem>>) target_semaphore(%arg13 : memref<!tpu.dma_semaphore, #tpu.memory_space<semaphore_mem>>)
    %dma_start3A_145 = arith.constant 2 : i32
    %dma_start3A_146 = arith.constant 0 : i32
    %dma_start3A_147 = arith.constant 0 : i32
    %dma_start3A_148 = tpu.memref_slice %arg11[%dma_start3A_145, %dma_start3A_146, %dma_start3A_147] : memref<4x16x768xf32, #tpu.memory_space<vmem>> -> memref<1x16x768xf32, #tpu.memory_space<vmem>>
    %dma_start3A_149 = tpu.memref_squeeze %dma_start3A_148 : memref<1x16x768xf32, #tpu.memory_space<vmem>> -> memref<16x768xf32, #tpu.memory_space<vmem>>
    %dma_start3A_150 = arith.constant 0 : i32
    %dma_start3A_151 = tpu.memref_slice %arg3[%add3A_107, %dma_start3A_150] : memref<2048x768xf32, #tpu.memory_space<hbm>> -> memref<16x768xf32, #tpu.memory_space<hbm>>
    %dma_start3A_152 = arith.constant 0 : i32
    %dma_start3A_153 = arith.constant 0 : i32
    %dma_start3A_154 = tpu.memref_slice %arg11[%dma_start3A_145, %dma_start3A_152, %dma_start3A_153] : memref<4x16x768xf32, #tpu.memory_space<vmem>> -> memref<1x16x768xf32, #tpu.memory_space<vmem>>
    %dma_start3A_155 = tpu.memref_squeeze %dma_start3A_154 : memref<1x16x768xf32, #tpu.memory_space<vmem>> -> memref<16x768xf32, #tpu.memory_space<vmem>>
    %dma_start3A_156 = arith.constant 0 : i32
    %dma_start3A_157 = tpu.memref_slice %arg3[%add3A_107, %dma_start3A_156] : memref<2048x768xf32, #tpu.memory_space<hbm>> -> memref<16x768xf32, #tpu.memory_space<hbm>>
    tpu.enqueue_dma source(%dma_start3A_157 : memref<16x768xf32, #tpu.memory_space<hbm>>) target(%dma_start3A_155 : memref<16x768xf32, #tpu.memory_space<vmem>>) target_semaphore(%arg13 : memref<!tpu.dma_semaphore, #tpu.memory_space<semaphore_mem>>)
    %add3A_158 = arith.constant 48 : i32
    %add3A_159 = arith.addi %mul3A_2, %add3A_158 : i32
    %mul3A_160 = arith.constant 2 : i32
    %mul3A_161 = arith.muli %add3A_159, %mul3A_160 : i32
    %dma_start3A_162 = arith.constant 3 : i32
    %dma_start3A_163 = arith.constant 0 : i32
    %dma_start3A_164 = tpu.memref_slice %arg8[%dma_start3A_162, %dma_start3A_163] : memref<4x32xi32, #tpu.memory_space<vmem>> -> memref<1x32xi32, #tpu.memory_space<vmem>>
    %dma_start3A_165 = tpu.memref_squeeze %dma_start3A_164 : memref<1x32xi32, #tpu.memory_space<vmem>> -> memref<32xi32, #tpu.memory_space<vmem>>
    %dma_start3A_166 = tpu.memref_slice %arg4[%mul3A_161] : memref<4096xi32, #tpu.memory_space<hbm>> -> memref<32xi32, #tpu.memory_space<hbm>>
    %dma_start3A_167 = arith.constant 0 : i32
    %dma_start3A_168 = tpu.memref_slice %arg8[%dma_start3A_162, %dma_start3A_167] : memref<4x32xi32, #tpu.memory_space<vmem>> -> memref<1x32xi32, #tpu.memory_space<vmem>>
    %dma_start3A_169 = tpu.memref_squeeze %dma_start3A_168 : memref<1x32xi32, #tpu.memory_space<vmem>> -> memref<32xi32, #tpu.memory_space<vmem>>
    %dma_start3A_170 = tpu.memref_slice %arg4[%mul3A_161] : memref<4096xi32, #tpu.memory_space<hbm>> -> memref<32xi32, #tpu.memory_space<hbm>>
    tpu.enqueue_dma source(%dma_start3A_170 : memref<32xi32, #tpu.memory_space<hbm>>) target(%dma_start3A_169 : memref<32xi32, #tpu.memory_space<vmem>>) target_semaphore(%arg13 : memref<!tpu.dma_semaphore, #tpu.memory_space<semaphore_mem>>)
    %dma_start3A_171 = arith.constant 3 : i32
    %dma_start3A_172 = arith.constant 0 : i32
    %dma_start3A_173 = arith.constant 0 : i32
    %dma_start3A_174 = tpu.memref_slice %arg9[%dma_start3A_171, %dma_start3A_172, %dma_start3A_173] : memref<4x16x16xf32, #tpu.memory_space<vmem>> -> memref<1x16x16xf32, #tpu.memory_space<vmem>>
    %dma_start3A_175 = tpu.memref_squeeze %dma_start3A_174 : memref<1x16x16xf32, #tpu.memory_space<vmem>> -> memref<16x16xf32, #tpu.memory_space<vmem>>
    %dma_start3A_176 = arith.constant 0 : i32
    %dma_start3A_177 = tpu.memref_slice %arg5[%add3A_159, %dma_start3A_176] : memref<2048x16xf32, #tpu.memory_space<hbm>> -> memref<16x16xf32, #tpu.memory_space<hbm>>
    %dma_start3A_178 = arith.constant 0 : i32
    %dma_start3A_179 = arith.constant 0 : i32
    %dma_start3A_180 = tpu.memref_slice %arg9[%dma_start3A_171, %dma_start3A_178, %dma_start3A_179] : memref<4x16x16xf32, #tpu.memory_space<vmem>> -> memref<1x16x16xf32, #tpu.memory_space<vmem>>
    %dma_start3A_181 = tpu.memref_squeeze %dma_start3A_180 : memref<1x16x16xf32, #tpu.memory_space<vmem>> -> memref<16x16xf32, #tpu.memory_space<vmem>>
    %dma_start3A_182 = arith.constant 0 : i32
    %dma_start3A_183 = tpu.memref_slice %arg5[%add3A_159, %dma_start3A_182] : memref<2048x16xf32, #tpu.memory_space<hbm>> -> memref<16x16xf32, #tpu.memory_space<hbm>>
    tpu.enqueue_dma source(%dma_start3A_183 : memref<16x16xf32, #tpu.memory_space<hbm>>) target(%dma_start3A_181 : memref<16x16xf32, #tpu.memory_space<vmem>>) target_semaphore(%arg13 : memref<!tpu.dma_semaphore, #tpu.memory_space<semaphore_mem>>)
    %dma_start3A_184 = arith.constant 3 : i32
    %dma_start3A_185 = arith.constant 0 : i32
    %dma_start3A_186 = arith.constant 0 : i32
    %dma_start3A_187 = tpu.memref_slice %arg10[%dma_start3A_184, %dma_start3A_185, %dma_start3A_186] : memref<4x16x16xf32, #tpu.memory_space<vmem>> -> memref<1x16x16xf32, #tpu.memory_space<vmem>>
    %dma_start3A_188 = tpu.memref_squeeze %dma_start3A_187 : memref<1x16x16xf32, #tpu.memory_space<vmem>> -> memref<16x16xf32, #tpu.memory_space<vmem>>
    %dma_start3A_189 = arith.constant 0 : i32
    %dma_start3A_190 = tpu.memref_slice %arg6[%add3A_159, %dma_start3A_189] : memref<2048x16xf32, #tpu.memory_space<hbm>> -> memref<16x16xf32, #tpu.memory_space<hbm>>
    %dma_start3A_191 = arith.constant 0 : i32
    %dma_start3A_192 = arith.constant 0 : i32
    %dma_start3A_193 = tpu.memref_slice %arg10[%dma_start3A_184, %dma_start3A_191, %dma_start3A_192] : memref<4x16x16xf32, #tpu.memory_space<vmem>> -> memref<1x16x16xf32, #tpu.memory_space<vmem>>
    %dma_start3A_194 = tpu.memref_squeeze %dma_start3A_193 : memref<1x16x16xf32, #tpu.memory_space<vmem>> -> memref<16x16xf32, #tpu.memory_space<vmem>>
    %dma_start3A_195 = arith.constant 0 : i32
    %dma_start3A_196 = tpu.memref_slice %arg6[%add3A_159, %dma_start3A_195] : memref<2048x16xf32, #tpu.memory_space<hbm>> -> memref<16x16xf32, #tpu.memory_space<hbm>>
    tpu.enqueue_dma source(%dma_start3A_196 : memref<16x16xf32, #tpu.memory_space<hbm>>) target(%dma_start3A_194 : memref<16x16xf32, #tpu.memory_space<vmem>>) target_semaphore(%arg13 : memref<!tpu.dma_semaphore, #tpu.memory_space<semaphore_mem>>)
    %dma_start3A_197 = arith.constant 3 : i32
    %dma_start3A_198 = arith.constant 0 : i32
    %dma_start3A_199 = arith.constant 0 : i32
    %dma_start3A_200 = tpu.memref_slice %arg11[%dma_start3A_197, %dma_start3A_198, %dma_start3A_199] : memref<4x16x768xf32, #tpu.memory_space<vmem>> -> memref<1x16x768xf32, #tpu.memory_space<vmem>>
    %dma_start3A_201 = tpu.memref_squeeze %dma_start3A_200 : memref<1x16x768xf32, #tpu.memory_space<vmem>> -> memref<16x768xf32, #tpu.memory_space<vmem>>
    %dma_start3A_202 = arith.constant 0 : i32
    %dma_start3A_203 = tpu.memref_slice %arg3[%add3A_159, %dma_start3A_202] : memref<2048x768xf32, #tpu.memory_space<hbm>> -> memref<16x768xf32, #tpu.memory_space<hbm>>
    %dma_start3A_204 = arith.constant 0 : i32
    %dma_start3A_205 = arith.constant 0 : i32
    %dma_start3A_206 = tpu.memref_slice %arg11[%dma_start3A_197, %dma_start3A_204, %dma_start3A_205] : memref<4x16x768xf32, #tpu.memory_space<vmem>> -> memref<1x16x768xf32, #tpu.memory_space<vmem>>
    %dma_start3A_207 = tpu.memref_squeeze %dma_start3A_206 : memref<1x16x768xf32, #tpu.memory_space<vmem>> -> memref<16x768xf32, #tpu.memory_space<vmem>>
    %dma_start3A_208 = arith.constant 0 : i32
    %dma_start3A_209 = tpu.memref_slice %arg3[%add3A_159, %dma_start3A_208] : memref<2048x768xf32, #tpu.memory_space<hbm>> -> memref<16x768xf32, #tpu.memory_space<hbm>>
    tpu.enqueue_dma source(%dma_start3A_209 : memref<16x768xf32, #tpu.memory_space<hbm>>) target(%dma_start3A_207 : memref<16x768xf32, #tpu.memory_space<vmem>>) target_semaphore(%arg13 : memref<!tpu.dma_semaphore, #tpu.memory_space<semaphore_mem>>)
    %dma_wait3A = arith.constant 0 : i32
    %dma_wait3A_210 = arith.constant 0 : i32
    %dma_wait3A_211 = tpu.memref_slice %arg8[%dma_wait3A, %dma_wait3A_210] : memref<4x32xi32, #tpu.memory_space<vmem>> -> memref<1x32xi32, #tpu.memory_space<vmem>>
    %dma_wait3A_212 = tpu.memref_squeeze %dma_wait3A_211 : memref<1x32xi32, #tpu.memory_space<vmem>> -> memref<32xi32, #tpu.memory_space<vmem>>
    %dma_wait3A_213 = tpu.memref_slice %arg4[%mul3A_6] : memref<4096xi32, #tpu.memory_space<hbm>> -> memref<32xi32, #tpu.memory_space<hbm>>
    %dma_wait3A_214 = arith.constant 0 : i32
    %dma_wait3A_215 = tpu.memref_slice %arg8[%dma_wait3A, %dma_wait3A_214] : memref<4x32xi32, #tpu.memory_space<vmem>> -> memref<1x32xi32, #tpu.memory_space<vmem>>
    %dma_wait3A_216 = tpu.memref_squeeze %dma_wait3A_215 : memref<1x32xi32, #tpu.memory_space<vmem>> -> memref<32xi32, #tpu.memory_space<vmem>>
    %dma_wait3A_217 = tpu.memref_slice %arg4[%mul3A_6] : memref<4096xi32, #tpu.memory_space<hbm>> -> memref<32xi32, #tpu.memory_space<hbm>>
    tpu.wait_dma2 semaphore(%arg13 : memref<!tpu.dma_semaphore, #tpu.memory_space<semaphore_mem>>) src(%dma_wait3A_217 : memref<32xi32, #tpu.memory_space<hbm>>) dst(%dma_wait3A_216 : memref<32xi32, #tpu.memory_space<vmem>>)
    %dma_wait3A_218 = arith.constant 0 : i32
    %dma_wait3A_219 = arith.constant 0 : i32
    %dma_wait3A_220 = arith.constant 0 : i32
    %dma_wait3A_221 = tpu.memref_slice %arg9[%dma_wait3A_218, %dma_wait3A_219, %dma_wait3A_220] : memref<4x16x16xf32, #tpu.memory_space<vmem>> -> memref<1x16x16xf32, #tpu.memory_space<vmem>>
    %dma_wait3A_222 = tpu.memref_squeeze %dma_wait3A_221 : memref<1x16x16xf32, #tpu.memory_space<vmem>> -> memref<16x16xf32, #tpu.memory_space<vmem>>
    %dma_wait3A_223 = arith.constant 0 : i32
    %dma_wait3A_224 = tpu.memref_slice %arg5[%add3A_4, %dma_wait3A_223] : memref<2048x16xf32, #tpu.memory_space<hbm>> -> memref<16x16xf32, #tpu.memory_space<hbm>>
    %dma_wait3A_225 = arith.constant 0 : i32
    %dma_wait3A_226 = arith.constant 0 : i32
    %dma_wait3A_227 = tpu.memref_slice %arg9[%dma_wait3A_218, %dma_wait3A_225, %dma_wait3A_226] : memref<4x16x16xf32, #tpu.memory_space<vmem>> -> memref<1x16x16xf32, #tpu.memory_space<vmem>>
    %dma_wait3A_228 = tpu.memref_squeeze %dma_wait3A_227 : memref<1x16x16xf32, #tpu.memory_space<vmem>> -> memref<16x16xf32, #tpu.memory_space<vmem>>
    %dma_wait3A_229 = arith.constant 0 : i32
    %dma_wait3A_230 = tpu.memref_slice %arg5[%add3A_4, %dma_wait3A_229] : memref<2048x16xf32, #tpu.memory_space<hbm>> -> memref<16x16xf32, #tpu.memory_space<hbm>>
    tpu.wait_dma2 semaphore(%arg13 : memref<!tpu.dma_semaphore, #tpu.memory_space<semaphore_mem>>) src(%dma_wait3A_230 : memref<16x16xf32, #tpu.memory_space<hbm>>) dst(%dma_wait3A_228 : memref<16x16xf32, #tpu.memory_space<vmem>>)
    %dma_wait3A_231 = arith.constant 0 : i32
    %dma_wait3A_232 = arith.constant 0 : i32
    %dma_wait3A_233 = arith.constant 0 : i32
    %dma_wait3A_234 = tpu.memref_slice %arg10[%dma_wait3A_231, %dma_wait3A_232, %dma_wait3A_233] : memref<4x16x16xf32, #tpu.memory_space<vmem>> -> memref<1x16x16xf32, #tpu.memory_space<vmem>>
    %dma_wait3A_235 = tpu.memref_squeeze %dma_wait3A_234 : memref<1x16x16xf32, #tpu.memory_space<vmem>> -> memref<16x16xf32, #tpu.memory_space<vmem>>
    %dma_wait3A_236 = arith.constant 0 : i32
    %dma_wait3A_237 = tpu.memref_slice %arg6[%add3A_4, %dma_wait3A_236] : memref<2048x16xf32, #tpu.memory_space<hbm>> -> memref<16x16xf32, #tpu.memory_space<hbm>>
    %dma_wait3A_238 = arith.constant 0 : i32
    %dma_wait3A_239 = arith.constant 0 : i32
    %dma_wait3A_240 = tpu.memref_slice %arg10[%dma_wait3A_231, %dma_wait3A_238, %dma_wait3A_239] : memref<4x16x16xf32, #tpu.memory_space<vmem>> -> memref<1x16x16xf32, #tpu.memory_space<vmem>>
    %dma_wait3A_241 = tpu.memref_squeeze %dma_wait3A_240 : memref<1x16x16xf32, #tpu.memory_space<vmem>> -> memref<16x16xf32, #tpu.memory_space<vmem>>
    %dma_wait3A_242 = arith.constant 0 : i32
    %dma_wait3A_243 = tpu.memref_slice %arg6[%add3A_4, %dma_wait3A_242] : memref<2048x16xf32, #tpu.memory_space<hbm>> -> memref<16x16xf32, #tpu.memory_space<hbm>>
    tpu.wait_dma2 semaphore(%arg13 : memref<!tpu.dma_semaphore, #tpu.memory_space<semaphore_mem>>) src(%dma_wait3A_243 : memref<16x16xf32, #tpu.memory_space<hbm>>) dst(%dma_wait3A_241 : memref<16x16xf32, #tpu.memory_space<vmem>>)
    %dma_wait3A_244 = arith.constant 0 : i32
    %dma_wait3A_245 = arith.constant 0 : i32
    %dma_wait3A_246 = arith.constant 0 : i32
    %dma_wait3A_247 = tpu.memref_slice %arg11[%dma_wait3A_244, %dma_wait3A_245, %dma_wait3A_246] : memref<4x16x768xf32, #tpu.memory_space<vmem>> -> memref<1x16x768xf32, #tpu.memory_space<vmem>>
    %dma_wait3A_248 = tpu.memref_squeeze %dma_wait3A_247 : memref<1x16x768xf32, #tpu.memory_space<vmem>> -> memref<16x768xf32, #tpu.memory_space<vmem>>
    %dma_wait3A_249 = arith.constant 0 : i32
    %dma_wait3A_250 = tpu.memref_slice %arg3[%add3A_4, %dma_wait3A_249] : memref<2048x768xf32, #tpu.memory_space<hbm>> -> memref<16x768xf32, #tpu.memory_space<hbm>>
    %dma_wait3A_251 = arith.constant 0 : i32
    %dma_wait3A_252 = arith.constant 0 : i32
    %dma_wait3A_253 = tpu.memref_slice %arg11[%dma_wait3A_244, %dma_wait3A_251, %dma_wait3A_252] : memref<4x16x768xf32, #tpu.memory_space<vmem>> -> memref<1x16x768xf32, #tpu.memory_space<vmem>>
    %dma_wait3A_254 = tpu.memref_squeeze %dma_wait3A_253 : memref<1x16x768xf32, #tpu.memory_space<vmem>> -> memref<16x768xf32, #tpu.memory_space<vmem>>
    %dma_wait3A_255 = arith.constant 0 : i32
    %dma_wait3A_256 = tpu.memref_slice %arg3[%add3A_4, %dma_wait3A_255] : memref<2048x768xf32, #tpu.memory_space<hbm>> -> memref<16x768xf32, #tpu.memory_space<hbm>>
    tpu.wait_dma2 semaphore(%arg13 : memref<!tpu.dma_semaphore, #tpu.memory_space<semaphore_mem>>) src(%dma_wait3A_256 : memref<16x768xf32, #tpu.memory_space<hbm>>) dst(%dma_wait3A_254 : memref<16x768xf32, #tpu.memory_space<vmem>>)
    %dma_wait3A_257 = arith.constant 1 : i32
    %dma_wait3A_258 = arith.constant 0 : i32
    %dma_wait3A_259 = tpu.memref_slice %arg8[%dma_wait3A_257, %dma_wait3A_258] : memref<4x32xi32, #tpu.memory_space<vmem>> -> memref<1x32xi32, #tpu.memory_space<vmem>>
    %dma_wait3A_260 = tpu.memref_squeeze %dma_wait3A_259 : memref<1x32xi32, #tpu.memory_space<vmem>> -> memref<32xi32, #tpu.memory_space<vmem>>
    %dma_wait3A_261 = tpu.memref_slice %arg4[%mul3A_57] : memref<4096xi32, #tpu.memory_space<hbm>> -> memref<32xi32, #tpu.memory_space<hbm>>
    %dma_wait3A_262 = arith.constant 0 : i32
    %dma_wait3A_263 = tpu.memref_slice %arg8[%dma_wait3A_257, %dma_wait3A_262] : memref<4x32xi32, #tpu.memory_space<vmem>> -> memref<1x32xi32, #tpu.memory_space<vmem>>
    %dma_wait3A_264 = tpu.memref_squeeze %dma_wait3A_263 : memref<1x32xi32, #tpu.memory_space<vmem>> -> memref<32xi32, #tpu.memory_space<vmem>>
    %dma_wait3A_265 = tpu.memref_slice %arg4[%mul3A_57] : memref<4096xi32, #tpu.memory_space<hbm>> -> memref<32xi32, #tpu.memory_space<hbm>>
    tpu.wait_dma2 semaphore(%arg13 : memref<!tpu.dma_semaphore, #tpu.memory_space<semaphore_mem>>) src(%dma_wait3A_265 : memref<32xi32, #tpu.memory_space<hbm>>) dst(%dma_wait3A_264 : memref<32xi32, #tpu.memory_space<vmem>>)
    %dma_wait3A_266 = arith.constant 1 : i32
    %dma_wait3A_267 = arith.constant 0 : i32
    %dma_wait3A_268 = arith.constant 0 : i32
    %dma_wait3A_269 = tpu.memref_slice %arg9[%dma_wait3A_266, %dma_wait3A_267, %dma_wait3A_268] : memref<4x16x16xf32, #tpu.memory_space<vmem>> -> memref<1x16x16xf32, #tpu.memory_space<vmem>>
    %dma_wait3A_270 = tpu.memref_squeeze %dma_wait3A_269 : memref<1x16x16xf32, #tpu.memory_space<vmem>> -> memref<16x16xf32, #tpu.memory_space<vmem>>
    %dma_wait3A_271 = arith.constant 0 : i32
    %dma_wait3A_272 = tpu.memref_slice %arg5[%add3A_55, %dma_wait3A_271] : memref<2048x16xf32, #tpu.memory_space<hbm>> -> memref<16x16xf32, #tpu.memory_space<hbm>>
    %dma_wait3A_273 = arith.constant 0 : i32
    %dma_wait3A_274 = arith.constant 0 : i32
    %dma_wait3A_275 = tpu.memref_slice %arg9[%dma_wait3A_266, %dma_wait3A_273, %dma_wait3A_274] : memref<4x16x16xf32, #tpu.memory_space<vmem>> -> memref<1x16x16xf32, #tpu.memory_space<vmem>>
    %dma_wait3A_276 = tpu.memref_squeeze %dma_wait3A_275 : memref<1x16x16xf32, #tpu.memory_space<vmem>> -> memref<16x16xf32, #tpu.memory_space<vmem>>
    %dma_wait3A_277 = arith.constant 0 : i32
    %dma_wait3A_278 = tpu.memref_slice %arg5[%add3A_55, %dma_wait3A_277] : memref<2048x16xf32, #tpu.memory_space<hbm>> -> memref<16x16xf32, #tpu.memory_space<hbm>>
    tpu.wait_dma2 semaphore(%arg13 : memref<!tpu.dma_semaphore, #tpu.memory_space<semaphore_mem>>) src(%dma_wait3A_278 : memref<16x16xf32, #tpu.memory_space<hbm>>) dst(%dma_wait3A_276 : memref<16x16xf32, #tpu.memory_space<vmem>>)
    %dma_wait3A_279 = arith.constant 1 : i32
    %dma_wait3A_280 = arith.constant 0 : i32
    %dma_wait3A_281 = arith.constant 0 : i32
    %dma_wait3A_282 = tpu.memref_slice %arg10[%dma_wait3A_279, %dma_wait3A_280, %dma_wait3A_281] : memref<4x16x16xf32, #tpu.memory_space<vmem>> -> memref<1x16x16xf32, #tpu.memory_space<vmem>>
    %dma_wait3A_283 = tpu.memref_squeeze %dma_wait3A_282 : memref<1x16x16xf32, #tpu.memory_space<vmem>> -> memref<16x16xf32, #tpu.memory_space<vmem>>
    %dma_wait3A_284 = arith.constant 0 : i32
    %dma_wait3A_285 = tpu.memref_slice %arg6[%add3A_55, %dma_wait3A_284] : memref<2048x16xf32, #tpu.memory_space<hbm>> -> memref<16x16xf32, #tpu.memory_space<hbm>>
    %dma_wait3A_286 = arith.constant 0 : i32
    %dma_wait3A_287 = arith.constant 0 : i32
    %dma_wait3A_288 = tpu.memref_slice %arg10[%dma_wait3A_279, %dma_wait3A_286, %dma_wait3A_287] : memref<4x16x16xf32, #tpu.memory_space<vmem>> -> memref<1x16x16xf32, #tpu.memory_space<vmem>>
    %dma_wait3A_289 = tpu.memref_squeeze %dma_wait3A_288 : memref<1x16x16xf32, #tpu.memory_space<vmem>> -> memref<16x16xf32, #tpu.memory_space<vmem>>
    %dma_wait3A_290 = arith.constant 0 : i32
    %dma_wait3A_291 = tpu.memref_slice %arg6[%add3A_55, %dma_wait3A_290] : memref<2048x16xf32, #tpu.memory_space<hbm>> -> memref<16x16xf32, #tpu.memory_space<hbm>>
    tpu.wait_dma2 semaphore(%arg13 : memref<!tpu.dma_semaphore, #tpu.memory_space<semaphore_mem>>) src(%dma_wait3A_291 : memref<16x16xf32, #tpu.memory_space<hbm>>) dst(%dma_wait3A_289 : memref<16x16xf32, #tpu.memory_space<vmem>>)
    %dma_wait3A_292 = arith.constant 1 : i32
    %dma_wait3A_293 = arith.constant 0 : i32
    %dma_wait3A_294 = arith.constant 0 : i32
    %dma_wait3A_295 = tpu.memref_slice %arg11[%dma_wait3A_292, %dma_wait3A_293, %dma_wait3A_294] : memref<4x16x768xf32, #tpu.memory_space<vmem>> -> memref<1x16x768xf32, #tpu.memory_space<vmem>>
    %dma_wait3A_296 = tpu.memref_squeeze %dma_wait3A_295 : memref<1x16x768xf32, #tpu.memory_space<vmem>> -> memref<16x768xf32, #tpu.memory_space<vmem>>
    %dma_wait3A_297 = arith.constant 0 : i32
    %dma_wait3A_298 = tpu.memref_slice %arg3[%add3A_55, %dma_wait3A_297] : memref<2048x768xf32, #tpu.memory_space<hbm>> -> memref<16x768xf32, #tpu.memory_space<hbm>>
    %dma_wait3A_299 = arith.constant 0 : i32
    %dma_wait3A_300 = arith.constant 0 : i32
    %dma_wait3A_301 = tpu.memref_slice %arg11[%dma_wait3A_292, %dma_wait3A_299, %dma_wait3A_300] : memref<4x16x768xf32, #tpu.memory_space<vmem>> -> memref<1x16x768xf32, #tpu.memory_space<vmem>>
    %dma_wait3A_302 = tpu.memref_squeeze %dma_wait3A_301 : memref<1x16x768xf32, #tpu.memory_space<vmem>> -> memref<16x768xf32, #tpu.memory_space<vmem>>
    %dma_wait3A_303 = arith.constant 0 : i32
    %dma_wait3A_304 = tpu.memref_slice %arg3[%add3A_55, %dma_wait3A_303] : memref<2048x768xf32, #tpu.memory_space<hbm>> -> memref<16x768xf32, #tpu.memory_space<hbm>>
    tpu.wait_dma2 semaphore(%arg13 : memref<!tpu.dma_semaphore, #tpu.memory_space<semaphore_mem>>) src(%dma_wait3A_304 : memref<16x768xf32, #tpu.memory_space<hbm>>) dst(%dma_wait3A_302 : memref<16x768xf32, #tpu.memory_space<vmem>>)
    %dma_wait3A_305 = arith.constant 2 : i32
    %dma_wait3A_306 = arith.constant 0 : i32
    %dma_wait3A_307 = tpu.memref_slice %arg8[%dma_wait3A_305, %dma_wait3A_306] : memref<4x32xi32, #tpu.memory_space<vmem>> -> memref<1x32xi32, #tpu.memory_space<vmem>>
    %dma_wait3A_308 = tpu.memref_squeeze %dma_wait3A_307 : memref<1x32xi32, #tpu.memory_space<vmem>> -> memref<32xi32, #tpu.memory_space<vmem>>
    %dma_wait3A_309 = tpu.memref_slice %arg4[%mul3A_109] : memref<4096xi32, #tpu.memory_space<hbm>> -> memref<32xi32, #tpu.memory_space<hbm>>
    %dma_wait3A_310 = arith.constant 0 : i32
    %dma_wait3A_311 = tpu.memref_slice %arg8[%dma_wait3A_305, %dma_wait3A_310] : memref<4x32xi32, #tpu.memory_space<vmem>> -> memref<1x32xi32, #tpu.memory_space<vmem>>
    %dma_wait3A_312 = tpu.memref_squeeze %dma_wait3A_311 : memref<1x32xi32, #tpu.memory_space<vmem>> -> memref<32xi32, #tpu.memory_space<vmem>>
    %dma_wait3A_313 = tpu.memref_slice %arg4[%mul3A_109] : memref<4096xi32, #tpu.memory_space<hbm>> -> memref<32xi32, #tpu.memory_space<hbm>>
    tpu.wait_dma2 semaphore(%arg13 : memref<!tpu.dma_semaphore, #tpu.memory_space<semaphore_mem>>) src(%dma_wait3A_313 : memref<32xi32, #tpu.memory_space<hbm>>) dst(%dma_wait3A_312 : memref<32xi32, #tpu.memory_space<vmem>>)
    %dma_wait3A_314 = arith.constant 2 : i32
    %dma_wait3A_315 = arith.constant 0 : i32
    %dma_wait3A_316 = arith.constant 0 : i32
    %dma_wait3A_317 = tpu.memref_slice %arg9[%dma_wait3A_314, %dma_wait3A_315, %dma_wait3A_316] : memref<4x16x16xf32, #tpu.memory_space<vmem>> -> memref<1x16x16xf32, #tpu.memory_space<vmem>>
    %dma_wait3A_318 = tpu.memref_squeeze %dma_wait3A_317 : memref<1x16x16xf32, #tpu.memory_space<vmem>> -> memref<16x16xf32, #tpu.memory_space<vmem>>
    %dma_wait3A_319 = arith.constant 0 : i32
    %dma_wait3A_320 = tpu.memref_slice %arg5[%add3A_107, %dma_wait3A_319] : memref<2048x16xf32, #tpu.memory_space<hbm>> -> memref<16x16xf32, #tpu.memory_space<hbm>>
    %dma_wait3A_321 = arith.constant 0 : i32
    %dma_wait3A_322 = arith.constant 0 : i32
    %dma_wait3A_323 = tpu.memref_slice %arg9[%dma_wait3A_314, %dma_wait3A_321, %dma_wait3A_322] : memref<4x16x16xf32, #tpu.memory_space<vmem>> -> memref<1x16x16xf32, #tpu.memory_space<vmem>>
    %dma_wait3A_324 = tpu.memref_squeeze %dma_wait3A_323 : memref<1x16x16xf32, #tpu.memory_space<vmem>> -> memref<16x16xf32, #tpu.memory_space<vmem>>
    %dma_wait3A_325 = arith.constant 0 : i32
    %dma_wait3A_326 = tpu.memref_slice %arg5[%add3A_107, %dma_wait3A_325] : memref<2048x16xf32, #tpu.memory_space<hbm>> -> memref<16x16xf32, #tpu.memory_space<hbm>>
    tpu.wait_dma2 semaphore(%arg13 : memref<!tpu.dma_semaphore, #tpu.memory_space<semaphore_mem>>) src(%dma_wait3A_326 : memref<16x16xf32, #tpu.memory_space<hbm>>) dst(%dma_wait3A_324 : memref<16x16xf32, #tpu.memory_space<vmem>>)
    %dma_wait3A_327 = arith.constant 2 : i32
    %dma_wait3A_328 = arith.constant 0 : i32
    %dma_wait3A_329 = arith.constant 0 : i32
    %dma_wait3A_330 = tpu.memref_slice %arg10[%dma_wait3A_327, %dma_wait3A_328, %dma_wait3A_329] : memref<4x16x16xf32, #tpu.memory_space<vmem>> -> memref<1x16x16xf32, #tpu.memory_space<vmem>>
    %dma_wait3A_331 = tpu.memref_squeeze %dma_wait3A_330 : memref<1x16x16xf32, #tpu.memory_space<vmem>> -> memref<16x16xf32, #tpu.memory_space<vmem>>
    %dma_wait3A_332 = arith.constant 0 : i32
    %dma_wait3A_333 = tpu.memref_slice %arg6[%add3A_107, %dma_wait3A_332] : memref<2048x16xf32, #tpu.memory_space<hbm>> -> memref<16x16xf32, #tpu.memory_space<hbm>>
    %dma_wait3A_334 = arith.constant 0 : i32
    %dma_wait3A_335 = arith.constant 0 : i32
    %dma_wait3A_336 = tpu.memref_slice %arg10[%dma_wait3A_327, %dma_wait3A_334, %dma_wait3A_335] : memref<4x16x16xf32, #tpu.memory_space<vmem>> -> memref<1x16x16xf32, #tpu.memory_space<vmem>>
    %dma_wait3A_337 = tpu.memref_squeeze %dma_wait3A_336 : memref<1x16x16xf32, #tpu.memory_space<vmem>> -> memref<16x16xf32, #tpu.memory_space<vmem>>
    %dma_wait3A_338 = arith.constant 0 : i32
    %dma_wait3A_339 = tpu.memref_slice %arg6[%add3A_107, %dma_wait3A_338] : memref<2048x16xf32, #tpu.memory_space<hbm>> -> memref<16x16xf32, #tpu.memory_space<hbm>>
    tpu.wait_dma2 semaphore(%arg13 : memref<!tpu.dma_semaphore, #tpu.memory_space<semaphore_mem>>) src(%dma_wait3A_339 : memref<16x16xf32, #tpu.memory_space<hbm>>) dst(%dma_wait3A_337 : memref<16x16xf32, #tpu.memory_space<vmem>>)
    %dma_wait3A_340 = arith.constant 2 : i32
    %dma_wait3A_341 = arith.constant 0 : i32
    %dma_wait3A_342 = arith.constant 0 : i32
    %dma_wait3A_343 = tpu.memref_slice %arg11[%dma_wait3A_340, %dma_wait3A_341, %dma_wait3A_342] : memref<4x16x768xf32, #tpu.memory_space<vmem>> -> memref<1x16x768xf32, #tpu.memory_space<vmem>>
    %dma_wait3A_344 = tpu.memref_squeeze %dma_wait3A_343 : memref<1x16x768xf32, #tpu.memory_space<vmem>> -> memref<16x768xf32, #tpu.memory_space<vmem>>
    %dma_wait3A_345 = arith.constant 0 : i32
    %dma_wait3A_346 = tpu.memref_slice %arg3[%add3A_107, %dma_wait3A_345] : memref<2048x768xf32, #tpu.memory_space<hbm>> -> memref<16x768xf32, #tpu.memory_space<hbm>>
    %dma_wait3A_347 = arith.constant 0 : i32
    %dma_wait3A_348 = arith.constant 0 : i32
    %dma_wait3A_349 = tpu.memref_slice %arg11[%dma_wait3A_340, %dma_wait3A_347, %dma_wait3A_348] : memref<4x16x768xf32, #tpu.memory_space<vmem>> -> memref<1x16x768xf32, #tpu.memory_space<vmem>>
    %dma_wait3A_350 = tpu.memref_squeeze %dma_wait3A_349 : memref<1x16x768xf32, #tpu.memory_space<vmem>> -> memref<16x768xf32, #tpu.memory_space<vmem>>
    %dma_wait3A_351 = arith.constant 0 : i32
    %dma_wait3A_352 = tpu.memref_slice %arg3[%add3A_107, %dma_wait3A_351] : memref<2048x768xf32, #tpu.memory_space<hbm>> -> memref<16x768xf32, #tpu.memory_space<hbm>>
    tpu.wait_dma2 semaphore(%arg13 : memref<!tpu.dma_semaphore, #tpu.memory_space<semaphore_mem>>) src(%dma_wait3A_352 : memref<16x768xf32, #tpu.memory_space<hbm>>) dst(%dma_wait3A_350 : memref<16x768xf32, #tpu.memory_space<vmem>>)
    %dma_wait3A_353 = arith.constant 3 : i32
    %dma_wait3A_354 = arith.constant 0 : i32
    %dma_wait3A_355 = tpu.memref_slice %arg8[%dma_wait3A_353, %dma_wait3A_354] : memref<4x32xi32, #tpu.memory_space<vmem>> -> memref<1x32xi32, #tpu.memory_space<vmem>>
    %dma_wait3A_356 = tpu.memref_squeeze %dma_wait3A_355 : memref<1x32xi32, #tpu.memory_space<vmem>> -> memref<32xi32, #tpu.memory_space<vmem>>
    %dma_wait3A_357 = tpu.memref_slice %arg4[%mul3A_161] : memref<4096xi32, #tpu.memory_space<hbm>> -> memref<32xi32, #tpu.memory_space<hbm>>
    %dma_wait3A_358 = arith.constant 0 : i32
    %dma_wait3A_359 = tpu.memref_slice %arg8[%dma_wait3A_353, %dma_wait3A_358] : memref<4x32xi32, #tpu.memory_space<vmem>> -> memref<1x32xi32, #tpu.memory_space<vmem>>
    %dma_wait3A_360 = tpu.memref_squeeze %dma_wait3A_359 : memref<1x32xi32, #tpu.memory_space<vmem>> -> memref<32xi32, #tpu.memory_space<vmem>>
    %dma_wait3A_361 = tpu.memref_slice %arg4[%mul3A_161] : memref<4096xi32, #tpu.memory_space<hbm>> -> memref<32xi32, #tpu.memory_space<hbm>>
    tpu.wait_dma2 semaphore(%arg13 : memref<!tpu.dma_semaphore, #tpu.memory_space<semaphore_mem>>) src(%dma_wait3A_361 : memref<32xi32, #tpu.memory_space<hbm>>) dst(%dma_wait3A_360 : memref<32xi32, #tpu.memory_space<vmem>>)
    %dma_wait3A_362 = arith.constant 3 : i32
    %dma_wait3A_363 = arith.constant 0 : i32
    %dma_wait3A_364 = arith.constant 0 : i32
    %dma_wait3A_365 = tpu.memref_slice %arg9[%dma_wait3A_362, %dma_wait3A_363, %dma_wait3A_364] : memref<4x16x16xf32, #tpu.memory_space<vmem>> -> memref<1x16x16xf32, #tpu.memory_space<vmem>>
    %dma_wait3A_366 = tpu.memref_squeeze %dma_wait3A_365 : memref<1x16x16xf32, #tpu.memory_space<vmem>> -> memref<16x16xf32, #tpu.memory_space<vmem>>
    %dma_wait3A_367 = arith.constant 0 : i32
    %dma_wait3A_368 = tpu.memref_slice %arg5[%add3A_159, %dma_wait3A_367] : memref<2048x16xf32, #tpu.memory_space<hbm>> -> memref<16x16xf32, #tpu.memory_space<hbm>>
    %dma_wait3A_369 = arith.constant 0 : i32
    %dma_wait3A_370 = arith.constant 0 : i32
    %dma_wait3A_371 = tpu.memref_slice %arg9[%dma_wait3A_362, %dma_wait3A_369, %dma_wait3A_370] : memref<4x16x16xf32, #tpu.memory_space<vmem>> -> memref<1x16x16xf32, #tpu.memory_space<vmem>>
    %dma_wait3A_372 = tpu.memref_squeeze %dma_wait3A_371 : memref<1x16x16xf32, #tpu.memory_space<vmem>> -> memref<16x16xf32, #tpu.memory_space<vmem>>
    %dma_wait3A_373 = arith.constant 0 : i32
    %dma_wait3A_374 = tpu.memref_slice %arg5[%add3A_159, %dma_wait3A_373] : memref<2048x16xf32, #tpu.memory_space<hbm>> -> memref<16x16xf32, #tpu.memory_space<hbm>>
    tpu.wait_dma2 semaphore(%arg13 : memref<!tpu.dma_semaphore, #tpu.memory_space<semaphore_mem>>) src(%dma_wait3A_374 : memref<16x16xf32, #tpu.memory_space<hbm>>) dst(%dma_wait3A_372 : memref<16x16xf32, #tpu.memory_space<vmem>>)
    %dma_wait3A_375 = arith.constant 3 : i32
    %dma_wait3A_376 = arith.constant 0 : i32
    %dma_wait3A_377 = arith.constant 0 : i32
    %dma_wait3A_378 = tpu.memref_slice %arg10[%dma_wait3A_375, %dma_wait3A_376, %dma_wait3A_377] : memref<4x16x16xf32, #tpu.memory_space<vmem>> -> memref<1x16x16xf32, #tpu.memory_space<vmem>>
    %dma_wait3A_379 = tpu.memref_squeeze %dma_wait3A_378 : memref<1x16x16xf32, #tpu.memory_space<vmem>> -> memref<16x16xf32, #tpu.memory_space<vmem>>
    %dma_wait3A_380 = arith.constant 0 : i32
    %dma_wait3A_381 = tpu.memref_slice %arg6[%add3A_159, %dma_wait3A_380] : memref<2048x16xf32, #tpu.memory_space<hbm>> -> memref<16x16xf32, #tpu.memory_space<hbm>>
    %dma_wait3A_382 = arith.constant 0 : i32
    %dma_wait3A_383 = arith.constant 0 : i32
    %dma_wait3A_384 = tpu.memref_slice %arg10[%dma_wait3A_375, %dma_wait3A_382, %dma_wait3A_383] : memref<4x16x16xf32, #tpu.memory_space<vmem>> -> memref<1x16x16xf32, #tpu.memory_space<vmem>>
    %dma_wait3A_385 = tpu.memref_squeeze %dma_wait3A_384 : memref<1x16x16xf32, #tpu.memory_space<vmem>> -> memref<16x16xf32, #tpu.memory_space<vmem>>
    %dma_wait3A_386 = arith.constant 0 : i32
    %dma_wait3A_387 = tpu.memref_slice %arg6[%add3A_159, %dma_wait3A_386] : memref<2048x16xf32, #tpu.memory_space<hbm>> -> memref<16x16xf32, #tpu.memory_space<hbm>>
    tpu.wait_dma2 semaphore(%arg13 : memref<!tpu.dma_semaphore, #tpu.memory_space<semaphore_mem>>) src(%dma_wait3A_387 : memref<16x16xf32, #tpu.memory_space<hbm>>) dst(%dma_wait3A_385 : memref<16x16xf32, #tpu.memory_space<vmem>>)
    %dma_wait3A_388 = arith.constant 3 : i32
    %dma_wait3A_389 = arith.constant 0 : i32
    %dma_wait3A_390 = arith.constant 0 : i32
    %dma_wait3A_391 = tpu.memref_slice %arg11[%dma_wait3A_388, %dma_wait3A_389, %dma_wait3A_390] : memref<4x16x768xf32, #tpu.memory_space<vmem>> -> memref<1x16x768xf32, #tpu.memory_space<vmem>>
    %dma_wait3A_392 = tpu.memref_squeeze %dma_wait3A_391 : memref<1x16x768xf32, #tpu.memory_space<vmem>> -> memref<16x768xf32, #tpu.memory_space<vmem>>
    %dma_wait3A_393 = arith.constant 0 : i32
    %dma_wait3A_394 = tpu.memref_slice %arg3[%add3A_159, %dma_wait3A_393] : memref<2048x768xf32, #tpu.memory_space<hbm>> -> memref<16x768xf32, #tpu.memory_space<hbm>>
    %dma_wait3A_395 = arith.constant 0 : i32
    %dma_wait3A_396 = arith.constant 0 : i32
    %dma_wait3A_397 = tpu.memref_slice %arg11[%dma_wait3A_388, %dma_wait3A_395, %dma_wait3A_396] : memref<4x16x768xf32, #tpu.memory_space<vmem>> -> memref<1x16x768xf32, #tpu.memory_space<vmem>>
    %dma_wait3A_398 = tpu.memref_squeeze %dma_wait3A_397 : memref<1x16x768xf32, #tpu.memory_space<vmem>> -> memref<16x768xf32, #tpu.memory_space<vmem>>
    %dma_wait3A_399 = arith.constant 0 : i32
    %dma_wait3A_400 = tpu.memref_slice %arg3[%add3A_159, %dma_wait3A_399] : memref<2048x768xf32, #tpu.memory_space<hbm>> -> memref<16x768xf32, #tpu.memory_space<hbm>>
    tpu.wait_dma2 semaphore(%arg13 : memref<!tpu.dma_semaphore, #tpu.memory_space<semaphore_mem>>) src(%dma_wait3A_400 : memref<16x768xf32, #tpu.memory_space<hbm>>) dst(%dma_wait3A_398 : memref<16x768xf32, #tpu.memory_space<vmem>>)
    %dma_start3A_401 = arith.constant 0 : i32
    %dma_start3A_402 = arith.constant 0 : i32
    %dma_start3A_403 = arith.constant 0 : i32
    %dma_start3A_404 = arith.constant 0 : i32
    %dma_start3A_405 = tpu.memref_slice %arg12[%dma_start3A_402, %dma_start3A_403, %dma_start3A_404] : memref<2x32x768xf32, #tpu.memory_space<vmem>> -> memref<1x32x768xf32, #tpu.memory_space<vmem>>
    %dma_start3A_406 = tpu.memref_squeeze %dma_start3A_405 : memref<1x32x768xf32, #tpu.memory_space<vmem>> -> memref<32x768xf32, #tpu.memory_space<vmem>>
    %dma_start3A_407 = arith.constant 0 : i32
    %dma_start3A_408 = tpu.memref_slice %arg8[%dma_start3A_401, %dma_start3A_407] : memref<4x32xi32, #tpu.memory_space<vmem>> -> memref<1x32xi32, #tpu.memory_space<vmem>>
    %dma_start3A_409 = tpu.memref_squeeze %dma_start3A_408 : memref<1x32xi32, #tpu.memory_space<vmem>> -> memref<32xi32, #tpu.memory_space<vmem>>
    %dma_start3A_410 = arith.constant 0 : i32
    %dma_start3A_411 = arith.constant 0 : i32
    %dma_start3A_412 = tpu.memref_slice %arg2[%dma_start3A_410, %dma_start3A_411] : memref<5120x768xf32, #tpu.memory_space<hbm>> -> memref<5120x768xf32, #tpu.memory_space<hbm>>
    tpu.enqueue_indirect_dma source(%dma_start3A_412 : memref<5120x768xf32, #tpu.memory_space<hbm>>) target(%dma_start3A_406 : memref<32x768xf32, #tpu.memory_space<vmem>>) offsets(%dma_start3A_409 : memref<32xi32, #tpu.memory_space<vmem>>) semaphore(%arg14 : memref<!tpu.dma_semaphore, #tpu.memory_space<semaphore_mem>>)
    %dma_start3A_413 = arith.constant 1 : i32
    %dma_start3A_414 = arith.constant 1 : i32
    %dma_start3A_415 = arith.constant 0 : i32
    %dma_start3A_416 = arith.constant 0 : i32
    %dma_start3A_417 = tpu.memref_slice %arg12[%dma_start3A_414, %dma_start3A_415, %dma_start3A_416] : memref<2x32x768xf32, #tpu.memory_space<vmem>> -> memref<1x32x768xf32, #tpu.memory_space<vmem>>
    %dma_start3A_418 = tpu.memref_squeeze %dma_start3A_417 : memref<1x32x768xf32, #tpu.memory_space<vmem>> -> memref<32x768xf32, #tpu.memory_space<vmem>>
    %dma_start3A_419 = arith.constant 0 : i32
    %dma_start3A_420 = tpu.memref_slice %arg8[%dma_start3A_413, %dma_start3A_419] : memref<4x32xi32, #tpu.memory_space<vmem>> -> memref<1x32xi32, #tpu.memory_space<vmem>>
    %dma_start3A_421 = tpu.memref_squeeze %dma_start3A_420 : memref<1x32xi32, #tpu.memory_space<vmem>> -> memref<32xi32, #tpu.memory_space<vmem>>
    %dma_start3A_422 = arith.constant 0 : i32
    %dma_start3A_423 = arith.constant 0 : i32
    %dma_start3A_424 = tpu.memref_slice %arg2[%dma_start3A_422, %dma_start3A_423] : memref<5120x768xf32, #tpu.memory_space<hbm>> -> memref<5120x768xf32, #tpu.memory_space<hbm>>
    tpu.enqueue_indirect_dma source(%dma_start3A_424 : memref<5120x768xf32, #tpu.memory_space<hbm>>) target(%dma_start3A_418 : memref<32x768xf32, #tpu.memory_space<vmem>>) offsets(%dma_start3A_421 : memref<32xi32, #tpu.memory_space<vmem>>) semaphore(%arg14 : memref<!tpu.dma_semaphore, #tpu.memory_space<semaphore_mem>>)
    %dma_wait3A_425 = arith.constant 0 : i32
    %dma_wait3A_426 = arith.constant 0 : i32
    %dma_wait3A_427 = arith.constant 0 : i32
    %dma_wait3A_428 = arith.constant 0 : i32
    %dma_wait3A_429 = tpu.memref_slice %arg12[%dma_wait3A_426, %dma_wait3A_427, %dma_wait3A_428] : memref<2x32x768xf32, #tpu.memory_space<vmem>> -> memref<1x32x768xf32, #tpu.memory_space<vmem>>
    %dma_wait3A_430 = tpu.memref_squeeze %dma_wait3A_429 : memref<1x32x768xf32, #tpu.memory_space<vmem>> -> memref<32x768xf32, #tpu.memory_space<vmem>>
    %dma_wait3A_431 = arith.constant 0 : i32
    %dma_wait3A_432 = tpu.memref_slice %arg8[%dma_wait3A_425, %dma_wait3A_431] : memref<4x32xi32, #tpu.memory_space<vmem>> -> memref<1x32xi32, #tpu.memory_space<vmem>>
    %dma_wait3A_433 = tpu.memref_squeeze %dma_wait3A_432 : memref<1x32xi32, #tpu.memory_space<vmem>> -> memref<32xi32, #tpu.memory_space<vmem>>
    %dma_wait3A_434 = arith.constant 0 : i32
    %dma_wait3A_435 = arith.constant 0 : i32
    %dma_wait3A_436 = tpu.memref_slice %arg2[%dma_wait3A_434, %dma_wait3A_435] : memref<5120x768xf32, #tpu.memory_space<hbm>> -> memref<5120x768xf32, #tpu.memory_space<hbm>>
    tpu.wait_indirect_dma semaphore(%arg14 : memref<!tpu.dma_semaphore, #tpu.memory_space<semaphore_mem>>) src(%dma_wait3A_436 : memref<5120x768xf32, #tpu.memory_space<hbm>>) dst(%dma_wait3A_430 : memref<32x768xf32, #tpu.memory_space<vmem>>)
    %parallel_loop3A = arith.constant 0 : i32
    %parallel_loop3A_437 = arith.constant 16 : i32
    %parallel_loop3A_438 = arith.constant 1 : i32
    scf.for %parallel_loop3A_620 = %parallel_loop3A to %parallel_loop3A_437 step %parallel_loop3A_438  : i32 {
      %parallel_loop3A_621 = arith.constant 0 : i32
      %parallel_loop3A_622 = arith.index_cast %parallel_loop3A_621 : i32 to index
      %parallel_loop3A_623 = arith.index_cast %parallel_loop3A_620 : i32 to index
      %parallel_loop3A_624 = arith.constant 0 : index
      %parallel_loop3A_625 = tpu.vector_load %arg9[%parallel_loop3A_622, %parallel_loop3A_623, %parallel_loop3A_624] {strides = array<i32>} : memref<4x16x16xf32, #tpu.memory_space<vmem>>, vector<1x1x16xf32>,
      %parallel_loop3A_626 = vector.shape_cast %parallel_loop3A_625 : vector<1x1x16xf32> to vector<16xf32>
      %parallel_loop3A_627 = arith.constant 0 : i32
      %parallel_loop3A_628 = arith.index_cast %parallel_loop3A_627 : i32 to index
      %parallel_loop3A_629 = arith.index_cast %parallel_loop3A_620 : i32 to index
      %parallel_loop3A_630 = arith.constant 0 : index
      %parallel_loop3A_631 = tpu.vector_load %arg10[%parallel_loop3A_628, %parallel_loop3A_629, %parallel_loop3A_630] {strides = array<i32>} : memref<4x16x16xf32, #tpu.memory_space<vmem>>, vector<1x1x16xf32>,
      %parallel_loop3A_632 = vector.shape_cast %parallel_loop3A_631 : vector<1x1x16xf32> to vector<16xf32>
      %parallel_loop3A_633 = arith.constant 0 : i32
      %parallel_loop3A_634 = arith.constant 48 : i32
      %parallel_loop3A_635 = arith.constant 1 : i32
      scf.for %parallel_loop3A_636 = %parallel_loop3A_633 to %parallel_loop3A_634 step %parallel_loop3A_635  : i32 {
        %parallel_loop3A_637 = arith.constant 16 : i32
        %parallel_loop3A_638 = arith.muli %parallel_loop3A_636, %parallel_loop3A_637 : i32
        %parallel_loop3A_639 = arith.constant 2 : i32
        %parallel_loop3A_640 = arith.muli %parallel_loop3A_639, %parallel_loop3A_620 : i32
        %parallel_loop3A_641 = arith.constant 0 : i32
        %parallel_loop3A_642 = arith.index_cast %parallel_loop3A_641 : i32 to index
        %parallel_loop3A_643 = arith.index_cast %parallel_loop3A_640 : i32 to index
        %parallel_loop3A_644 = arith.index_cast %parallel_loop3A_638 : i32 to index
        %parallel_loop3A_645 = tpu.vector_load %arg12[%parallel_loop3A_642, %parallel_loop3A_643, %parallel_loop3A_644] {strides = array<i32>} : memref<2x32x768xf32, #tpu.memory_space<vmem>>, vector<1x1x16xf32>,
        %parallel_loop3A_646 = vector.shape_cast %parallel_loop3A_645 : vector<1x1x16xf32> to vector<16xf32>
        %parallel_loop3A_647 = arith.mulf %parallel_loop3A_626, %parallel_loop3A_646 : vector<16xf32>
        %parallel_loop3A_648 = arith.constant 2 : i32
        %parallel_loop3A_649 = arith.muli %parallel_loop3A_648, %parallel_loop3A_620 : i32
        %parallel_loop3A_650 = arith.constant 1 : i32
        %parallel_loop3A_651 = arith.addi %parallel_loop3A_649, %parallel_loop3A_650 : i32
        %parallel_loop3A_652 = arith.constant 0 : i32
        %parallel_loop3A_653 = arith.index_cast %parallel_loop3A_652 : i32 to index
        %parallel_loop3A_654 = arith.index_cast %parallel_loop3A_651 : i32 to index
        %parallel_loop3A_655 = arith.index_cast %parallel_loop3A_638 : i32 to index
        %parallel_loop3A_656 = tpu.vector_load %arg12[%parallel_loop3A_653, %parallel_loop3A_654, %parallel_loop3A_655] {strides = array<i32>} : memref<2x32x768xf32, #tpu.memory_space<vmem>>, vector<1x1x16xf32>,
        %parallel_loop3A_657 = vector.shape_cast %parallel_loop3A_656 : vector<1x1x16xf32> to vector<16xf32>
        %parallel_loop3A_658 = arith.mulf %parallel_loop3A_632, %parallel_loop3A_657 : vector<16xf32>
        %parallel_loop3A_659 = arith.addf %parallel_loop3A_647, %parallel_loop3A_658 : vector<16xf32>
        %parallel_loop3A_660 = arith.constant 0 : i32
        %parallel_loop3A_661 = arith.index_cast %parallel_loop3A_660 : i32 to index
        %parallel_loop3A_662 = arith.index_cast %parallel_loop3A_620 : i32 to index
        %parallel_loop3A_663 = arith.index_cast %parallel_loop3A_638 : i32 to index
        %parallel_loop3A_664 = tpu.vector_load %arg11[%parallel_loop3A_661, %parallel_loop3A_662, %parallel_loop3A_663] {strides = array<i32>} : memref<4x16x768xf32, #tpu.memory_space<vmem>>, vector<1x1x16xf32>,
        %parallel_loop3A_665 = vector.shape_cast %parallel_loop3A_664 : vector<1x1x16xf32> to vector<16xf32>
        %parallel_loop3A_666 = arith.addf %parallel_loop3A_659, %parallel_loop3A_665 : vector<16xf32>
        %parallel_loop3A_667 = arith.constant 0 : i32
        %parallel_loop3A_668 = arith.index_cast %parallel_loop3A_667 : i32 to index
        %parallel_loop3A_669 = arith.index_cast %parallel_loop3A_620 : i32 to index
        %parallel_loop3A_670 = arith.index_cast %parallel_loop3A_638 : i32 to index
        %parallel_loop3A_671 = tpu.vector_load %arg11[%parallel_loop3A_668, %parallel_loop3A_669, %parallel_loop3A_670] {strides = array<i32>} : memref<4x16x768xf32, #tpu.memory_space<vmem>>, vector<1x1x16xf32>,
        %parallel_loop3A_672 = vector.shape_cast %parallel_loop3A_671 : vector<1x1x16xf32> to vector<16xf32>
        %parallel_loop3A_673 = vector.shape_cast %parallel_loop3A_666 : vector<16xf32> to vector<1x1x16xf32>
        tpu.vector_store %arg11[%parallel_loop3A_668, %parallel_loop3A_669, %parallel_loop3A_670], %parallel_loop3A_673 {strides = array<i32>} : memref<4x16x768xf32, #tpu.memory_space<vmem>>, vector<1x1x16xf32>,
      } {sc.loop_unroll_factor = 4 : i64, sc.parallel_access}
    } {sc.loop_unroll_factor = 1 : i64, sc.parallel_access}
    %add3A_439 = arith.constant 0 : i32
    %add3A_440 = arith.addi %mul3A_2, %add3A_439 : i32
    %dma_start3A_441 = arith.constant 0 : i32
    %dma_start3A_442 = arith.constant 0 : i32
    %dma_start3A_443 = arith.constant 0 : i32
    %dma_start3A_444 = tpu.memref_slice %arg11[%dma_start3A_441, %dma_start3A_442, %dma_start3A_443] : memref<4x16x768xf32, #tpu.memory_space<vmem>> -> memref<1x16x768xf32, #tpu.memory_space<vmem>>
    %dma_start3A_445 = tpu.memref_squeeze %dma_start3A_444 : memref<1x16x768xf32, #tpu.memory_space<vmem>> -> memref<16x768xf32, #tpu.memory_space<vmem>>
    %dma_start3A_446 = arith.constant 0 : i32
    %dma_start3A_447 = tpu.memref_slice %arg7[%add3A_440, %dma_start3A_446] : memref<2048x768xf32, #tpu.memory_space<hbm>> -> memref<16x768xf32, #tpu.memory_space<hbm>>
    %dma_start3A_448 = arith.constant 0 : i32
    %dma_start3A_449 = tpu.memref_slice %arg7[%add3A_440, %dma_start3A_448] : memref<2048x768xf32, #tpu.memory_space<hbm>> -> memref<16x768xf32, #tpu.memory_space<hbm>>
    %dma_start3A_450 = arith.constant 0 : i32
    %dma_start3A_451 = arith.constant 0 : i32
    %dma_start3A_452 = tpu.memref_slice %arg11[%dma_start3A_441, %dma_start3A_450, %dma_start3A_451] : memref<4x16x768xf32, #tpu.memory_space<vmem>> -> memref<1x16x768xf32, #tpu.memory_space<vmem>>
    %dma_start3A_453 = tpu.memref_squeeze %dma_start3A_452 : memref<1x16x768xf32, #tpu.memory_space<vmem>> -> memref<16x768xf32, #tpu.memory_space<vmem>>
    tpu.enqueue_dma source(%dma_start3A_453 : memref<16x768xf32, #tpu.memory_space<vmem>>) target(%dma_start3A_449 : memref<16x768xf32, #tpu.memory_space<hbm>>) target_semaphore(%arg15 : memref<!tpu.dma_semaphore, #tpu.memory_space<semaphore_mem>>)
    %dma_start3A_454 = arith.constant 2 : i32
    %dma_start3A_455 = arith.constant 0 : i32
    %dma_start3A_456 = arith.constant 0 : i32
    %dma_start3A_457 = arith.constant 0 : i32
    %dma_start3A_458 = tpu.memref_slice %arg12[%dma_start3A_455, %dma_start3A_456, %dma_start3A_457] : memref<2x32x768xf32, #tpu.memory_space<vmem>> -> memref<1x32x768xf32, #tpu.memory_space<vmem>>
    %dma_start3A_459 = tpu.memref_squeeze %dma_start3A_458 : memref<1x32x768xf32, #tpu.memory_space<vmem>> -> memref<32x768xf32, #tpu.memory_space<vmem>>
    %dma_start3A_460 = arith.constant 0 : i32
    %dma_start3A_461 = tpu.memref_slice %arg8[%dma_start3A_454, %dma_start3A_460] : memref<4x32xi32, #tpu.memory_space<vmem>> -> memref<1x32xi32, #tpu.memory_space<vmem>>
    %dma_start3A_462 = tpu.memref_squeeze %dma_start3A_461 : memref<1x32xi32, #tpu.memory_space<vmem>> -> memref<32xi32, #tpu.memory_space<vmem>>
    %dma_start3A_463 = arith.constant 0 : i32
    %dma_start3A_464 = arith.constant 0 : i32
    %dma_start3A_465 = tpu.memref_slice %arg2[%dma_start3A_463, %dma_start3A_464] : memref<5120x768xf32, #tpu.memory_space<hbm>> -> memref<5120x768xf32, #tpu.memory_space<hbm>>
    tpu.enqueue_indirect_dma source(%dma_start3A_465 : memref<5120x768xf32, #tpu.memory_space<hbm>>) target(%dma_start3A_459 : memref<32x768xf32, #tpu.memory_space<vmem>>) offsets(%dma_start3A_462 : memref<32xi32, #tpu.memory_space<vmem>>) semaphore(%arg14 : memref<!tpu.dma_semaphore, #tpu.memory_space<semaphore_mem>>)
    %dma_wait3A_466 = arith.constant 1 : i32
    %dma_wait3A_467 = arith.constant 1 : i32
    %dma_wait3A_468 = arith.constant 0 : i32
    %dma_wait3A_469 = arith.constant 0 : i32
    %dma_wait3A_470 = tpu.memref_slice %arg12[%dma_wait3A_467, %dma_wait3A_468, %dma_wait3A_469] : memref<2x32x768xf32, #tpu.memory_space<vmem>> -> memref<1x32x768xf32, #tpu.memory_space<vmem>>
    %dma_wait3A_471 = tpu.memref_squeeze %dma_wait3A_470 : memref<1x32x768xf32, #tpu.memory_space<vmem>> -> memref<32x768xf32, #tpu.memory_space<vmem>>
    %dma_wait3A_472 = arith.constant 0 : i32
    %dma_wait3A_473 = tpu.memref_slice %arg8[%dma_wait3A_466, %dma_wait3A_472] : memref<4x32xi32, #tpu.memory_space<vmem>> -> memref<1x32xi32, #tpu.memory_space<vmem>>
    %dma_wait3A_474 = tpu.memref_squeeze %dma_wait3A_473 : memref<1x32xi32, #tpu.memory_space<vmem>> -> memref<32xi32, #tpu.memory_space<vmem>>
    %dma_wait3A_475 = arith.constant 0 : i32
    %dma_wait3A_476 = arith.constant 0 : i32
    %dma_wait3A_477 = tpu.memref_slice %arg2[%dma_wait3A_475, %dma_wait3A_476] : memref<5120x768xf32, #tpu.memory_space<hbm>> -> memref<5120x768xf32, #tpu.memory_space<hbm>>
    tpu.wait_indirect_dma semaphore(%arg14 : memref<!tpu.dma_semaphore, #tpu.memory_space<semaphore_mem>>) src(%dma_wait3A_477 : memref<5120x768xf32, #tpu.memory_space<hbm>>) dst(%dma_wait3A_471 : memref<32x768xf32, #tpu.memory_space<vmem>>)
    %parallel_loop3A_478 = arith.constant 0 : i32
    %parallel_loop3A_479 = arith.constant 16 : i32
    %parallel_loop3A_480 = arith.constant 1 : i32
    scf.for %parallel_loop3A_620 = %parallel_loop3A_478 to %parallel_loop3A_479 step %parallel_loop3A_480  : i32 {
      %parallel_loop3A_621 = arith.constant 1 : i32
      %parallel_loop3A_622 = arith.index_cast %parallel_loop3A_621 : i32 to index
      %parallel_loop3A_623 = arith.index_cast %parallel_loop3A_620 : i32 to index
      %parallel_loop3A_624 = arith.constant 0 : index
      %parallel_loop3A_625 = tpu.vector_load %arg9[%parallel_loop3A_622, %parallel_loop3A_623, %parallel_loop3A_624] {strides = array<i32>} : memref<4x16x16xf32, #tpu.memory_space<vmem>>, vector<1x1x16xf32>,
      %parallel_loop3A_626 = vector.shape_cast %parallel_loop3A_625 : vector<1x1x16xf32> to vector<16xf32>
      %parallel_loop3A_627 = arith.constant 1 : i32
      %parallel_loop3A_628 = arith.index_cast %parallel_loop3A_627 : i32 to index
      %parallel_loop3A_629 = arith.index_cast %parallel_loop3A_620 : i32 to index
      %parallel_loop3A_630 = arith.constant 0 : index
      %parallel_loop3A_631 = tpu.vector_load %arg10[%parallel_loop3A_628, %parallel_loop3A_629, %parallel_loop3A_630] {strides = array<i32>} : memref<4x16x16xf32, #tpu.memory_space<vmem>>, vector<1x1x16xf32>,
      %parallel_loop3A_632 = vector.shape_cast %parallel_loop3A_631 : vector<1x1x16xf32> to vector<16xf32>
      %parallel_loop3A_633 = arith.constant 0 : i32
      %parallel_loop3A_634 = arith.constant 48 : i32
      %parallel_loop3A_635 = arith.constant 1 : i32
      scf.for %parallel_loop3A_636 = %parallel_loop3A_633 to %parallel_loop3A_634 step %parallel_loop3A_635  : i32 {
        %parallel_loop3A_637 = arith.constant 16 : i32
        %parallel_loop3A_638 = arith.muli %parallel_loop3A_636, %parallel_loop3A_637 : i32
        %parallel_loop3A_639 = arith.constant 2 : i32
        %parallel_loop3A_640 = arith.muli %parallel_loop3A_639, %parallel_loop3A_620 : i32
        %parallel_loop3A_641 = arith.constant 1 : i32
        %parallel_loop3A_642 = arith.index_cast %parallel_loop3A_641 : i32 to index
        %parallel_loop3A_643 = arith.index_cast %parallel_loop3A_640 : i32 to index
        %parallel_loop3A_644 = arith.index_cast %parallel_loop3A_638 : i32 to index
        %parallel_loop3A_645 = tpu.vector_load %arg12[%parallel_loop3A_642, %parallel_loop3A_643, %parallel_loop3A_644] {strides = array<i32>} : memref<2x32x768xf32, #tpu.memory_space<vmem>>, vector<1x1x16xf32>,
        %parallel_loop3A_646 = vector.shape_cast %parallel_loop3A_645 : vector<1x1x16xf32> to vector<16xf32>
        %parallel_loop3A_647 = arith.mulf %parallel_loop3A_626, %parallel_loop3A_646 : vector<16xf32>
        %parallel_loop3A_648 = arith.constant 2 : i32
        %parallel_loop3A_649 = arith.muli %parallel_loop3A_648, %parallel_loop3A_620 : i32
        %parallel_loop3A_650 = arith.constant 1 : i32
        %parallel_loop3A_651 = arith.addi %parallel_loop3A_649, %parallel_loop3A_650 : i32
        %parallel_loop3A_652 = arith.constant 1 : i32
        %parallel_loop3A_653 = arith.index_cast %parallel_loop3A_652 : i32 to index
        %parallel_loop3A_654 = arith.index_cast %parallel_loop3A_651 : i32 to index
        %parallel_loop3A_655 = arith.index_cast %parallel_loop3A_638 : i32 to index
        %parallel_loop3A_656 = tpu.vector_load %arg12[%parallel_loop3A_653, %parallel_loop3A_654, %parallel_loop3A_655] {strides = array<i32>} : memref<2x32x768xf32, #tpu.memory_space<vmem>>, vector<1x1x16xf32>,
        %parallel_loop3A_657 = vector.shape_cast %parallel_loop3A_656 : vector<1x1x16xf32> to vector<16xf32>
        %parallel_loop3A_658 = arith.mulf %parallel_loop3A_632, %parallel_loop3A_657 : vector<16xf32>
        %parallel_loop3A_659 = arith.addf %parallel_loop3A_647, %parallel_loop3A_658 : vector<16xf32>
        %parallel_loop3A_660 = arith.constant 1 : i32
        %parallel_loop3A_661 = arith.index_cast %parallel_loop3A_660 : i32 to index
        %parallel_loop3A_662 = arith.index_cast %parallel_loop3A_620 : i32 to index
        %parallel_loop3A_663 = arith.index_cast %parallel_loop3A_638 : i32 to index
        %parallel_loop3A_664 = tpu.vector_load %arg11[%parallel_loop3A_661, %parallel_loop3A_662, %parallel_loop3A_663] {strides = array<i32>} : memref<4x16x768xf32, #tpu.memory_space<vmem>>, vector<1x1x16xf32>,
        %parallel_loop3A_665 = vector.shape_cast %parallel_loop3A_664 : vector<1x1x16xf32> to vector<16xf32>
        %parallel_loop3A_666 = arith.addf %parallel_loop3A_659, %parallel_loop3A_665 : vector<16xf32>
        %parallel_loop3A_667 = arith.constant 1 : i32
        %parallel_loop3A_668 = arith.index_cast %parallel_loop3A_667 : i32 to index
        %parallel_loop3A_669 = arith.index_cast %parallel_loop3A_620 : i32 to index
        %parallel_loop3A_670 = arith.index_cast %parallel_loop3A_638 : i32 to index
        %parallel_loop3A_671 = tpu.vector_load %arg11[%parallel_loop3A_668, %parallel_loop3A_669, %parallel_loop3A_670] {strides = array<i32>} : memref<4x16x768xf32, #tpu.memory_space<vmem>>, vector<1x1x16xf32>,
        %parallel_loop3A_672 = vector.shape_cast %parallel_loop3A_671 : vector<1x1x16xf32> to vector<16xf32>
        %parallel_loop3A_673 = vector.shape_cast %parallel_loop3A_666 : vector<16xf32> to vector<1x1x16xf32>
        tpu.vector_store %arg11[%parallel_loop3A_668, %parallel_loop3A_669, %parallel_loop3A_670], %parallel_loop3A_673 {strides = array<i32>} : memref<4x16x768xf32, #tpu.memory_space<vmem>>, vector<1x1x16xf32>,
      } {sc.loop_unroll_factor = 4 : i64, sc.parallel_access}
    } {sc.loop_unroll_factor = 1 : i64, sc.parallel_access}
    %add3A_481 = arith.constant 16 : i32
    %add3A_482 = arith.addi %mul3A_2, %add3A_481 : i32
    %dma_start3A_483 = arith.constant 1 : i32
    %dma_start3A_484 = arith.constant 0 : i32
    %dma_start3A_485 = arith.constant 0 : i32
    %dma_start3A_486 = tpu.memref_slice %arg11[%dma_start3A_483, %dma_start3A_484, %dma_start3A_485] : memref<4x16x768xf32, #tpu.memory_space<vmem>> -> memref<1x16x768xf32, #tpu.memory_space<vmem>>
    %dma_start3A_487 = tpu.memref_squeeze %dma_start3A_486 : memref<1x16x768xf32, #tpu.memory_space<vmem>> -> memref<16x768xf32, #tpu.memory_space<vmem>>
    %dma_start3A_488 = arith.constant 0 : i32
    %dma_start3A_489 = tpu.memref_slice %arg7[%add3A_482, %dma_start3A_488] : memref<2048x768xf32, #tpu.memory_space<hbm>> -> memref<16x768xf32, #tpu.memory_space<hbm>>
    %dma_start3A_490 = arith.constant 0 : i32
    %dma_start3A_491 = tpu.memref_slice %arg7[%add3A_482, %dma_start3A_490] : memref<2048x768xf32, #tpu.memory_space<hbm>> -> memref<16x768xf32, #tpu.memory_space<hbm>>
    %dma_start3A_492 = arith.constant 0 : i32
    %dma_start3A_493 = arith.constant 0 : i32
    %dma_start3A_494 = tpu.memref_slice %arg11[%dma_start3A_483, %dma_start3A_492, %dma_start3A_493] : memref<4x16x768xf32, #tpu.memory_space<vmem>> -> memref<1x16x768xf32, #tpu.memory_space<vmem>>
    %dma_start3A_495 = tpu.memref_squeeze %dma_start3A_494 : memref<1x16x768xf32, #tpu.memory_space<vmem>> -> memref<16x768xf32, #tpu.memory_space<vmem>>
    tpu.enqueue_dma source(%dma_start3A_495 : memref<16x768xf32, #tpu.memory_space<vmem>>) target(%dma_start3A_491 : memref<16x768xf32, #tpu.memory_space<hbm>>) target_semaphore(%arg15 : memref<!tpu.dma_semaphore, #tpu.memory_space<semaphore_mem>>)
    %dma_start3A_496 = arith.constant 3 : i32
    %dma_start3A_497 = arith.constant 1 : i32
    %dma_start3A_498 = arith.constant 0 : i32
    %dma_start3A_499 = arith.constant 0 : i32
    %dma_start3A_500 = tpu.memref_slice %arg12[%dma_start3A_497, %dma_start3A_498, %dma_start3A_499] : memref<2x32x768xf32, #tpu.memory_space<vmem>> -> memref<1x32x768xf32, #tpu.memory_space<vmem>>
    %dma_start3A_501 = tpu.memref_squeeze %dma_start3A_500 : memref<1x32x768xf32, #tpu.memory_space<vmem>> -> memref<32x768xf32, #tpu.memory_space<vmem>>
    %dma_start3A_502 = arith.constant 0 : i32
    %dma_start3A_503 = tpu.memref_slice %arg8[%dma_start3A_496, %dma_start3A_502] : memref<4x32xi32, #tpu.memory_space<vmem>> -> memref<1x32xi32, #tpu.memory_space<vmem>>
    %dma_start3A_504 = tpu.memref_squeeze %dma_start3A_503 : memref<1x32xi32, #tpu.memory_space<vmem>> -> memref<32xi32, #tpu.memory_space<vmem>>
    %dma_start3A_505 = arith.constant 0 : i32
    %dma_start3A_506 = arith.constant 0 : i32
    %dma_start3A_507 = tpu.memref_slice %arg2[%dma_start3A_505, %dma_start3A_506] : memref<5120x768xf32, #tpu.memory_space<hbm>> -> memref<5120x768xf32, #tpu.memory_space<hbm>>
    tpu.enqueue_indirect_dma source(%dma_start3A_507 : memref<5120x768xf32, #tpu.memory_space<hbm>>) target(%dma_start3A_501 : memref<32x768xf32, #tpu.memory_space<vmem>>) offsets(%dma_start3A_504 : memref<32xi32, #tpu.memory_space<vmem>>) semaphore(%arg14 : memref<!tpu.dma_semaphore, #tpu.memory_space<semaphore_mem>>)
    %dma_wait3A_508 = arith.constant 2 : i32
    %dma_wait3A_509 = arith.constant 0 : i32
    %dma_wait3A_510 = arith.constant 0 : i32
    %dma_wait3A_511 = arith.constant 0 : i32
    %dma_wait3A_512 = tpu.memref_slice %arg12[%dma_wait3A_509, %dma_wait3A_510, %dma_wait3A_511] : memref<2x32x768xf32, #tpu.memory_space<vmem>> -> memref<1x32x768xf32, #tpu.memory_space<vmem>>
    %dma_wait3A_513 = tpu.memref_squeeze %dma_wait3A_512 : memref<1x32x768xf32, #tpu.memory_space<vmem>> -> memref<32x768xf32, #tpu.memory_space<vmem>>
    %dma_wait3A_514 = arith.constant 0 : i32
    %dma_wait3A_515 = tpu.memref_slice %arg8[%dma_wait3A_508, %dma_wait3A_514] : memref<4x32xi32, #tpu.memory_space<vmem>> -> memref<1x32xi32, #tpu.memory_space<vmem>>
    %dma_wait3A_516 = tpu.memref_squeeze %dma_wait3A_515 : memref<1x32xi32, #tpu.memory_space<vmem>> -> memref<32xi32, #tpu.memory_space<vmem>>
    %dma_wait3A_517 = arith.constant 0 : i32
    %dma_wait3A_518 = arith.constant 0 : i32
    %dma_wait3A_519 = tpu.memref_slice %arg2[%dma_wait3A_517, %dma_wait3A_518] : memref<5120x768xf32, #tpu.memory_space<hbm>> -> memref<5120x768xf32, #tpu.memory_space<hbm>>
    tpu.wait_indirect_dma semaphore(%arg14 : memref<!tpu.dma_semaphore, #tpu.memory_space<semaphore_mem>>) src(%dma_wait3A_519 : memref<5120x768xf32, #tpu.memory_space<hbm>>) dst(%dma_wait3A_513 : memref<32x768xf32, #tpu.memory_space<vmem>>)
    %parallel_loop3A_520 = arith.constant 0 : i32
    %parallel_loop3A_521 = arith.constant 16 : i32
    %parallel_loop3A_522 = arith.constant 1 : i32
    scf.for %parallel_loop3A_620 = %parallel_loop3A_520 to %parallel_loop3A_521 step %parallel_loop3A_522  : i32 {
      %parallel_loop3A_621 = arith.constant 2 : i32
      %parallel_loop3A_622 = arith.index_cast %parallel_loop3A_621 : i32 to index
      %parallel_loop3A_623 = arith.index_cast %parallel_loop3A_620 : i32 to index
      %parallel_loop3A_624 = arith.constant 0 : index
      %parallel_loop3A_625 = tpu.vector_load %arg9[%parallel_loop3A_622, %parallel_loop3A_623, %parallel_loop3A_624] {strides = array<i32>} : memref<4x16x16xf32, #tpu.memory_space<vmem>>, vector<1x1x16xf32>,
      %parallel_loop3A_626 = vector.shape_cast %parallel_loop3A_625 : vector<1x1x16xf32> to vector<16xf32>
      %parallel_loop3A_627 = arith.constant 2 : i32
      %parallel_loop3A_628 = arith.index_cast %parallel_loop3A_627 : i32 to index
      %parallel_loop3A_629 = arith.index_cast %parallel_loop3A_620 : i32 to index
      %parallel_loop3A_630 = arith.constant 0 : index
      %parallel_loop3A_631 = tpu.vector_load %arg10[%parallel_loop3A_628, %parallel_loop3A_629, %parallel_loop3A_630] {strides = array<i32>} : memref<4x16x16xf32, #tpu.memory_space<vmem>>, vector<1x1x16xf32>,
      %parallel_loop3A_632 = vector.shape_cast %parallel_loop3A_631 : vector<1x1x16xf32> to vector<16xf32>
      %parallel_loop3A_633 = arith.constant 0 : i32
      %parallel_loop3A_634 = arith.constant 48 : i32
      %parallel_loop3A_635 = arith.constant 1 : i32
      scf.for %parallel_loop3A_636 = %parallel_loop3A_633 to %parallel_loop3A_634 step %parallel_loop3A_635  : i32 {
        %parallel_loop3A_637 = arith.constant 16 : i32
        %parallel_loop3A_638 = arith.muli %parallel_loop3A_636, %parallel_loop3A_637 : i32
        %parallel_loop3A_639 = arith.constant 2 : i32
        %parallel_loop3A_640 = arith.muli %parallel_loop3A_639, %parallel_loop3A_620 : i32
        %parallel_loop3A_641 = arith.constant 0 : i32
        %parallel_loop3A_642 = arith.index_cast %parallel_loop3A_641 : i32 to index
        %parallel_loop3A_643 = arith.index_cast %parallel_loop3A_640 : i32 to index
        %parallel_loop3A_644 = arith.index_cast %parallel_loop3A_638 : i32 to index
        %parallel_loop3A_645 = tpu.vector_load %arg12[%parallel_loop3A_642, %parallel_loop3A_643, %parallel_loop3A_644] {strides = array<i32>} : memref<2x32x768xf32, #tpu.memory_space<vmem>>, vector<1x1x16xf32>,
        %parallel_loop3A_646 = vector.shape_cast %parallel_loop3A_645 : vector<1x1x16xf32> to vector<16xf32>
        %parallel_loop3A_647 = arith.mulf %parallel_loop3A_626, %parallel_loop3A_646 : vector<16xf32>
        %parallel_loop3A_648 = arith.constant 2 : i32
        %parallel_loop3A_649 = arith.muli %parallel_loop3A_648, %parallel_loop3A_620 : i32
        %parallel_loop3A_650 = arith.constant 1 : i32
        %parallel_loop3A_651 = arith.addi %parallel_loop3A_649, %parallel_loop3A_650 : i32
        %parallel_loop3A_652 = arith.constant 0 : i32
        %parallel_loop3A_653 = arith.index_cast %parallel_loop3A_652 : i32 to index
        %parallel_loop3A_654 = arith.index_cast %parallel_loop3A_651 : i32 to index
        %parallel_loop3A_655 = arith.index_cast %parallel_loop3A_638 : i32 to index
        %parallel_loop3A_656 = tpu.vector_load %arg12[%parallel_loop3A_653, %parallel_loop3A_654, %parallel_loop3A_655] {strides = array<i32>} : memref<2x32x768xf32, #tpu.memory_space<vmem>>, vector<1x1x16xf32>,
        %parallel_loop3A_657 = vector.shape_cast %parallel_loop3A_656 : vector<1x1x16xf32> to vector<16xf32>
        %parallel_loop3A_658 = arith.mulf %parallel_loop3A_632, %parallel_loop3A_657 : vector<16xf32>
        %parallel_loop3A_659 = arith.addf %parallel_loop3A_647, %parallel_loop3A_658 : vector<16xf32>
        %parallel_loop3A_660 = arith.constant 2 : i32
        %parallel_loop3A_661 = arith.index_cast %parallel_loop3A_660 : i32 to index
        %parallel_loop3A_662 = arith.index_cast %parallel_loop3A_620 : i32 to index
        %parallel_loop3A_663 = arith.index_cast %parallel_loop3A_638 : i32 to index
        %parallel_loop3A_664 = tpu.vector_load %arg11[%parallel_loop3A_661, %parallel_loop3A_662, %parallel_loop3A_663] {strides = array<i32>} : memref<4x16x768xf32, #tpu.memory_space<vmem>>, vector<1x1x16xf32>,
        %parallel_loop3A_665 = vector.shape_cast %parallel_loop3A_664 : vector<1x1x16xf32> to vector<16xf32>
        %parallel_loop3A_666 = arith.addf %parallel_loop3A_659, %parallel_loop3A_665 : vector<16xf32>
        %parallel_loop3A_667 = arith.constant 2 : i32
        %parallel_loop3A_668 = arith.index_cast %parallel_loop3A_667 : i32 to index
        %parallel_loop3A_669 = arith.index_cast %parallel_loop3A_620 : i32 to index
        %parallel_loop3A_670 = arith.index_cast %parallel_loop3A_638 : i32 to index
        %parallel_loop3A_671 = tpu.vector_load %arg11[%parallel_loop3A_668, %parallel_loop3A_669, %parallel_loop3A_670] {strides = array<i32>} : memref<4x16x768xf32, #tpu.memory_space<vmem>>, vector<1x1x16xf32>,
        %parallel_loop3A_672 = vector.shape_cast %parallel_loop3A_671 : vector<1x1x16xf32> to vector<16xf32>
        %parallel_loop3A_673 = vector.shape_cast %parallel_loop3A_666 : vector<16xf32> to vector<1x1x16xf32>
        tpu.vector_store %arg11[%parallel_loop3A_668, %parallel_loop3A_669, %parallel_loop3A_670], %parallel_loop3A_673 {strides = array<i32>} : memref<4x16x768xf32, #tpu.memory_space<vmem>>, vector<1x1x16xf32>,
      } {sc.loop_unroll_factor = 4 : i64, sc.parallel_access}
    } {sc.loop_unroll_factor = 1 : i64, sc.parallel_access}
    %add3A_523 = arith.constant 32 : i32
    %add3A_524 = arith.addi %mul3A_2, %add3A_523 : i32
    %dma_start3A_525 = arith.constant 2 : i32
    %dma_start3A_526 = arith.constant 0 : i32
    %dma_start3A_527 = arith.constant 0 : i32
    %dma_start3A_528 = tpu.memref_slice %arg11[%dma_start3A_525, %dma_start3A_526, %dma_start3A_527] : memref<4x16x768xf32, #tpu.memory_space<vmem>> -> memref<1x16x768xf32, #tpu.memory_space<vmem>>
    %dma_start3A_529 = tpu.memref_squeeze %dma_start3A_528 : memref<1x16x768xf32, #tpu.memory_space<vmem>> -> memref<16x768xf32, #tpu.memory_space<vmem>>
    %dma_start3A_530 = arith.constant 0 : i32
    %dma_start3A_531 = tpu.memref_slice %arg7[%add3A_524, %dma_start3A_530] : memref<2048x768xf32, #tpu.memory_space<hbm>> -> memref<16x768xf32, #tpu.memory_space<hbm>>
    %dma_start3A_532 = arith.constant 0 : i32
    %dma_start3A_533 = tpu.memref_slice %arg7[%add3A_524, %dma_start3A_532] : memref<2048x768xf32, #tpu.memory_space<hbm>> -> memref<16x768xf32, #tpu.memory_space<hbm>>
    %dma_start3A_534 = arith.constant 0 : i32
    %dma_start3A_535 = arith.constant 0 : i32
    %dma_start3A_536 = tpu.memref_slice %arg11[%dma_start3A_525, %dma_start3A_534, %dma_start3A_535] : memref<4x16x768xf32, #tpu.memory_space<vmem>> -> memref<1x16x768xf32, #tpu.memory_space<vmem>>
    %dma_start3A_537 = tpu.memref_squeeze %dma_start3A_536 : memref<1x16x768xf32, #tpu.memory_space<vmem>> -> memref<16x768xf32, #tpu.memory_space<vmem>>
    tpu.enqueue_dma source(%dma_start3A_537 : memref<16x768xf32, #tpu.memory_space<vmem>>) target(%dma_start3A_533 : memref<16x768xf32, #tpu.memory_space<hbm>>) target_semaphore(%arg15 : memref<!tpu.dma_semaphore, #tpu.memory_space<semaphore_mem>>)
    %dma_wait3A_538 = arith.constant 3 : i32
    %dma_wait3A_539 = arith.constant 1 : i32
    %dma_wait3A_540 = arith.constant 0 : i32
    %dma_wait3A_541 = arith.constant 0 : i32
    %dma_wait3A_542 = tpu.memref_slice %arg12[%dma_wait3A_539, %dma_wait3A_540, %dma_wait3A_541] : memref<2x32x768xf32, #tpu.memory_space<vmem>> -> memref<1x32x768xf32, #tpu.memory_space<vmem>>
    %dma_wait3A_543 = tpu.memref_squeeze %dma_wait3A_542 : memref<1x32x768xf32, #tpu.memory_space<vmem>> -> memref<32x768xf32, #tpu.memory_space<vmem>>
    %dma_wait3A_544 = arith.constant 0 : i32
    %dma_wait3A_545 = tpu.memref_slice %arg8[%dma_wait3A_538, %dma_wait3A_544] : memref<4x32xi32, #tpu.memory_space<vmem>> -> memref<1x32xi32, #tpu.memory_space<vmem>>
    %dma_wait3A_546 = tpu.memref_squeeze %dma_wait3A_545 : memref<1x32xi32, #tpu.memory_space<vmem>> -> memref<32xi32, #tpu.memory_space<vmem>>
    %dma_wait3A_547 = arith.constant 0 : i32
    %dma_wait3A_548 = arith.constant 0 : i32
    %dma_wait3A_549 = tpu.memref_slice %arg2[%dma_wait3A_547, %dma_wait3A_548] : memref<5120x768xf32, #tpu.memory_space<hbm>> -> memref<5120x768xf32, #tpu.memory_space<hbm>>
    tpu.wait_indirect_dma semaphore(%arg14 : memref<!tpu.dma_semaphore, #tpu.memory_space<semaphore_mem>>) src(%dma_wait3A_549 : memref<5120x768xf32, #tpu.memory_space<hbm>>) dst(%dma_wait3A_543 : memref<32x768xf32, #tpu.memory_space<vmem>>)
    %parallel_loop3A_550 = arith.constant 0 : i32
    %parallel_loop3A_551 = arith.constant 16 : i32
    %parallel_loop3A_552 = arith.constant 1 : i32
    scf.for %parallel_loop3A_620 = %parallel_loop3A_550 to %parallel_loop3A_551 step %parallel_loop3A_552  : i32 {
      %parallel_loop3A_621 = arith.constant 3 : i32
      %parallel_loop3A_622 = arith.index_cast %parallel_loop3A_621 : i32 to index
      %parallel_loop3A_623 = arith.index_cast %parallel_loop3A_620 : i32 to index
      %parallel_loop3A_624 = arith.constant 0 : index
      %parallel_loop3A_625 = tpu.vector_load %arg9[%parallel_loop3A_622, %parallel_loop3A_623, %parallel_loop3A_624] {strides = array<i32>} : memref<4x16x16xf32, #tpu.memory_space<vmem>>, vector<1x1x16xf32>,
      %parallel_loop3A_626 = vector.shape_cast %parallel_loop3A_625 : vector<1x1x16xf32> to vector<16xf32>
      %parallel_loop3A_627 = arith.constant 3 : i32
      %parallel_loop3A_628 = arith.index_cast %parallel_loop3A_627 : i32 to index
      %parallel_loop3A_629 = arith.index_cast %parallel_loop3A_620 : i32 to index
      %parallel_loop3A_630 = arith.constant 0 : index
      %parallel_loop3A_631 = tpu.vector_load %arg10[%parallel_loop3A_628, %parallel_loop3A_629, %parallel_loop3A_630] {strides = array<i32>} : memref<4x16x16xf32, #tpu.memory_space<vmem>>, vector<1x1x16xf32>,
      %parallel_loop3A_632 = vector.shape_cast %parallel_loop3A_631 : vector<1x1x16xf32> to vector<16xf32>
      %parallel_loop3A_633 = arith.constant 0 : i32
      %parallel_loop3A_634 = arith.constant 48 : i32
      %parallel_loop3A_635 = arith.constant 1 : i32
      scf.for %parallel_loop3A_636 = %parallel_loop3A_633 to %parallel_loop3A_634 step %parallel_loop3A_635  : i32 {
        %parallel_loop3A_637 = arith.constant 16 : i32
        %parallel_loop3A_638 = arith.muli %parallel_loop3A_636, %parallel_loop3A_637 : i32
        %parallel_loop3A_639 = arith.constant 2 : i32
        %parallel_loop3A_640 = arith.muli %parallel_loop3A_639, %parallel_loop3A_620 : i32
        %parallel_loop3A_641 = arith.constant 1 : i32
        %parallel_loop3A_642 = arith.index_cast %parallel_loop3A_641 : i32 to index
        %parallel_loop3A_643 = arith.index_cast %parallel_loop3A_640 : i32 to index
        %parallel_loop3A_644 = arith.index_cast %parallel_loop3A_638 : i32 to index
        %parallel_loop3A_645 = tpu.vector_load %arg12[%parallel_loop3A_642, %parallel_loop3A_643, %parallel_loop3A_644] {strides = array<i32>} : memref<2x32x768xf32, #tpu.memory_space<vmem>>, vector<1x1x16xf32>,
        %parallel_loop3A_646 = vector.shape_cast %parallel_loop3A_645 : vector<1x1x16xf32> to vector<16xf32>
        %parallel_loop3A_647 = arith.mulf %parallel_loop3A_626, %parallel_loop3A_646 : vector<16xf32>
        %parallel_loop3A_648 = arith.constant 2 : i32
        %parallel_loop3A_649 = arith.muli %parallel_loop3A_648, %parallel_loop3A_620 : i32
        %parallel_loop3A_650 = arith.constant 1 : i32
        %parallel_loop3A_651 = arith.addi %parallel_loop3A_649, %parallel_loop3A_650 : i32
        %parallel_loop3A_652 = arith.constant 1 : i32
        %parallel_loop3A_653 = arith.index_cast %parallel_loop3A_652 : i32 to index
        %parallel_loop3A_654 = arith.index_cast %parallel_loop3A_651 : i32 to index
        %parallel_loop3A_655 = arith.index_cast %parallel_loop3A_638 : i32 to index
        %parallel_loop3A_656 = tpu.vector_load %arg12[%parallel_loop3A_653, %parallel_loop3A_654, %parallel_loop3A_655] {strides = array<i32>} : memref<2x32x768xf32, #tpu.memory_space<vmem>>, vector<1x1x16xf32>,
        %parallel_loop3A_657 = vector.shape_cast %parallel_loop3A_656 : vector<1x1x16xf32> to vector<16xf32>
        %parallel_loop3A_658 = arith.mulf %parallel_loop3A_632, %parallel_loop3A_657 : vector<16xf32>
        %parallel_loop3A_659 = arith.addf %parallel_loop3A_647, %parallel_loop3A_658 : vector<16xf32>
        %parallel_loop3A_660 = arith.constant 3 : i32
        %parallel_loop3A_661 = arith.index_cast %parallel_loop3A_660 : i32 to index
        %parallel_loop3A_662 = arith.index_cast %parallel_loop3A_620 : i32 to index
        %parallel_loop3A_663 = arith.index_cast %parallel_loop3A_638 : i32 to index
        %parallel_loop3A_664 = tpu.vector_load %arg11[%parallel_loop3A_661, %parallel_loop3A_662, %parallel_loop3A_663] {strides = array<i32>} : memref<4x16x768xf32, #tpu.memory_space<vmem>>, vector<1x1x16xf32>,
        %parallel_loop3A_665 = vector.shape_cast %parallel_loop3A_664 : vector<1x1x16xf32> to vector<16xf32>
        %parallel_loop3A_666 = arith.addf %parallel_loop3A_659, %parallel_loop3A_665 : vector<16xf32>
        %parallel_loop3A_667 = arith.constant 3 : i32
        %parallel_loop3A_668 = arith.index_cast %parallel_loop3A_667 : i32 to index
        %parallel_loop3A_669 = arith.index_cast %parallel_loop3A_620 : i32 to index
        %parallel_loop3A_670 = arith.index_cast %parallel_loop3A_638 : i32 to index
        %parallel_loop3A_671 = tpu.vector_load %arg11[%parallel_loop3A_668, %parallel_loop3A_669, %parallel_loop3A_670] {strides = array<i32>} : memref<4x16x768xf32, #tpu.memory_space<vmem>>, vector<1x1x16xf32>,
        %parallel_loop3A_672 = vector.shape_cast %parallel_loop3A_671 : vector<1x1x16xf32> to vector<16xf32>
        %parallel_loop3A_673 = vector.shape_cast %parallel_loop3A_666 : vector<16xf32> to vector<1x1x16xf32>
        tpu.vector_store %arg11[%parallel_loop3A_668, %parallel_loop3A_669, %parallel_loop3A_670], %parallel_loop3A_673 {strides = array<i32>} : memref<4x16x768xf32, #tpu.memory_space<vmem>>, vector<1x1x16xf32>,
      } {sc.loop_unroll_factor = 4 : i64, sc.parallel_access}
    } {sc.loop_unroll_factor = 1 : i64, sc.parallel_access}
    %add3A_553 = arith.constant 48 : i32
    %add3A_554 = arith.addi %mul3A_2, %add3A_553 : i32
    %dma_start3A_555 = arith.constant 3 : i32
    %dma_start3A_556 = arith.constant 0 : i32
    %dma_start3A_557 = arith.constant 0 : i32
    %dma_start3A_558 = tpu.memref_slice %arg11[%dma_start3A_555, %dma_start3A_556, %dma_start3A_557] : memref<4x16x768xf32, #tpu.memory_space<vmem>> -> memref<1x16x768xf32, #tpu.memory_space<vmem>>
    %dma_start3A_559 = tpu.memref_squeeze %dma_start3A_558 : memref<1x16x768xf32, #tpu.memory_space<vmem>> -> memref<16x768xf32, #tpu.memory_space<vmem>>
    %dma_start3A_560 = arith.constant 0 : i32
    %dma_start3A_561 = tpu.memref_slice %arg7[%add3A_554, %dma_start3A_560] : memref<2048x768xf32, #tpu.memory_space<hbm>> -> memref<16x768xf32, #tpu.memory_space<hbm>>
    %dma_start3A_562 = arith.constant 0 : i32
    %dma_start3A_563 = tpu.memref_slice %arg7[%add3A_554, %dma_start3A_562] : memref<2048x768xf32, #tpu.memory_space<hbm>> -> memref<16x768xf32, #tpu.memory_space<hbm>>
    %dma_start3A_564 = arith.constant 0 : i32
    %dma_start3A_565 = arith.constant 0 : i32
    %dma_start3A_566 = tpu.memref_slice %arg11[%dma_start3A_555, %dma_start3A_564, %dma_start3A_565] : memref<4x16x768xf32, #tpu.memory_space<vmem>> -> memref<1x16x768xf32, #tpu.memory_space<vmem>>
    %dma_start3A_567 = tpu.memref_squeeze %dma_start3A_566 : memref<1x16x768xf32, #tpu.memory_space<vmem>> -> memref<16x768xf32, #tpu.memory_space<vmem>>
    tpu.enqueue_dma source(%dma_start3A_567 : memref<16x768xf32, #tpu.memory_space<vmem>>) target(%dma_start3A_563 : memref<16x768xf32, #tpu.memory_space<hbm>>) target_semaphore(%arg15 : memref<!tpu.dma_semaphore, #tpu.memory_space<semaphore_mem>>)
    %dma_wait3A_568 = arith.constant 0 : i32
    %dma_wait3A_569 = arith.constant 0 : i32
    %dma_wait3A_570 = arith.constant 0 : i32
    %dma_wait3A_571 = tpu.memref_slice %arg11[%dma_wait3A_568, %dma_wait3A_569, %dma_wait3A_570] : memref<4x16x768xf32, #tpu.memory_space<vmem>> -> memref<1x16x768xf32, #tpu.memory_space<vmem>>
    %dma_wait3A_572 = tpu.memref_squeeze %dma_wait3A_571 : memref<1x16x768xf32, #tpu.memory_space<vmem>> -> memref<16x768xf32, #tpu.memory_space<vmem>>
    %dma_wait3A_573 = arith.constant 0 : i32
    %dma_wait3A_574 = tpu.memref_slice %arg7[%add3A_440, %dma_wait3A_573] : memref<2048x768xf32, #tpu.memory_space<hbm>> -> memref<16x768xf32, #tpu.memory_space<hbm>>
    %dma_wait3A_575 = arith.constant 0 : i32
    %dma_wait3A_576 = tpu.memref_slice %arg7[%add3A_440, %dma_wait3A_575] : memref<2048x768xf32, #tpu.memory_space<hbm>> -> memref<16x768xf32, #tpu.memory_space<hbm>>
    %dma_wait3A_577 = arith.constant 0 : i32
    %dma_wait3A_578 = arith.constant 0 : i32
    %dma_wait3A_579 = tpu.memref_slice %arg11[%dma_wait3A_568, %dma_wait3A_577, %dma_wait3A_578] : memref<4x16x768xf32, #tpu.memory_space<vmem>> -> memref<1x16x768xf32, #tpu.memory_space<vmem>>
    %dma_wait3A_580 = tpu.memref_squeeze %dma_wait3A_579 : memref<1x16x768xf32, #tpu.memory_space<vmem>> -> memref<16x768xf32, #tpu.memory_space<vmem>>
    tpu.wait_dma2 semaphore(%arg15 : memref<!tpu.dma_semaphore, #tpu.memory_space<semaphore_mem>>) src(%dma_wait3A_580 : memref<16x768xf32, #tpu.memory_space<vmem>>) dst(%dma_wait3A_576 : memref<16x768xf32, #tpu.memory_space<hbm>>)
    %dma_wait3A_581 = arith.constant 1 : i32
    %dma_wait3A_582 = arith.constant 0 : i32
    %dma_wait3A_583 = arith.constant 0 : i32
    %dma_wait3A_584 = tpu.memref_slice %arg11[%dma_wait3A_581, %dma_wait3A_582, %dma_wait3A_583] : memref<4x16x768xf32, #tpu.memory_space<vmem>> -> memref<1x16x768xf32, #tpu.memory_space<vmem>>
    %dma_wait3A_585 = tpu.memref_squeeze %dma_wait3A_584 : memref<1x16x768xf32, #tpu.memory_space<vmem>> -> memref<16x768xf32, #tpu.memory_space<vmem>>
    %dma_wait3A_586 = arith.constant 0 : i32
    %dma_wait3A_587 = tpu.memref_slice %arg7[%add3A_482, %dma_wait3A_586] : memref<2048x768xf32, #tpu.memory_space<hbm>> -> memref<16x768xf32, #tpu.memory_space<hbm>>
    %dma_wait3A_588 = arith.constant 0 : i32
    %dma_wait3A_589 = tpu.memref_slice %arg7[%add3A_482, %dma_wait3A_588] : memref<2048x768xf32, #tpu.memory_space<hbm>> -> memref<16x768xf32, #tpu.memory_space<hbm>>
    %dma_wait3A_590 = arith.constant 0 : i32
    %dma_wait3A_591 = arith.constant 0 : i32
    %dma_wait3A_592 = tpu.memref_slice %arg11[%dma_wait3A_581, %dma_wait3A_590, %dma_wait3A_591] : memref<4x16x768xf32, #tpu.memory_space<vmem>> -> memref<1x16x768xf32, #tpu.memory_space<vmem>>
    %dma_wait3A_593 = tpu.memref_squeeze %dma_wait3A_592 : memref<1x16x768xf32, #tpu.memory_space<vmem>> -> memref<16x768xf32, #tpu.memory_space<vmem>>
    tpu.wait_dma2 semaphore(%arg15 : memref<!tpu.dma_semaphore, #tpu.memory_space<semaphore_mem>>) src(%dma_wait3A_593 : memref<16x768xf32, #tpu.memory_space<vmem>>) dst(%dma_wait3A_589 : memref<16x768xf32, #tpu.memory_space<hbm>>)
    %dma_wait3A_594 = arith.constant 2 : i32
    %dma_wait3A_595 = arith.constant 0 : i32
    %dma_wait3A_596 = arith.constant 0 : i32
    %dma_wait3A_597 = tpu.memref_slice %arg11[%dma_wait3A_594, %dma_wait3A_595, %dma_wait3A_596] : memref<4x16x768xf32, #tpu.memory_space<vmem>> -> memref<1x16x768xf32, #tpu.memory_space<vmem>>
    %dma_wait3A_598 = tpu.memref_squeeze %dma_wait3A_597 : memref<1x16x768xf32, #tpu.memory_space<vmem>> -> memref<16x768xf32, #tpu.memory_space<vmem>>
    %dma_wait3A_599 = arith.constant 0 : i32
    %dma_wait3A_600 = tpu.memref_slice %arg7[%add3A_524, %dma_wait3A_599] : memref<2048x768xf32, #tpu.memory_space<hbm>> -> memref<16x768xf32, #tpu.memory_space<hbm>>
    %dma_wait3A_601 = arith.constant 0 : i32
    %dma_wait3A_602 = tpu.memref_slice %arg7[%add3A_524, %dma_wait3A_601] : memref<2048x768xf32, #tpu.memory_space<hbm>> -> memref<16x768xf32, #tpu.memory_space<hbm>>
    %dma_wait3A_603 = arith.constant 0 : i32
    %dma_wait3A_604 = arith.constant 0 : i32
    %dma_wait3A_605 = tpu.memref_slice %arg11[%dma_wait3A_594, %dma_wait3A_603, %dma_wait3A_604] : memref<4x16x768xf32, #tpu.memory_space<vmem>> -> memref<1x16x768xf32, #tpu.memory_space<vmem>>
    %dma_wait3A_606 = tpu.memref_squeeze %dma_wait3A_605 : memref<1x16x768xf32, #tpu.memory_space<vmem>> -> memref<16x768xf32, #tpu.memory_space<vmem>>
    tpu.wait_dma2 semaphore(%arg15 : memref<!tpu.dma_semaphore, #tpu.memory_space<semaphore_mem>>) src(%dma_wait3A_606 : memref<16x768xf32, #tpu.memory_space<vmem>>) dst(%dma_wait3A_602 : memref<16x768xf32, #tpu.memory_space<hbm>>)
    %dma_wait3A_607 = arith.constant 3 : i32
    %dma_wait3A_608 = arith.constant 0 : i32
    %dma_wait3A_609 = arith.constant 0 : i32
    %dma_wait3A_610 = tpu.memref_slice %arg11[%dma_wait3A_607, %dma_wait3A_608, %dma_wait3A_609] : memref<4x16x768xf32, #tpu.memory_space<vmem>> -> memref<1x16x768xf32, #tpu.memory_space<vmem>>
    %dma_wait3A_611 = tpu.memref_squeeze %dma_wait3A_610 : memref<1x16x768xf32, #tpu.memory_space<vmem>> -> memref<16x768xf32, #tpu.memory_space<vmem>>
    %dma_wait3A_612 = arith.constant 0 : i32
    %dma_wait3A_613 = tpu.memref_slice %arg7[%add3A_554, %dma_wait3A_612] : memref<2048x768xf32, #tpu.memory_space<hbm>> -> memref<16x768xf32, #tpu.memory_space<hbm>>
    %dma_wait3A_614 = arith.constant 0 : i32
    %dma_wait3A_615 = tpu.memref_slice %arg7[%add3A_554, %dma_wait3A_614] : memref<2048x768xf32, #tpu.memory_space<hbm>> -> memref<16x768xf32, #tpu.memory_space<hbm>>
    %dma_wait3A_616 = arith.constant 0 : i32
    %dma_wait3A_617 = arith.constant 0 : i32
    %dma_wait3A_618 = tpu.memref_slice %arg11[%dma_wait3A_607, %dma_wait3A_616, %dma_wait3A_617] : memref<4x16x768xf32, #tpu.memory_space<vmem>> -> memref<1x16x768xf32, #tpu.memory_space<vmem>>
    %dma_wait3A_619 = tpu.memref_squeeze %dma_wait3A_618 : memref<1x16x768xf32, #tpu.memory_space<vmem>> -> memref<16x768xf32, #tpu.memory_space<vmem>>
    tpu.wait_dma2 semaphore(%arg15 : memref<!tpu.dma_semaphore, #tpu.memory_space<semaphore_mem>>) src(%dma_wait3A_619 : memref<16x768xf32, #tpu.memory_space<vmem>>) dst(%dma_wait3A_615 : memref<16x768xf32, #tpu.memory_space<hbm>>)
    return
  }
}

module attributes {stable_mosaic.version = 14 : i64} {
  func.func @_router_body(%arg0: memref<2048x768xf32, #tpu.memory_space<vmem>>, %arg1: memref<768x128xf32, #tpu.memory_space<vmem>>, %arg2: memref<1x128xf32, #tpu.memory_space<vmem>>, %arg3: memref<2048x2xi32, #tpu.memory_space<vmem>>, %arg4: memref<2048x16xf32, #tpu.memory_space<vmem>>, %arg5: memref<2048x16xf32, #tpu.memory_space<vmem>>, %arg6: memref<128x1xi32, #tpu.memory_space<vmem>>) attributes {dimension_semantics = [], scalar_prefetch = 0 : i64, scratch_operands = 0 : i64, tpu.core_type = #tpu.core_type<tc>} {
    %iota3A = tpu.iota {dimensions = array<i32: 1>} : vector<2048x128xi32>
    %lt3A = arith.constant 8 : i32
    %lt3A_0 = vector.broadcast %lt3A : i32 to vector<2048x128xi32>
    %lt3A_1 = arith.cmpi slt, %iota3A, %lt3A_0 : vector<2048x128xi32>
    %get3A = arith.constant 0 : index
    %get3A_2 = arith.constant 0 : index
    %get3A_3 = vector.load %arg0[%get3A, %get3A_2] : memref<2048x768xf32, #tpu.memory_space<vmem>>, vector<2048x768xf32>
    %get3A_4 = arith.constant 0 : index
    %get3A_5 = arith.constant 0 : index
    %get3A_6 = vector.load %arg1[%get3A_4, %get3A_5] : memref<768x128xf32, #tpu.memory_space<vmem>>, vector<768x128xf32>
    %dot_general3A = arith.constant dense<0.000000e+00> : vector<2048x128xf32>
    %dot_general3A_7 = tpu.matmul %get3A_3, %get3A_6, %dot_general3A {dimension_numbers = #tpu.dot_dimension_numbers<[1], [0], [0], [1], [0, 0, 1, 1], [], []>, transpose_lhs_hint = false} : vector<2048x768xf32>, vector<768x128xf32>, vector<2048x128xf32> -> vector<2048x128xf32>
    %mul3A = arith.constant 0.0360843912 : f32
    %mul3A_8 = vector.broadcast %mul3A : f32 to vector<2048x128xf32>
    %mul3A_9 = arith.mulf %dot_general3A_7, %mul3A_8 : vector<2048x128xf32>
    %jit3A = arith.constant -3.000000e+38 : f32
    %broadcast_in_dim3A = vector.broadcast %jit3A : f32 to vector<2048x128xf32>
    %select_n3A = arith.select %lt3A_1, %mul3A_9, %broadcast_in_dim3A : vector<2048x128xi1>, vector<2048x128xf32>
    %get3A_10 = arith.constant 0 : index
    %get3A_11 = arith.constant 0 : index
    %get3A_12 = vector.load %arg2[%get3A_10, %get3A_11] : memref<1x128xf32, #tpu.memory_space<vmem>>, vector<1x128xf32>
    %add3A = vector.broadcast %get3A_12 : vector<1x128xf32> to vector<2048x128xf32>
    %add3A_13 = arith.addf %select_n3A, %add3A : vector<2048x128xf32>
    %reduce_max3A = arith.constant dense<0xFF800000> : vector<2048xf32>
    %reduce_max3A_14 = vector.multi_reduction <maximumf>, %add3A_13, %reduce_max3A [1] : vector<2048x128xf32> to vector<2048xf32>
    %broadcast_in_dim3A_15 = vector.shape_cast %reduce_max3A_14 : vector<2048xf32> to vector<2048x1xf32>
    %eq3A = vector.broadcast %broadcast_in_dim3A_15 : vector<2048x1xf32> to vector<2048x128xf32>
    %eq3A_16 = arith.cmpf oeq, %add3A_13, %eq3A : vector<2048x128xf32>
    %and3A = arith.andi %eq3A_16, %lt3A_1 : vector<2048x128xi1>
    %jit3A_17 = arith.constant 128 : i32
    %broadcast_in_dim3A_18 = vector.broadcast %jit3A_17 : i32 to vector<2048x128xi32>
    %select_n3A_19 = arith.select %and3A, %iota3A, %broadcast_in_dim3A_18 : vector<2048x128xi1>, vector<2048x128xi32>
    %reduce_min3A = arith.constant dense<2147483647> : vector<2048xi32>
    %reduce_min3A_20 = vector.multi_reduction <minsi>, %select_n3A_19, %reduce_min3A [1] : vector<2048x128xi32> to vector<2048xi32>
    %broadcast_in_dim3A_21 = vector.shape_cast %reduce_min3A_20 : vector<2048xi32> to vector<2048x1xi32>
    %eq3A_22 = vector.broadcast %broadcast_in_dim3A_21 : vector<2048x1xi32> to vector<2048x128xi32>
    %eq3A_23 = arith.cmpi eq, %iota3A, %eq3A_22 : vector<2048x128xi32>
    %jit3A_24 = arith.constant -3.000000e+38 : f32
    %broadcast_in_dim3A_25 = vector.broadcast %jit3A_24 : f32 to vector<2048x128xf32>
    %select_n3A_26 = arith.select %eq3A_23, %broadcast_in_dim3A_25, %add3A_13 : vector<2048x128xi1>, vector<2048x128xf32>
    %reduce_max3A_27 = arith.constant dense<0xFF800000> : vector<2048xf32>
    %reduce_max3A_28 = vector.multi_reduction <maximumf>, %select_n3A_26, %reduce_max3A_27 [1] : vector<2048x128xf32> to vector<2048xf32>
    %broadcast_in_dim3A_29 = vector.shape_cast %reduce_max3A_28 : vector<2048xf32> to vector<2048x1xf32>
    %eq3A_30 = vector.broadcast %broadcast_in_dim3A_29 : vector<2048x1xf32> to vector<2048x128xf32>
    %eq3A_31 = arith.cmpf oeq, %select_n3A_26, %eq3A_30 : vector<2048x128xf32>
    %and3A_32 = arith.andi %eq3A_31, %lt3A_1 : vector<2048x128xi1>
    %jit3A_33 = arith.constant 128 : i32
    %broadcast_in_dim3A_34 = vector.broadcast %jit3A_33 : i32 to vector<2048x128xi32>
    %select_n3A_35 = arith.select %and3A_32, %iota3A, %broadcast_in_dim3A_34 : vector<2048x128xi1>, vector<2048x128xi32>
    %reduce_min3A_36 = arith.constant dense<2147483647> : vector<2048xi32>
    %reduce_min3A_37 = vector.multi_reduction <minsi>, %select_n3A_35, %reduce_min3A_36 [1] : vector<2048x128xi32> to vector<2048xi32>
    %broadcast_in_dim3A_38 = vector.shape_cast %reduce_min3A_37 : vector<2048xi32> to vector<2048x1xi32>
    %eq3A_39 = vector.broadcast %broadcast_in_dim3A_38 : vector<2048x1xi32> to vector<2048x128xi32>
    %eq3A_40 = arith.cmpi eq, %iota3A, %eq3A_39 : vector<2048x128xi32>
    %convert_element_type3A = arith.extui %eq3A_23 : vector<2048x128xi1> to vector<2048x128xi32>
    %convert_element_type3A_41 = arith.sitofp %convert_element_type3A : vector<2048x128xi32> to vector<2048x128xf32>
    %convert_element_type3A_42 = arith.extui %eq3A_40 : vector<2048x128xi1> to vector<2048x128xi32>
    %convert_element_type3A_43 = arith.sitofp %convert_element_type3A_42 : vector<2048x128xi32> to vector<2048x128xf32>
    %jit3A_44 = arith.constant 0.000000e+00 : f32
    %broadcast_in_dim3A_45 = vector.broadcast %jit3A_44 : f32 to vector<2048x128xf32>
    %select_n3A_46 = arith.select %eq3A_23, %select_n3A, %broadcast_in_dim3A_45 : vector<2048x128xi1>, vector<2048x128xf32>
    %reduce_sum3A = arith.constant dense<0.000000e+00> : vector<2048xf32>
    %reduce_sum3A_47 = vector.multi_reduction <add>, %select_n3A_46, %reduce_sum3A [1] : vector<2048x128xf32> to vector<2048xf32>
    %broadcast_in_dim3A_48 = vector.shape_cast %reduce_sum3A_47 : vector<2048xf32> to vector<2048x1xf32>
    %jit3A_49 = arith.constant 0.000000e+00 : f32
    %broadcast_in_dim3A_50 = vector.broadcast %jit3A_49 : f32 to vector<2048x128xf32>
    %select_n3A_51 = arith.select %eq3A_40, %select_n3A, %broadcast_in_dim3A_50 : vector<2048x128xi1>, vector<2048x128xf32>
    %reduce_sum3A_52 = arith.constant dense<0.000000e+00> : vector<2048xf32>
    %reduce_sum3A_53 = vector.multi_reduction <add>, %select_n3A_51, %reduce_sum3A_52 [1] : vector<2048x128xf32> to vector<2048xf32>
    %broadcast_in_dim3A_54 = vector.shape_cast %reduce_sum3A_53 : vector<2048xf32> to vector<2048x1xf32>
    %max3A = arith.maximumf %broadcast_in_dim3A_48, %broadcast_in_dim3A_54 : vector<2048x1xf32>
    %sub3A = arith.subf %broadcast_in_dim3A_48, %max3A : vector<2048x1xf32>
    %exp3A = math.exp %sub3A : vector<2048x1xf32>
    %sub3A_55 = arith.subf %broadcast_in_dim3A_54, %max3A : vector<2048x1xf32>
    %exp3A_56 = math.exp %sub3A_55 : vector<2048x1xf32>
    %add3A_57 = arith.addf %exp3A, %exp3A_56 : vector<2048x1xf32>
    %div3A = arith.divf %exp3A, %add3A_57 : vector<2048x1xf32>
    %broadcast_in_dim3A_58 = vector.shape_cast %div3A : vector<2048x1xf32> to vector<2048x1xf32>
    %broadcast_in_dim3A_59 = vector.broadcast %broadcast_in_dim3A_58 : vector<2048x1xf32> to vector<2048x16xf32>
    %swap3A = arith.constant 0 : index
    %swap3A_60 = arith.constant 0 : index
    %swap3A_61 = vector.load %arg4[%swap3A, %swap3A_60] : memref<2048x16xf32, #tpu.memory_space<vmem>>, vector<2048x16xf32>
    tpu.vector_store %arg4[%swap3A, %swap3A_60], %broadcast_in_dim3A_59 {strides = array<i32>} : memref<2048x16xf32, #tpu.memory_space<vmem>>, vector<2048x16xf32>,
    %div3A_62 = arith.divf %exp3A_56, %add3A_57 : vector<2048x1xf32>
    %broadcast_in_dim3A_63 = vector.shape_cast %div3A_62 : vector<2048x1xf32> to vector<2048x1xf32>
    %broadcast_in_dim3A_64 = vector.broadcast %broadcast_in_dim3A_63 : vector<2048x1xf32> to vector<2048x16xf32>
    %swap3A_65 = arith.constant 0 : index
    %swap3A_66 = arith.constant 0 : index
    %swap3A_67 = vector.load %arg5[%swap3A_65, %swap3A_66] : memref<2048x16xf32, #tpu.memory_space<vmem>>, vector<2048x16xf32>
    tpu.vector_store %arg5[%swap3A_65, %swap3A_66], %broadcast_in_dim3A_64 {strides = array<i32>} : memref<2048x16xf32, #tpu.memory_space<vmem>>, vector<2048x16xf32>,
    %add3A_68 = arith.addf %convert_element_type3A_41, %convert_element_type3A_43 : vector<2048x128xf32>
    %iota3A_69 = tpu.iota {dimensions = array<i32: 0>} : vector<2048x2048xi32>
    %iota3A_70 = tpu.iota {dimensions = array<i32: 1>} : vector<2048x2048xi32>
    %gt3A = arith.cmpi sgt, %iota3A_69, %iota3A_70 : vector<2048x2048xi32>
    %convert_element_type3A_71 = arith.extui %gt3A : vector<2048x2048xi1> to vector<2048x2048xi32>
    %convert_element_type3A_72 = arith.sitofp %convert_element_type3A_71 : vector<2048x2048xi32> to vector<2048x2048xf32>
    %convert_element_type3A_73 = arith.truncf %convert_element_type3A_72 : vector<2048x2048xf32> to vector<2048x2048xbf16>
    %convert_element_type3A_74 = arith.truncf %add3A_68 : vector<2048x128xf32> to vector<2048x128xbf16>
    %dot_general3A_75 = arith.constant dense<0.000000e+00> : vector<2048x128xf32>
    %dot_general3A_76 = tpu.matmul %convert_element_type3A_73, %convert_element_type3A_74, %dot_general3A_75 {dimension_numbers = #tpu.dot_dimension_numbers<[1], [0], [0], [1], [0, 0, 1, 1], [], []>, transpose_lhs_hint = false} : vector<2048x2048xbf16>, vector<2048x128xbf16>, vector<2048x128xf32> -> vector<2048x128xf32>
    %mul3A_77 = arith.mulf %convert_element_type3A_41, %dot_general3A_76 : vector<2048x128xf32>
    %reduce_sum3A_78 = arith.constant dense<0.000000e+00> : vector<2048xf32>
    %reduce_sum3A_79 = vector.multi_reduction <add>, %mul3A_77, %reduce_sum3A_78 [1] : vector<2048x128xf32> to vector<2048xf32>
    %broadcast_in_dim3A_80 = vector.shape_cast %reduce_sum3A_79 : vector<2048xf32> to vector<2048x1xf32>
    %add3A_81 = arith.addf %dot_general3A_76, %convert_element_type3A_41 : vector<2048x128xf32>
    %mul3A_82 = arith.mulf %convert_element_type3A_43, %add3A_81 : vector<2048x128xf32>
    %reduce_sum3A_83 = arith.constant dense<0.000000e+00> : vector<2048xf32>
    %reduce_sum3A_84 = vector.multi_reduction <add>, %mul3A_82, %reduce_sum3A_83 [1] : vector<2048x128xf32> to vector<2048xf32>
    %broadcast_in_dim3A_85 = vector.shape_cast %reduce_sum3A_84 : vector<2048xf32> to vector<2048x1xf32>
    %reduce_sum3A_86 = arith.constant dense<0.000000e+00> : vector<128xf32>
    %reduce_sum3A_87 = vector.multi_reduction <add>, %add3A_68, %reduce_sum3A_86 [0] : vector<2048x128xf32> to vector<128xf32>
    %broadcast_in_dim3A_88 = vector.shape_cast %reduce_sum3A_87 : vector<128xf32> to vector<1x128xf32>
    %convert_element_type3A_89 = arith.fptosi %broadcast_in_dim3A_88 : vector<1x128xf32> to vector<1x128xi32>
    %add3A_90 = arith.constant 127 : i32
    %add3A_91 = vector.broadcast %add3A_90 : i32 to vector<1x128xi32>
    %add3A_92 = arith.addi %convert_element_type3A_89, %add3A_91 : vector<1x128xi32>
    %jit3A_93 = arith.constant 128 : i32
    %div3A_94 = vector.broadcast %jit3A_93 : i32 to vector<1x128xi32>
    %div3A_95 = arith.divsi %add3A_92, %div3A_94 : vector<1x128xi32>
    %sign3A = arith.constant 0 : i32
    %sign3A_96 = vector.broadcast %sign3A : i32 to vector<1x128xi32>
    %sign3A_97 = arith.cmpi sgt, %add3A_92, %sign3A_96 : vector<1x128xi32>
    %sign3A_98 = arith.extui %sign3A_97 : vector<1x128xi1> to vector<1x128xi32>
    %sign3A_99 = arith.constant 0 : i32
    %sign3A_100 = vector.broadcast %sign3A_99 : i32 to vector<1x128xi32>
    %sign3A_101 = arith.cmpi slt, %add3A_92, %sign3A_100 : vector<1x128xi32>
    %sign3A_102 = arith.extui %sign3A_101 : vector<1x128xi1> to vector<1x128xi32>
    %sign3A_103 = arith.subi %sign3A_98, %sign3A_102 : vector<1x128xi32>
    %sign3A_104 = arith.constant 0 : i32
    %sign3A_105 = arith.cmpi sgt, %jit3A_93, %sign3A_104 : i32
    %sign3A_106 = arith.extui %sign3A_105 : i1 to i32
    %sign3A_107 = arith.constant 0 : i32
    %sign3A_108 = arith.cmpi slt, %jit3A_93, %sign3A_107 : i32
    %sign3A_109 = arith.extui %sign3A_108 : i1 to i32
    %sign3A_110 = arith.subi %sign3A_106, %sign3A_109 : i32
    %ne3A = vector.broadcast %sign3A_110 : i32 to vector<1x128xi32>
    %ne3A_111 = arith.cmpi ne, %sign3A_103, %ne3A : vector<1x128xi32>
    %rem3A = vector.broadcast %jit3A_93 : i32 to vector<1x128xi32>
    %rem3A_112 = arith.remsi %add3A_92, %rem3A : vector<1x128xi32>
    %ne3A_113 = arith.constant 0 : i32
    %ne3A_114 = vector.broadcast %ne3A_113 : i32 to vector<1x128xi32>
    %ne3A_115 = arith.cmpi ne, %rem3A_112, %ne3A_114 : vector<1x128xi32>
    %and3A_116 = arith.andi %ne3A_111, %ne3A_115 : vector<1x128xi1>
    %sub3A_117 = arith.constant 1 : i32
    %sub3A_118 = vector.broadcast %sub3A_117 : i32 to vector<1x128xi32>
    %sub3A_119 = arith.subi %div3A_95, %sub3A_118 : vector<1x128xi32>
    %select_n3A_120 = arith.select %and3A_116, %sub3A_119, %div3A_95 : vector<1x128xi1>, vector<1x128xi32>
    %iota3A_121 = tpu.iota {dimensions = array<i32: 0>} : vector<128x128xi32>
    %iota3A_122 = tpu.iota {dimensions = array<i32: 1>} : vector<128x128xi32>
    %lt3A_123 = arith.cmpi slt, %iota3A_121, %iota3A_122 : vector<128x128xi32>
    %convert_element_type3A_124 = arith.extui %lt3A_123 : vector<128x128xi1> to vector<128x128xi32>
    %convert_element_type3A_125 = arith.sitofp %convert_element_type3A_124 : vector<128x128xi32> to vector<128x128xf32>
    %convert_element_type3A_126 = arith.sitofp %select_n3A_120 : vector<1x128xi32> to vector<1x128xf32>
    %dot_general3A_127 = arith.constant dense<0.000000e+00> : vector<1x128xf32>
    %dot_general3A_128 = tpu.matmul %convert_element_type3A_126, %convert_element_type3A_125, %dot_general3A_127 {dimension_numbers = #tpu.dot_dimension_numbers<[1], [0], [0], [1], [0, 0, 1, 1], [], []>, transpose_lhs_hint = false} : vector<1x128xf32>, vector<128x128xf32>, vector<1x128xf32> -> vector<1x128xf32>
    %mul3A_129 = arith.constant 1.280000e+02 : f32
    %mul3A_130 = vector.broadcast %mul3A_129 : f32 to vector<1x128xf32>
    %mul3A_131 = arith.mulf %mul3A_130, %dot_general3A_128 : vector<1x128xf32>
    %mul3A_132 = vector.broadcast %mul3A_131 : vector<1x128xf32> to vector<2048x128xf32>
    %mul3A_133 = arith.mulf %convert_element_type3A_41, %mul3A_132 : vector<2048x128xf32>
    %reduce_sum3A_134 = arith.constant dense<0.000000e+00> : vector<2048xf32>
    %reduce_sum3A_135 = vector.multi_reduction <add>, %mul3A_133, %reduce_sum3A_134 [1] : vector<2048x128xf32> to vector<2048xf32>
    %broadcast_in_dim3A_136 = vector.shape_cast %reduce_sum3A_135 : vector<2048xf32> to vector<2048x1xf32>
    %add3A_137 = arith.addf %broadcast_in_dim3A_136, %broadcast_in_dim3A_80 : vector<2048x1xf32>
    %mul3A_138 = vector.broadcast %mul3A_131 : vector<1x128xf32> to vector<2048x128xf32>
    %mul3A_139 = arith.mulf %convert_element_type3A_43, %mul3A_138 : vector<2048x128xf32>
    %reduce_sum3A_140 = arith.constant dense<0.000000e+00> : vector<2048xf32>
    %reduce_sum3A_141 = vector.multi_reduction <add>, %mul3A_139, %reduce_sum3A_140 [1] : vector<2048x128xf32> to vector<2048xf32>
    %broadcast_in_dim3A_142 = vector.shape_cast %reduce_sum3A_141 : vector<2048xf32> to vector<2048x1xf32>
    %add3A_143 = arith.addf %broadcast_in_dim3A_142, %broadcast_in_dim3A_85 : vector<2048x1xf32>
    %concatenate3A = tpu.concatenate %add3A_137, %add3A_143 in 1 : vector<2048x1xf32>, vector<2048x1xf32> -> vector<2048x2xf32>
    %convert_element_type3A_144 = arith.fptosi %concatenate3A : vector<2048x2xf32> to vector<2048x2xi32>
    %swap3A_145 = arith.constant 0 : index
    %swap3A_146 = arith.constant 0 : index
    %swap3A_147 = vector.load %arg3[%swap3A_145, %swap3A_146] : memref<2048x2xi32, #tpu.memory_space<vmem>>, vector<2048x2xi32>
    tpu.vector_store %arg3[%swap3A_145, %swap3A_146], %convert_element_type3A_144 {strides = array<i32>} : memref<2048x2xi32, #tpu.memory_space<vmem>>, vector<2048x2xi32>,
    %add3A_148 = arith.addf %dot_general3A_128, %convert_element_type3A_126 : vector<1x128xf32>
    %broadcast_in_dim3A_149 = vector.shape_cast %add3A_148 : vector<1x128xf32> to vector<1x128xf32>
    %broadcast_in_dim3A_150 = vector.broadcast %broadcast_in_dim3A_149 : vector<1x128xf32> to vector<128x128xf32>
    %iota3A_151 = tpu.iota {dimensions = array<i32: 0>} : vector<128x128xi32>
    %convert_element_type3A_152 = arith.sitofp %iota3A_151 : vector<128x128xi32> to vector<128x128xf32>
    %le3A = arith.cmpf ole, %broadcast_in_dim3A_150, %convert_element_type3A_152 : vector<128x128xf32>
    %slice3A = vector.extract_strided_slice %lt3A_1 {offsets = [0, 0], sizes = [128, 128], strides = [1, 1]} : vector<2048x128xi1> to vector<128x128xi1>
    %and3A_153 = arith.andi %le3A, %slice3A : vector<128x128xi1>
    %convert_element_type3A_154 = arith.extui %and3A_153 : vector<128x128xi1> to vector<128x128xi32>
    %convert_element_type3A_155 = arith.sitofp %convert_element_type3A_154 : vector<128x128xi32> to vector<128x128xf32>
    %reduce_sum3A_156 = arith.constant dense<0.000000e+00> : vector<128xf32>
    %reduce_sum3A_157 = vector.multi_reduction <add>, %convert_element_type3A_155, %reduce_sum3A_156 [1] : vector<128x128xf32> to vector<128xf32>
    %broadcast_in_dim3A_158 = vector.shape_cast %reduce_sum3A_157 : vector<128xf32> to vector<128x1xf32>
    %min3A = arith.constant 7.000000e+00 : f32
    %min3A_159 = vector.broadcast %min3A : f32 to vector<128x1xf32>
    %min3A_160 = arith.minimumf %broadcast_in_dim3A_158, %min3A_159 : vector<128x1xf32>
    %convert_element_type3A_161 = arith.fptosi %min3A_160 : vector<128x1xf32> to vector<128x1xi32>
    %swap3A_162 = arith.constant 0 : index
    %swap3A_163 = arith.constant 0 : index
    %swap3A_164 = vector.load %arg6[%swap3A_162, %swap3A_163] : memref<128x1xi32, #tpu.memory_space<vmem>>, vector<128x1xi32>
    tpu.vector_store %arg6[%swap3A_162, %swap3A_163], %convert_element_type3A_161 {strides = array<i32>} : memref<128x1xi32, #tpu.memory_space<vmem>>, vector<128x1xi32>,
    return
  }
}

module attributes {stable_mosaic.version = 14 : i64} {
  func.func @_shared_body(%arg0: i32, %arg1: memref<256x768xf32, #tpu.memory_space<vmem>>, %arg2: memref<1536x768xf32, #tpu.memory_space<vmem>>, %arg3: memref<1536x768xf32, #tpu.memory_space<vmem>>, %arg4: memref<768x1536xf32, #tpu.memory_space<vmem>>, %arg5: memref<256x768xf32, #tpu.memory_space<vmem>>) attributes {dimension_semantics = [#tpu.dimension_semantics<arbitrary>], iteration_bounds = array<i64: 8>, scalar_prefetch = 0 : i64, scratch_operands = 0 : i64, tpu.core_type = #tpu.core_type<tc>, window_params = [{transform_indices = @transform_0, window_bounds = array<i64: 256, 768>}, {pipeline_mode = #tpu.pipeline_mode<synchronous>, transform_indices = @transform_1, window_bounds = array<i64: 1536, 768>}, {pipeline_mode = #tpu.pipeline_mode<synchronous>, transform_indices = @transform_2, window_bounds = array<i64: 1536, 768>}, {pipeline_mode = #tpu.pipeline_mode<synchronous>, transform_indices = @transform_3, window_bounds = array<i64: 768, 1536>}, {transform_indices = @transform_4, window_bounds = array<i64: 256, 768>}]} {
    %get3A = arith.constant 0 : index
    %get3A_0 = arith.constant 0 : index
    %get3A_1 = vector.load %arg1[%get3A, %get3A_0] : memref<256x768xf32, #tpu.memory_space<vmem>>, vector<256x768xf32>
    %get3A_2 = arith.constant 0 : index
    %get3A_3 = arith.constant 0 : index
    %get3A_4 = vector.load %arg2[%get3A_2, %get3A_3] : memref<1536x768xf32, #tpu.memory_space<vmem>>, vector<1536x768xf32>
    %get3A_5 = arith.constant 0 : index
    %get3A_6 = arith.constant 0 : index
    %get3A_7 = vector.load %arg3[%get3A_5, %get3A_6] : memref<1536x768xf32, #tpu.memory_space<vmem>>, vector<1536x768xf32>
    %get3A_8 = arith.constant 0 : index
    %get3A_9 = arith.constant 0 : index
    %get3A_10 = vector.load %arg4[%get3A_8, %get3A_9] : memref<768x1536xf32, #tpu.memory_space<vmem>>, vector<768x1536xf32>
    %dot_general3A = arith.constant dense<0.000000e+00> : vector<256x1536xf32>
    %dot_general3A_11 = tpu.matmul %get3A_1, %get3A_4, %dot_general3A {dimension_numbers = #tpu.dot_dimension_numbers<[1], [1], [0], [0], [0, 0, 1, 0], [], []>, transpose_lhs_hint = false} : vector<256x768xf32>, vector<1536x768xf32>, vector<256x1536xf32> -> vector<256x1536xf32>
    %dot_general3A_12 = arith.constant dense<0.000000e+00> : vector<256x1536xf32>
    %dot_general3A_13 = tpu.matmul %get3A_1, %get3A_7, %dot_general3A_12 {dimension_numbers = #tpu.dot_dimension_numbers<[1], [1], [0], [0], [0, 0, 1, 0], [], []>, transpose_lhs_hint = false} : vector<256x768xf32>, vector<1536x768xf32>, vector<256x1536xf32> -> vector<256x1536xf32>
    %logistic3A = arith.negf %dot_general3A_13 : vector<256x1536xf32>
    %logistic3A_14 = math.exp %logistic3A : vector<256x1536xf32>
    %logistic3A_15 = arith.constant 1.000000e+00 : f32
    %logistic3A_16 = vector.broadcast %logistic3A_15 : f32 to vector<256x1536xf32>
    %logistic3A_17 = arith.addf %logistic3A_16, %logistic3A_14 : vector<256x1536xf32>
    %logistic3A_18 = arith.divf %logistic3A_16, %logistic3A_17 : vector<256x1536xf32>
    %mul3A = arith.mulf %dot_general3A_13, %logistic3A_18 : vector<256x1536xf32>
    %mul3A_19 = arith.mulf %dot_general3A_11, %mul3A : vector<256x1536xf32>
    %dot_general3A_20 = arith.constant dense<0.000000e+00> : vector<256x768xf32>
    %dot_general3A_21 = tpu.matmul %mul3A_19, %get3A_10, %dot_general3A_20 {dimension_numbers = #tpu.dot_dimension_numbers<[1], [1], [0], [0], [0, 0, 1, 0], [], []>, transpose_lhs_hint = false} : vector<256x1536xf32>, vector<768x1536xf32>, vector<256x768xf32> -> vector<256x768xf32>
    %swap3A = arith.constant 0 : index
    %swap3A_22 = arith.constant 0 : index
    %swap3A_23 = vector.load %arg5[%swap3A, %swap3A_22] : memref<256x768xf32, #tpu.memory_space<vmem>>, vector<256x768xf32>
    tpu.vector_store %arg5[%swap3A, %swap3A_22], %dot_general3A_21 {strides = array<i32>} : memref<256x768xf32, #tpu.memory_space<vmem>>, vector<256x768xf32>,
    return
  }
  func.func @transform_0(%arg0: i32) -> (i32, i32) {
    %c0_i32 = arith.constant 0 : i32
    %c0_i32_0 = arith.constant 0 : i32
    return %arg0, %c0_i32 : i32, i32
  }
  func.func @transform_1(%arg0: i32) -> (i32, i32) {
    %c0_i32 = arith.constant 0 : i32
    %c0_i32_0 = arith.constant 0 : i32
    %c0_i32_1 = arith.constant 0 : i32
    return %c0_i32, %c0_i32_0 : i32, i32
  }
  func.func @transform_2(%arg0: i32) -> (i32, i32) {
    %c0_i32 = arith.constant 0 : i32
    %c0_i32_0 = arith.constant 0 : i32
    %c0_i32_1 = arith.constant 0 : i32
    return %c0_i32, %c0_i32_0 : i32, i32
  }
  func.func @transform_3(%arg0: i32) -> (i32, i32) {
    %c0_i32 = arith.constant 0 : i32
    %c0_i32_0 = arith.constant 0 : i32
    %c0_i32_1 = arith.constant 0 : i32
    return %c0_i32, %c0_i32_0 : i32, i32
  }
  func.func @transform_4(%arg0: i32) -> (i32, i32) {
    %c0_i32 = arith.constant 0 : i32
    %c0_i32_0 = arith.constant 0 : i32
    return %arg0, %c0_i32 : i32, i32
  }
}

module attributes {stable_mosaic.version = 14 : i64} {
  func.func @_expert_body(%arg0: i32, %arg1: memref<5x40xi32, #tpu.memory_space<smem>>, %arg2: memref<128x768xf32, #tpu.memory_space<vmem>>, %arg3: memref<8x1536x768xf32, #tpu.memory_space<hbm>>, %arg4: memref<8x1536x768xf32, #tpu.memory_space<hbm>>, %arg5: memref<8x768x1536xf32, #tpu.memory_space<hbm>>, %arg6: memref<128x768xf32, #tpu.memory_space<vmem>>, %arg7: memref<2x1536x768xf32, #tpu.memory_space<vmem>>, %arg8: memref<2x1536x768xf32, #tpu.memory_space<vmem>>, %arg9: memref<2x768x1536xf32, #tpu.memory_space<vmem>>, %arg10: memref<!tpu.dma_semaphore, #tpu.memory_space<semaphore_mem>>, %arg11: memref<!tpu.dma_semaphore, #tpu.memory_space<semaphore_mem>>, %arg12: memref<!tpu.dma_semaphore, #tpu.memory_space<semaphore_mem>>) attributes {dimension_semantics = [#tpu.dimension_semantics<arbitrary>], iteration_bounds = array<i64: 40>, scalar_prefetch = 1 : i64, scratch_operands = 6 : i64, tpu.core_type = #tpu.core_type<tc>, window_params = [{transform_indices = @transform_0, window_bounds = array<i64: 128, 768>}, {}, {}, {}, {transform_indices = @transform_4, window_bounds = array<i64: 128, 768>}]} {
    %get3A = arith.constant 0 : index
    %get3A_0 = arith.index_cast %arg0 : i32 to index
    %get3A_1 = memref.load %arg1[%get3A, %get3A_0] : memref<5x40xi32, #tpu.memory_space<smem>>
    %get3A_2 = arith.constant 1 : index
    %get3A_3 = arith.index_cast %arg0 : i32 to index
    %get3A_4 = memref.load %arg1[%get3A_2, %get3A_3] : memref<5x40xi32, #tpu.memory_space<smem>>
    %get3A_5 = arith.constant 2 : index
    %get3A_6 = arith.index_cast %arg0 : i32 to index
    %get3A_7 = memref.load %arg1[%get3A_5, %get3A_6] : memref<5x40xi32, #tpu.memory_space<smem>>
    %get3A_8 = arith.constant 3 : index
    %get3A_9 = arith.index_cast %arg0 : i32 to index
    %get3A_10 = memref.load %arg1[%get3A_8, %get3A_9] : memref<5x40xi32, #tpu.memory_space<smem>>
    %get3A_11 = arith.constant 4 : index
    %get3A_12 = arith.index_cast %arg0 : i32 to index
    %get3A_13 = memref.load %arg1[%get3A_11, %get3A_12] : memref<5x40xi32, #tpu.memory_space<smem>>
    %eq3A = arith.constant 0 : i32
    %eq3A_14 = arith.cmpi eq, %arg0, %eq3A : i32
    %convert_element_type3A = arith.extui %eq3A_14 : i1 to i32
    %cond3A = arith.constant 0 : i32
    %cond3A_15 = arith.cmpi ne, %convert_element_type3A, %cond3A : i32
    scf.if %cond3A_15 {
      %dma_start3A = arith.constant 0 : i32
      %dma_start3A_57 = arith.constant 0 : i32
      %dma_start3A_58 = arith.constant 0 : i32
      %dma_start3A_59 = tpu.memref_slice %arg7[%dma_start3A, %dma_start3A_57, %dma_start3A_58] : memref<2x1536x768xf32, #tpu.memory_space<vmem>> -> memref<1x1536x768xf32, #tpu.memory_space<vmem>>
      %dma_start3A_60 = tpu.memref_squeeze %dma_start3A_59 : memref<1x1536x768xf32, #tpu.memory_space<vmem>> -> memref<1536x768xf32, #tpu.memory_space<vmem>>
      %dma_start3A_61 = arith.constant 0 : i32
      %dma_start3A_62 = arith.constant 0 : i32
      %dma_start3A_63 = tpu.memref_slice %arg3[%get3A_13, %dma_start3A_61, %dma_start3A_62] : memref<8x1536x768xf32, #tpu.memory_space<hbm>> -> memref<1x1536x768xf32, #tpu.memory_space<hbm>>
      %dma_start3A_64 = tpu.memref_squeeze %dma_start3A_63 : memref<1x1536x768xf32, #tpu.memory_space<hbm>> -> memref<1536x768xf32, #tpu.memory_space<hbm>>
      tpu.enqueue_dma source(%dma_start3A_64 : memref<1536x768xf32, #tpu.memory_space<hbm>>) target(%dma_start3A_60 : memref<1536x768xf32, #tpu.memory_space<vmem>>) target_semaphore(%arg10 : memref<!tpu.dma_semaphore, #tpu.memory_space<semaphore_mem>>)
      %dma_wait3A = arith.constant 0 : i32
      %dma_wait3A_65 = arith.constant 0 : i32
      %dma_wait3A_66 = arith.constant 0 : i32
      %dma_wait3A_67 = tpu.memref_slice %arg7[%dma_wait3A, %dma_wait3A_65, %dma_wait3A_66] : memref<2x1536x768xf32, #tpu.memory_space<vmem>> -> memref<1x1536x768xf32, #tpu.memory_space<vmem>>
      %dma_wait3A_68 = tpu.memref_squeeze %dma_wait3A_67 : memref<1x1536x768xf32, #tpu.memory_space<vmem>> -> memref<1536x768xf32, #tpu.memory_space<vmem>>
      %dma_wait3A_69 = arith.constant 0 : i32
      %dma_wait3A_70 = arith.constant 0 : i32
      %dma_wait3A_71 = tpu.memref_slice %arg3[%get3A_13, %dma_wait3A_69, %dma_wait3A_70] : memref<8x1536x768xf32, #tpu.memory_space<hbm>> -> memref<1x1536x768xf32, #tpu.memory_space<hbm>>
      %dma_wait3A_72 = tpu.memref_squeeze %dma_wait3A_71 : memref<1x1536x768xf32, #tpu.memory_space<hbm>> -> memref<1536x768xf32, #tpu.memory_space<hbm>>
      tpu.wait_dma2 semaphore(%arg10 : memref<!tpu.dma_semaphore, #tpu.memory_space<semaphore_mem>>) src(%dma_wait3A_72 : memref<1536x768xf32, #tpu.memory_space<hbm>>) dst(%dma_wait3A_68 : memref<1536x768xf32, #tpu.memory_space<vmem>>)
      %dma_start3A_73 = arith.constant 0 : i32
      %dma_start3A_74 = arith.constant 0 : i32
      %dma_start3A_75 = arith.constant 0 : i32
      %dma_start3A_76 = tpu.memref_slice %arg8[%dma_start3A_73, %dma_start3A_74, %dma_start3A_75] : memref<2x1536x768xf32, #tpu.memory_space<vmem>> -> memref<1x1536x768xf32, #tpu.memory_space<vmem>>
      %dma_start3A_77 = tpu.memref_squeeze %dma_start3A_76 : memref<1x1536x768xf32, #tpu.memory_space<vmem>> -> memref<1536x768xf32, #tpu.memory_space<vmem>>
      %dma_start3A_78 = arith.constant 0 : i32
      %dma_start3A_79 = arith.constant 0 : i32
      %dma_start3A_80 = tpu.memref_slice %arg4[%get3A_13, %dma_start3A_78, %dma_start3A_79] : memref<8x1536x768xf32, #tpu.memory_space<hbm>> -> memref<1x1536x768xf32, #tpu.memory_space<hbm>>
      %dma_start3A_81 = tpu.memref_squeeze %dma_start3A_80 : memref<1x1536x768xf32, #tpu.memory_space<hbm>> -> memref<1536x768xf32, #tpu.memory_space<hbm>>
      tpu.enqueue_dma source(%dma_start3A_81 : memref<1536x768xf32, #tpu.memory_space<hbm>>) target(%dma_start3A_77 : memref<1536x768xf32, #tpu.memory_space<vmem>>) target_semaphore(%arg11 : memref<!tpu.dma_semaphore, #tpu.memory_space<semaphore_mem>>)
      %dma_wait3A_82 = arith.constant 0 : i32
      %dma_wait3A_83 = arith.constant 0 : i32
      %dma_wait3A_84 = arith.constant 0 : i32
      %dma_wait3A_85 = tpu.memref_slice %arg8[%dma_wait3A_82, %dma_wait3A_83, %dma_wait3A_84] : memref<2x1536x768xf32, #tpu.memory_space<vmem>> -> memref<1x1536x768xf32, #tpu.memory_space<vmem>>
      %dma_wait3A_86 = tpu.memref_squeeze %dma_wait3A_85 : memref<1x1536x768xf32, #tpu.memory_space<vmem>> -> memref<1536x768xf32, #tpu.memory_space<vmem>>
      %dma_wait3A_87 = arith.constant 0 : i32
      %dma_wait3A_88 = arith.constant 0 : i32
      %dma_wait3A_89 = tpu.memref_slice %arg4[%get3A_13, %dma_wait3A_87, %dma_wait3A_88] : memref<8x1536x768xf32, #tpu.memory_space<hbm>> -> memref<1x1536x768xf32, #tpu.memory_space<hbm>>
      %dma_wait3A_90 = tpu.memref_squeeze %dma_wait3A_89 : memref<1x1536x768xf32, #tpu.memory_space<hbm>> -> memref<1536x768xf32, #tpu.memory_space<hbm>>
      tpu.wait_dma2 semaphore(%arg11 : memref<!tpu.dma_semaphore, #tpu.memory_space<semaphore_mem>>) src(%dma_wait3A_90 : memref<1536x768xf32, #tpu.memory_space<hbm>>) dst(%dma_wait3A_86 : memref<1536x768xf32, #tpu.memory_space<vmem>>)
      %dma_start3A_91 = arith.constant 0 : i32
      %dma_start3A_92 = arith.constant 0 : i32
      %dma_start3A_93 = arith.constant 0 : i32
      %dma_start3A_94 = tpu.memref_slice %arg9[%dma_start3A_91, %dma_start3A_92, %dma_start3A_93] : memref<2x768x1536xf32, #tpu.memory_space<vmem>> -> memref<1x768x1536xf32, #tpu.memory_space<vmem>>
      %dma_start3A_95 = tpu.memref_squeeze %dma_start3A_94 : memref<1x768x1536xf32, #tpu.memory_space<vmem>> -> memref<768x1536xf32, #tpu.memory_space<vmem>>
      %dma_start3A_96 = arith.constant 0 : i32
      %dma_start3A_97 = arith.constant 0 : i32
      %dma_start3A_98 = tpu.memref_slice %arg5[%get3A_13, %dma_start3A_96, %dma_start3A_97] : memref<8x768x1536xf32, #tpu.memory_space<hbm>> -> memref<1x768x1536xf32, #tpu.memory_space<hbm>>
      %dma_start3A_99 = tpu.memref_squeeze %dma_start3A_98 : memref<1x768x1536xf32, #tpu.memory_space<hbm>> -> memref<768x1536xf32, #tpu.memory_space<hbm>>
      tpu.enqueue_dma source(%dma_start3A_99 : memref<768x1536xf32, #tpu.memory_space<hbm>>) target(%dma_start3A_95 : memref<768x1536xf32, #tpu.memory_space<vmem>>) target_semaphore(%arg12 : memref<!tpu.dma_semaphore, #tpu.memory_space<semaphore_mem>>)
      %dma_wait3A_100 = arith.constant 0 : i32
      %dma_wait3A_101 = arith.constant 0 : i32
      %dma_wait3A_102 = arith.constant 0 : i32
      %dma_wait3A_103 = tpu.memref_slice %arg9[%dma_wait3A_100, %dma_wait3A_101, %dma_wait3A_102] : memref<2x768x1536xf32, #tpu.memory_space<vmem>> -> memref<1x768x1536xf32, #tpu.memory_space<vmem>>
      %dma_wait3A_104 = tpu.memref_squeeze %dma_wait3A_103 : memref<1x768x1536xf32, #tpu.memory_space<vmem>> -> memref<768x1536xf32, #tpu.memory_space<vmem>>
      %dma_wait3A_105 = arith.constant 0 : i32
      %dma_wait3A_106 = arith.constant 0 : i32
      %dma_wait3A_107 = tpu.memref_slice %arg5[%get3A_13, %dma_wait3A_105, %dma_wait3A_106] : memref<8x768x1536xf32, #tpu.memory_space<hbm>> -> memref<1x768x1536xf32, #tpu.memory_space<hbm>>
      %dma_wait3A_108 = tpu.memref_squeeze %dma_wait3A_107 : memref<1x768x1536xf32, #tpu.memory_space<hbm>> -> memref<768x1536xf32, #tpu.memory_space<hbm>>
      tpu.wait_dma2 semaphore(%arg12 : memref<!tpu.dma_semaphore, #tpu.memory_space<semaphore_mem>>) src(%dma_wait3A_108 : memref<768x1536xf32, #tpu.memory_space<hbm>>) dst(%dma_wait3A_104 : memref<768x1536xf32, #tpu.memory_space<vmem>>)
    } else {
    }
    %eq3A_16 = arith.constant 1 : i32
    %eq3A_17 = arith.cmpi eq, %get3A_1, %eq3A_16 : i32
    %convert_element_type3A_18 = arith.extui %eq3A_17 : i1 to i32
    %cond3A_19 = arith.constant 0 : i32
    %cond3A_20 = arith.cmpi ne, %convert_element_type3A_18, %cond3A_19 : i32
    scf.if %cond3A_20 {
      %sub3A = arith.constant 1 : i32
      %sub3A_57 = arith.subi %sub3A, %get3A_7 : i32
      %dma_start3A = arith.constant 0 : i32
      %dma_start3A_58 = arith.constant 0 : i32
      %dma_start3A_59 = tpu.memref_slice %arg7[%sub3A_57, %dma_start3A, %dma_start3A_58] : memref<2x1536x768xf32, #tpu.memory_space<vmem>> -> memref<1x1536x768xf32, #tpu.memory_space<vmem>>
      %dma_start3A_60 = tpu.memref_squeeze %dma_start3A_59 : memref<1x1536x768xf32, #tpu.memory_space<vmem>> -> memref<1536x768xf32, #tpu.memory_space<vmem>>
      %dma_start3A_61 = arith.constant 0 : i32
      %dma_start3A_62 = arith.constant 0 : i32
      %dma_start3A_63 = tpu.memref_slice %arg3[%get3A_10, %dma_start3A_61, %dma_start3A_62] : memref<8x1536x768xf32, #tpu.memory_space<hbm>> -> memref<1x1536x768xf32, #tpu.memory_space<hbm>>
      %dma_start3A_64 = tpu.memref_squeeze %dma_start3A_63 : memref<1x1536x768xf32, #tpu.memory_space<hbm>> -> memref<1536x768xf32, #tpu.memory_space<hbm>>
      tpu.enqueue_dma source(%dma_start3A_64 : memref<1536x768xf32, #tpu.memory_space<hbm>>) target(%dma_start3A_60 : memref<1536x768xf32, #tpu.memory_space<vmem>>) target_semaphore(%arg10 : memref<!tpu.dma_semaphore, #tpu.memory_space<semaphore_mem>>)
      %sub3A_65 = arith.constant 1 : i32
      %sub3A_66 = arith.subi %sub3A_65, %get3A_7 : i32
      %dma_start3A_67 = arith.constant 0 : i32
      %dma_start3A_68 = arith.constant 0 : i32
      %dma_start3A_69 = tpu.memref_slice %arg8[%sub3A_66, %dma_start3A_67, %dma_start3A_68] : memref<2x1536x768xf32, #tpu.memory_space<vmem>> -> memref<1x1536x768xf32, #tpu.memory_space<vmem>>
      %dma_start3A_70 = tpu.memref_squeeze %dma_start3A_69 : memref<1x1536x768xf32, #tpu.memory_space<vmem>> -> memref<1536x768xf32, #tpu.memory_space<vmem>>
      %dma_start3A_71 = arith.constant 0 : i32
      %dma_start3A_72 = arith.constant 0 : i32
      %dma_start3A_73 = tpu.memref_slice %arg4[%get3A_10, %dma_start3A_71, %dma_start3A_72] : memref<8x1536x768xf32, #tpu.memory_space<hbm>> -> memref<1x1536x768xf32, #tpu.memory_space<hbm>>
      %dma_start3A_74 = tpu.memref_squeeze %dma_start3A_73 : memref<1x1536x768xf32, #tpu.memory_space<hbm>> -> memref<1536x768xf32, #tpu.memory_space<hbm>>
      tpu.enqueue_dma source(%dma_start3A_74 : memref<1536x768xf32, #tpu.memory_space<hbm>>) target(%dma_start3A_70 : memref<1536x768xf32, #tpu.memory_space<vmem>>) target_semaphore(%arg11 : memref<!tpu.dma_semaphore, #tpu.memory_space<semaphore_mem>>)
      %sub3A_75 = arith.constant 1 : i32
      %sub3A_76 = arith.subi %sub3A_75, %get3A_7 : i32
      %dma_start3A_77 = arith.constant 0 : i32
      %dma_start3A_78 = arith.constant 0 : i32
      %dma_start3A_79 = tpu.memref_slice %arg9[%sub3A_76, %dma_start3A_77, %dma_start3A_78] : memref<2x768x1536xf32, #tpu.memory_space<vmem>> -> memref<1x768x1536xf32, #tpu.memory_space<vmem>>
      %dma_start3A_80 = tpu.memref_squeeze %dma_start3A_79 : memref<1x768x1536xf32, #tpu.memory_space<vmem>> -> memref<768x1536xf32, #tpu.memory_space<vmem>>
      %dma_start3A_81 = arith.constant 0 : i32
      %dma_start3A_82 = arith.constant 0 : i32
      %dma_start3A_83 = tpu.memref_slice %arg5[%get3A_10, %dma_start3A_81, %dma_start3A_82] : memref<8x768x1536xf32, #tpu.memory_space<hbm>> -> memref<1x768x1536xf32, #tpu.memory_space<hbm>>
      %dma_start3A_84 = tpu.memref_squeeze %dma_start3A_83 : memref<1x768x1536xf32, #tpu.memory_space<hbm>> -> memref<768x1536xf32, #tpu.memory_space<hbm>>
      tpu.enqueue_dma source(%dma_start3A_84 : memref<768x1536xf32, #tpu.memory_space<hbm>>) target(%dma_start3A_80 : memref<768x1536xf32, #tpu.memory_space<vmem>>) target_semaphore(%arg12 : memref<!tpu.dma_semaphore, #tpu.memory_space<semaphore_mem>>)
    } else {
    }
    %eq3A_21 = arith.constant 1 : i32
    %eq3A_22 = arith.cmpi eq, %get3A_4, %eq3A_21 : i32
    %convert_element_type3A_23 = arith.extui %eq3A_22 : i1 to i32
    %cond3A_24 = arith.constant 0 : i32
    %cond3A_25 = arith.cmpi ne, %convert_element_type3A_23, %cond3A_24 : i32
    scf.if %cond3A_25 {
      %dma_wait3A = arith.constant 0 : i32
      %dma_wait3A_57 = arith.constant 0 : i32
      %dma_wait3A_58 = arith.constant 0 : i32
      %dma_wait3A_59 = tpu.memref_slice %arg7[%get3A_7, %dma_wait3A_57, %dma_wait3A_58] : memref<2x1536x768xf32, #tpu.memory_space<vmem>> -> memref<1x1536x768xf32, #tpu.memory_space<vmem>>
      %dma_wait3A_60 = tpu.memref_squeeze %dma_wait3A_59 : memref<1x1536x768xf32, #tpu.memory_space<vmem>> -> memref<1536x768xf32, #tpu.memory_space<vmem>>
      %dma_wait3A_61 = arith.constant 0 : i32
      %dma_wait3A_62 = arith.constant 0 : i32
      %dma_wait3A_63 = tpu.memref_slice %arg3[%dma_wait3A, %dma_wait3A_61, %dma_wait3A_62] : memref<8x1536x768xf32, #tpu.memory_space<hbm>> -> memref<1x1536x768xf32, #tpu.memory_space<hbm>>
      %dma_wait3A_64 = tpu.memref_squeeze %dma_wait3A_63 : memref<1x1536x768xf32, #tpu.memory_space<hbm>> -> memref<1536x768xf32, #tpu.memory_space<hbm>>
      tpu.wait_dma2 semaphore(%arg10 : memref<!tpu.dma_semaphore, #tpu.memory_space<semaphore_mem>>) src(%dma_wait3A_64 : memref<1536x768xf32, #tpu.memory_space<hbm>>) dst(%dma_wait3A_60 : memref<1536x768xf32, #tpu.memory_space<vmem>>)
      %dma_wait3A_65 = arith.constant 0 : i32
      %dma_wait3A_66 = arith.constant 0 : i32
      %dma_wait3A_67 = arith.constant 0 : i32
      %dma_wait3A_68 = tpu.memref_slice %arg8[%get3A_7, %dma_wait3A_66, %dma_wait3A_67] : memref<2x1536x768xf32, #tpu.memory_space<vmem>> -> memref<1x1536x768xf32, #tpu.memory_space<vmem>>
      %dma_wait3A_69 = tpu.memref_squeeze %dma_wait3A_68 : memref<1x1536x768xf32, #tpu.memory_space<vmem>> -> memref<1536x768xf32, #tpu.memory_space<vmem>>
      %dma_wait3A_70 = arith.constant 0 : i32
      %dma_wait3A_71 = arith.constant 0 : i32
      %dma_wait3A_72 = tpu.memref_slice %arg4[%dma_wait3A_65, %dma_wait3A_70, %dma_wait3A_71] : memref<8x1536x768xf32, #tpu.memory_space<hbm>> -> memref<1x1536x768xf32, #tpu.memory_space<hbm>>
      %dma_wait3A_73 = tpu.memref_squeeze %dma_wait3A_72 : memref<1x1536x768xf32, #tpu.memory_space<hbm>> -> memref<1536x768xf32, #tpu.memory_space<hbm>>
      tpu.wait_dma2 semaphore(%arg11 : memref<!tpu.dma_semaphore, #tpu.memory_space<semaphore_mem>>) src(%dma_wait3A_73 : memref<1536x768xf32, #tpu.memory_space<hbm>>) dst(%dma_wait3A_69 : memref<1536x768xf32, #tpu.memory_space<vmem>>)
      %dma_wait3A_74 = arith.constant 0 : i32
      %dma_wait3A_75 = arith.constant 0 : i32
      %dma_wait3A_76 = arith.constant 0 : i32
      %dma_wait3A_77 = tpu.memref_slice %arg9[%get3A_7, %dma_wait3A_75, %dma_wait3A_76] : memref<2x768x1536xf32, #tpu.memory_space<vmem>> -> memref<1x768x1536xf32, #tpu.memory_space<vmem>>
      %dma_wait3A_78 = tpu.memref_squeeze %dma_wait3A_77 : memref<1x768x1536xf32, #tpu.memory_space<vmem>> -> memref<768x1536xf32, #tpu.memory_space<vmem>>
      %dma_wait3A_79 = arith.constant 0 : i32
      %dma_wait3A_80 = arith.constant 0 : i32
      %dma_wait3A_81 = tpu.memref_slice %arg5[%dma_wait3A_74, %dma_wait3A_79, %dma_wait3A_80] : memref<8x768x1536xf32, #tpu.memory_space<hbm>> -> memref<1x768x1536xf32, #tpu.memory_space<hbm>>
      %dma_wait3A_82 = tpu.memref_squeeze %dma_wait3A_81 : memref<1x768x1536xf32, #tpu.memory_space<hbm>> -> memref<768x1536xf32, #tpu.memory_space<hbm>>
      tpu.wait_dma2 semaphore(%arg12 : memref<!tpu.dma_semaphore, #tpu.memory_space<semaphore_mem>>) src(%dma_wait3A_82 : memref<768x1536xf32, #tpu.memory_space<hbm>>) dst(%dma_wait3A_78 : memref<768x1536xf32, #tpu.memory_space<vmem>>)
    } else {
    }
    %get3A_26 = arith.constant 0 : index
    %get3A_27 = arith.constant 0 : index
    %get3A_28 = vector.load %arg2[%get3A_26, %get3A_27] : memref<128x768xf32, #tpu.memory_space<vmem>>, vector<128x768xf32>
    %get3A_29 = arith.index_cast %get3A_7 : i32 to index
    %get3A_30 = arith.constant 0 : index
    %get3A_31 = arith.constant 0 : index
    %get3A_32 = vector.load %arg7[%get3A_29, %get3A_30, %get3A_31] : memref<2x1536x768xf32, #tpu.memory_space<vmem>>, vector<1x1536x768xf32>
    %get3A_33 = vector.shape_cast %get3A_32 : vector<1x1536x768xf32> to vector<1536x768xf32>
    %get3A_34 = arith.index_cast %get3A_7 : i32 to index
    %get3A_35 = arith.constant 0 : index
    %get3A_36 = arith.constant 0 : index
    %get3A_37 = vector.load %arg8[%get3A_34, %get3A_35, %get3A_36] : memref<2x1536x768xf32, #tpu.memory_space<vmem>>, vector<1x1536x768xf32>
    %get3A_38 = vector.shape_cast %get3A_37 : vector<1x1536x768xf32> to vector<1536x768xf32>
    %get3A_39 = arith.index_cast %get3A_7 : i32 to index
    %get3A_40 = arith.constant 0 : index
    %get3A_41 = arith.constant 0 : index
    %get3A_42 = vector.load %arg9[%get3A_39, %get3A_40, %get3A_41] : memref<2x768x1536xf32, #tpu.memory_space<vmem>>, vector<1x768x1536xf32>
    %get3A_43 = vector.shape_cast %get3A_42 : vector<1x768x1536xf32> to vector<768x1536xf32>
    %dot_general3A = arith.constant dense<0.000000e+00> : vector<128x1536xf32>
    %dot_general3A_44 = tpu.matmul %get3A_28, %get3A_33, %dot_general3A {dimension_numbers = #tpu.dot_dimension_numbers<[1], [1], [0], [0], [0, 0, 1, 0], [], []>, transpose_lhs_hint = false} : vector<128x768xf32>, vector<1536x768xf32>, vector<128x1536xf32> -> vector<128x1536xf32>
    %dot_general3A_45 = arith.constant dense<0.000000e+00> : vector<128x1536xf32>
    %dot_general3A_46 = tpu.matmul %get3A_28, %get3A_38, %dot_general3A_45 {dimension_numbers = #tpu.dot_dimension_numbers<[1], [1], [0], [0], [0, 0, 1, 0], [], []>, transpose_lhs_hint = false} : vector<128x768xf32>, vector<1536x768xf32>, vector<128x1536xf32> -> vector<128x1536xf32>
    %logistic3A = arith.negf %dot_general3A_46 : vector<128x1536xf32>
    %logistic3A_47 = math.exp %logistic3A : vector<128x1536xf32>
    %logistic3A_48 = arith.constant 1.000000e+00 : f32
    %logistic3A_49 = vector.broadcast %logistic3A_48 : f32 to vector<128x1536xf32>
    %logistic3A_50 = arith.addf %logistic3A_49, %logistic3A_47 : vector<128x1536xf32>
    %logistic3A_51 = arith.divf %logistic3A_49, %logistic3A_50 : vector<128x1536xf32>
    %mul3A = arith.mulf %dot_general3A_46, %logistic3A_51 : vector<128x1536xf32>
    %mul3A_52 = arith.mulf %dot_general3A_44, %mul3A : vector<128x1536xf32>
    %dot_general3A_53 = arith.constant dense<0.000000e+00> : vector<128x768xf32>
    %dot_general3A_54 = tpu.matmul %mul3A_52, %get3A_43, %dot_general3A_53 {dimension_numbers = #tpu.dot_dimension_numbers<[1], [1], [0], [0], [0, 0, 1, 0], [], []>, transpose_lhs_hint = false} : vector<128x1536xf32>, vector<768x1536xf32>, vector<128x768xf32> -> vector<128x768xf32>
    %swap3A = arith.constant 0 : index
    %swap3A_55 = arith.constant 0 : index
    %swap3A_56 = vector.load %arg6[%swap3A, %swap3A_55] : memref<128x768xf32, #tpu.memory_space<vmem>>, vector<128x768xf32>
    tpu.vector_store %arg6[%swap3A, %swap3A_55], %dot_general3A_54 {strides = array<i32>} : memref<128x768xf32, #tpu.memory_space<vmem>>, vector<128x768xf32>,
    return
  }
  func.func @transform_0(%arg0: i32, %arg1: memref<5x40xi32, #tpu.memory_space<smem>>) -> (i32, i32) {
    %c0_i32 = arith.constant 0 : i32
    %c0_i32_0 = arith.constant 0 : i32
    return %arg0, %c0_i32 : i32, i32
  }
  func.func @transform_4(%arg0: i32, %arg1: memref<5x40xi32, #tpu.memory_space<smem>>) -> (i32, i32) {
    %c0_i32 = arith.constant 0 : i32
    %c0_i32_0 = arith.constant 0 : i32
    return %arg0, %c0_i32 : i32, i32
  }
}

</mosaic_0001>

<sc_bundles>
// kernel: kernel.10.cloned.1.call-start
scs
__scs_entry_jumppad:
0x0: {  	(pc) =	sbr.rel $0x88, $3  }
0x1: {  	(tag) =	ssettag $0x0;
	lr =	simm.s32 $0x1  }
0x2: {  	[smem:$0x3F98] =	sst lr;
	_ =	strace $0xD0000000  }
0x3: {  	_ = 	snop  }
0x4: {  	_ = 	snop  }
0x5: {  	_ = 	snop  }
0x6: {  	_ = 	snop  }
0x7: {  	_ = 	snop  }
__scs_overlays_trampoline_lowered:
0x8: {  	[smem:$0x3FA7] =	sst s0  }
0x9: {  	[smem:$0x3FA8] =	sst s1  }
0xa: {  	[smem:$0x3FA9] =	sst s2  }
0xb: {  	[smem:$0x3FAA] =	sst s3  }
0xc: {  	[smem:$0x3FAB] =	sst s4  }
0xd: {  	[smem:$0x3FAC] =	sst s5  }
0xe: {  	[smem:$0x3FAD] =	sst s6  }
0xf: {  	[smem:$0x3FAE] =	sst s7  }
0x10: {  	[smem:$0x3FAF] =	sst s8  }
0x11: {  	[smem:$0x3FB0] =	sst s9;
	s0 =	simm.s32 @!p0 $0x0  }
0x12: {  	s1 =	sld [smem:$0x3F96];
	s0 =	simm.s32 @p0 $0x1  }
0x13: {  	[smem:$0x3FB1] =	sst s0;
	s0 =	simm.s32 @!p1 $0x0  }
0x14: {  	s2 =	sld [smem:$0x3F95];
	s0 =	simm.s32 @p1 $0x1  }
0x15: {  	[smem:$0x3FB2] =	sst s0;
	s0 =	simm.s32 @!p2 $0x0  }
0x16: {  	s3 =	sld [smem:$0x3FDB];
	s0 =	simm.s32 @p2 $0x1  }
0x17: {  	s4 =	simm.s32 $0x1BF5;
	[smem:$0x3FB4] =	sst s0  }
0x18: {  	s0 =	sld [smem:$0x3F97];
	_ =	swait.ge [sflag:s4], $0x0  }
0x19: {  	s7 =	sld [smem:$0x3F98]  }
0x1a: {  	s8 =	sadd.s32 $0xFFFFE003, lr  }
0x1b: {  	s9 =	sadd.s32 $0xFFFFFEF7, lr;
	s5 =	simm.s32 $0xFFFFFFFF;
	p2 =	slt.u32 s8, $0xFFFFF086  }
0x1c: {  	p1 =	slt.u32 s9, $0xF7A;
	s5 =	simm.s32 @!p2 $0x0  }
0x1d: {  	s5 =	simm.s32 @p1 $0x1;
	p0 =	seq.s32 s7, s2  }
0x1e: {  	s7 =	smul.u32 @!p0 $0xF7A, s2;
	p2 =	seq.s32 @!p0 s5, $0x0  }
0x1f: {  	s9 =	smul.u32 $0xF7A, s1;
	s8 =	simm.s32 @!p0 $0x1BF5;
	p2 =	por !p2, p0  }
0x20: {  	[sflag:s8] =	ssyncset.s32 @!p0 $0xFFFFF086;
	s6 =	sadd.s32 @!p0 s3, s7;
	s7 =	simm.s32 @!p0 $0x108  }
0x21: {  	s3 =	sadd.s32 s3, s9;
	s6 =	sadd.s32 @!p0 $0x88, s6;
	s7 =	simm.s32 @p2 $0x1082  }
0x22: {  	[simem:s7], [sflag:s8] =	dma.local @!p0 [hbm:s6], $0xF7A  }
0x23: {  	s9 =	sor.u32 $0xD0000000, s2;
	s6 =	simm.s32 $0x108;
	_ =	swait.ge @!p0 [sflag:s8], $0x0  }
0x24: {  	s3 =	sadd.s32 $0x88, s3;
	s6 =	simm.s32 @!p1 $0x1082;
	[sflag:s4] =	ssyncset.s32 $0xFFFFF086  }
0x25: {  	[simem:s6], [sflag:s4] =	dma.local [hbm:s3], $0xF7A  }
0x26: {  	[smem:$0x3F98] =	sst s1;
	(tag) =	ssettag s2;
	_ =	strace s9  }
0x27: {  	s1 =	sld [smem:$0x3FA8]  }
0x28: {  	s2 =	sld [smem:$0x3FA9]  }
0x29: {  	s4 =	sld [smem:$0x3FAB]  }
0x2a: {  	p0 =	seq.s32 s5, $0x0;
	s5 =	sld [smem:$0x3FAC]  }
0x2b: {  	s6 =	sld [smem:$0x3FAD]  }
0x2c: {  	s7 =	sld [smem:$0x3FAE]  }
0x2d: {  	s3 =	simm.s32 $0x108;
	s8 =	sld [smem:$0x3FAF]  }
0x2e: {  	s3 =	simm.s32 @!p0 $0x1082;
	s9 =	sld [smem:$0x3FB0]  }
0x2f: {  	lr =	sadd.s32 s0, s3;
	s0 =	sld [smem:$0x3FA7]  }
0x30: {  	s3 =	sld [smem:$0x3FAA]  }
0x31: {  	[smem:$0x3FB3] =	sst s10  }
0x32: {  	s10 =	sld [smem:$0x3FB1];
	_ =	sdelay $0x3  }
0x33: {  	p0 =	seq.s32 s10, $0x1;
	s10 =	sld [smem:$0x3FB3];
	_ =	sdelay $0x3  }
0x34: {  	[smem:$0x3FB3] =	sst s10  }
0x35: {  	s10 =	sld [smem:$0x3FB2];
	_ =	sdelay $0x3  }
0x36: {  	p1 =	seq.s32 s10, $0x1;
	s10 =	sld [smem:$0x3FB3];
	_ =	sdelay $0x3  }
0x37: {  	[smem:$0x3FB3] =	sst s10  }
0x38: {  	s10 =	sld [smem:$0x3FB4]  }
0x39: {  	_ = 	snop;
	(pc) =	sbr.ind lr, $3  }
0x3a: {  	_ = 	snop  }
0x3b: {  	_ = 	snop  }
0x3c: {  	p2 =	seq.s32 s10, $0x1;
	s10 =	sld [smem:$0x3FB3]  }
0x3d: {  	_ =	shalt  }
0x3e: {  	_ =	shalt  }
0x3f: {  	_ =	shalt  }
0x40: {  	_ =	shalt  }
0x41: {  	_ =	shalt  }
0x42: {  	_ =	shalt  }
0x43: {  	_ =	shalt  }
0x44: {  	_ =	shalt  }
0x45: {  	_ =	shalt  }
0x46: {  	_ =	shalt  }
0x47: {  	_ =	shalt  }
0x48: {  	_ =	shalt  }
0x49: {  	_ =	shalt  }
0x4a: {  	_ =	shalt  }
0x4b: {  	_ =	shalt  }
0x4c: {  	_ =	shalt  }
0x4d: {  	_ =	shalt  }
0x4e: {  	_ =	shalt  }
0x4f: {  	_ =	shalt  }
0x50: {  	_ =	shalt  }
0x51: {  	_ =	shalt  }
0x52: {  	_ =	shalt  }
0x53: {  	_ =	shalt  }
0x54: {  	_ =	shalt  }
0x55: {  	_ =	shalt  }
0x56: {  	_ =	shalt  }
0x57: {  	_ =	shalt  }
0x58: {  	_ =	shalt  }
0x59: {  	_ =	shalt  }
0x5a: {  	_ =	shalt  }
0x5b: {  	_ =	shalt  }
0x5c: {  	_ =	shalt  }
0x5d: {  	_ =	shalt  }
0x5e: {  	_ =	shalt  }
0x5f: {  	_ =	shalt  }
0x60: {  	_ =	shalt  }
0x61: {  	_ =	shalt  }
0x62: {  	_ =	shalt  }
0x63: {  	_ =	shalt  }
0x64: {  	_ =	shalt  }
0x65: {  	_ =	shalt  }
0x66: {  	_ =	shalt  }
0x67: {  	_ =	shalt  }
0x68: {  	_ =	shalt  }
0x69: {  	_ =	shalt  }
0x6a: {  	_ =	shalt  }
0x6b: {  	_ =	shalt  }
0x6c: {  	_ =	shalt  }
0x6d: {  	_ =	shalt  }
0x6e: {  	_ =	shalt  }
0x6f: {  	_ =	shalt  }
0x70: {  	_ =	shalt  }
0x71: {  	_ =	shalt  }
0x72: {  	_ =	shalt  }
0x73: {  	_ =	shalt  }
0x74: {  	_ =	shalt  }
0x75: {  	_ =	shalt  }
0x76: {  	_ =	shalt  }
0x77: {  	_ =	shalt  }
0x78: {  	_ =	shalt  }
0x79: {  	_ =	shalt  }
0x7a: {  	_ =	shalt  }
0x7b: {  	_ =	shalt  }
0x7c: {  	_ =	shalt  }
0x7d: {  	_ =	shalt  }
0x7e: {  	_ =	shalt  }
0x7f: {  	_ =	shalt  }
0x80: {  	_ =	shalt  }
0x81: {  	_ =	shalt  }
0x82: {  	_ =	shalt  }
0x83: {  	_ =	shalt  }
0x84: {  	_ =	shalt  }
0x85: {  	_ =	shalt  }
0x86: {  	_ =	shalt  }
0x87: {  	_ =	shalt  }
.Lfunc_end0:
.L_simem_size_0:
called_computation.1_lowered:
.L_overlay_start_0:
0x88: {  	s2 =	sld [smem:$0x3FD9]  }
0x89: {  	s3 =	sld [smem:$0x3FFE];
	_ =	sdelay $0x1  }
0x8a: {  	s1 =	srdreg.scid  }
0x8b: {  	s0 =	sand.u32 $0x1, s1  }
0x8c: {  	s17 =	sshll.u32 s0, $0xA;
	s2 =	sadd.s32 s3, s2  }
0x8d: {  	s2 =	sadd.s32 s2, s17  }
0x8e: {  	[smem:$0x3FBF] =	sst s2  }
0x8f: {  	_ = 	snop  }
0x90: {  	s2 =	sld [smem:$0x3FD0];
	(tm) =	ssettm $0x1  }
0x91: {  	s18 =	sld [smem:$0x3FFB];
	_ =	sdelay $0x3  }
0x92: {  	_ =	strace s18  }
0x93: {  	s3 =	sld [smem:$0x3FFC];
	_ =	sdelay $0x3  }
0x94: {  	_ =	strace s3  }
0x95: {  	s3 =	sld [smem:$0x3FFD];
	_ =	sdelay $0x3  }
0x96: {  	_ =	strace s3  }
0x97: {  	_ =	strace $0x8FFFFFFF  }
0x98: {  	s19 =	sld [smem:$0x3FDB];
	_ =	sdelay $0x1  }
0x99: {  	s4 =	simm.s32 $_scs_section_size  }
0x9a: {  	s5 =	simm.s32 $_size__tile_overlayer_lowered;
	s6 =	simm.s32 $_tile_overlayer_lowered  }
0x9b: {  	s22 =	simm.s32 $0x1BFF;
	s21 =	sshll.u32 s6, $0x1;
	s3 =	sadd.s32 s4, s19  }
0x9c: {  	s7 =	simm.s32 $0x0;
	s20 =	sshll.u32 s5, $0x1;
	s5 =	sadd.s32 s21, s3  }
0x9d: {  	[timem:s7], [sflag:s22] =	dma.local [hbm:s5], s20  }
0x9e: {  	_ =	swait.ge [sflag:s22], s20  }
0x9f: {  	s4 =	ssub.s32 $0x0, s20;
	[sflag:s22] =	ssyncset.done $0x0  }
0xa0: {  	[sflag:s22] =	ssyncadd.s32 s4;
	_ =	sdelay $0x1  }
0xa1: {  	s23 =	simm.s32 $0x1B8B  }
0xa2: {  	_ =	swait.ge [sflag:s23], $0x1  }
0xa3: {  	[sflag:s23] =	ssyncset.done $0x0  }
0xa4: {  	s25 =	simm.s32 $0x1B8E;
	s24 =	sld [smem:$0x3FFE];
	[sflag:s23] =	ssyncadd.s32 $0xFFFFFFFF  }
0xa5: {  	s26 =	simm.s32 $execute0_lowered;
	[smem:$0x3FD2] =	sst s25  }
0xa6: {  	s5 =	sshll.u32 s26, $0x1;
	_ =	strace $0x80000049;
	[dreg:$0x1] =	wrdreg $0xFFFFFFFF  }
0xa7: {  	s28 =	simm.s32 $_size_execute0_lowered;
	s3 =	sadd.s32 s3, s5;
	[dreg:$0x0] =	wrdreg $0x0  }
0xa8: {  	s5 =	sshll.u32 s28, $0x1;
	[dreg:$0x2] =	wrdreg s3  }
0xa9: {  	[dreg:$0x3] =	wrdreg s5  }
0xaa: {  	[dreg:$0x4] =	wrdreg $0xC0  }
0xab: {  	_ =	task [dreg:s7], $0x5FFFF  }
0xac: {  	[dreg:$0x1] =	wrdreg $0xFFFFFFFF  }
0xad: {  	[dreg:$0x0] =	wrdreg $0x60  }
0xae: {  	[dreg:$0x2] =	wrdreg s24  }
0xaf: {  	[dreg:$0x3] =	wrdreg s2  }
0xb0: {  	[dreg:$0x4] =	wrdreg $0x9  }
0xb1: {  	_ =	task.clear_ibuf [dreg:s7], $0x5FFFF;
	_ =	strace $0x90000049  }
0xb2: {  	s29 =	simm.s32 $0x9;
	_ =	strace $0x8000004B  }
0xb3: {  	_ =	swait.ge [sflag:s29], $0x1  }
0xb4: {  	[sflag:s29] =	ssyncadd.s32 $0xFFFFFFFF  }
0xb5: {  	_ =	strace $0x9000004B  }
0xb6: {  	_ =	sfence  }
0xb7: {  	s30 =	sld [smem:$0x0];
	_ =	sdelay $0x2  }
0xb8: {  	s31 =	sshll.u32 s1, $0xD;
	s1 =	sshrl.u32 s1, $0x2  }
0xb9: {  	s3 =	sand.u32 $0x4000, s31;
	s1 =	sadd.s32 s1, s30  }
0xba: {  	s0 =	sor.u32 s3, s0;
	s1 =	sshll.u32 s1, $0x11  }
0xbb: {  	s0 =	sor.u32 s1, s0  }
0xbc: {  	s0 =	sadd.s32 $0x8F2B, s0  }
0xbd: {  	[sflag:s0] =	ssyncadd.remote.s32 $0x1  }
0xbe: {  	_ =	sfence.sel $0xFFFF  }
0xbf: {  	[dreg:$0x0] =	wrdreg $0xFFFFFFFF;
	(pc) =	sbr.abs _section_cstart, $3  }
0xc0: {  	[dreg:$0x1] =	wrdreg $0xFFFFFFFF  }
0xc1: {  	_ =	task.clear_ibuf [dreg:s7], $0x2FFFF;
	_ =	strace $0x9FFFFFFF  }
0xc2: {  	(tm) =	ssettm $0x7FFFFFFF  }
0xc3: {  	_ =	shalt  }
tec
execute0_lowered:
.L_overlay_start_1:
0x0: {  	(tag) =	ssettag $0x1  }
0x1: {  	s0 =	rddreg [dreg:$0x0]  }
0x2: {  	s2 =	rddreg [dreg:$0x1];
	s1 =	simm.s32 $0x0;
	s4 =	srdreg.scid  }
0x3: {  	s7 =	stileid.u32;
	s31 =	simm.s32 $0x1;
	s29 =	simm.s32 $0x3  }
0x4: {  	[smem:$0x7FF] =	sst s1;
	s3 =	sadd.s32 $0x10200, s0;
	s4 =	sand.u32 $0x1, s4  }
0x5: {  	s5 =	sadd.s32 $0x88600, s0;
	s7 =	sshll.u32 s7, $0x1;
	s8 =	sadd.s32 $0x10000, s0  }
0x6: {  	s28 =	sadd.s32 $0x8000, s0;
	s6 =	ssub.s32 $0x2, s4;
	s4 =	sor.u32 s4, s7  }
0x7: {  	_ =	strace $0x8000004A;
	s9 =	sshrl.u32 s6, $0x1;
	s30 =	sshll.u32 s4, $0x6  }
0x8: {  	s10 =	sshll.u32 s4, $0x4;
	s11 =	sshll.u32 s4, $0xA;
	s4 =	smul.u32 $0x1800, s4  }
0x9: {  	s6 =	ssub.s32 s6, s9;
	s10 =	sadd.s32 s8, s10;
	s13 =	sadd.s32 s0, s11  }
0xa: {  	s14 =	sor.u32 $0x10, s30;
	s11 =	sadd.s32 s28, s11;
	[dreg:$0x3] =	wrdreg s10  }
0xb: {  	s18 =	sor.u32 $0x20, s30;
	s9 =	sor.u32 $0x30, s30;
	[dreg:$0x4] =	wrdreg s13  }
0xc: {  	[dreg:$0x5] =	wrdreg s11;
	s15 =	sadd.s32 s5, s4;
	s16 =	sshrl.u32 s14, $0x2  }
0xd: {  	s17 =	sshrl.u32 s14, $0x3;
	s4 =	sadd.s32 s2, s4;
	[dreg:$0x6] =	wrdreg s15  }
0xe: {  	s10 =	sshll.u32 s14, $0x4;
	s30 =	smax.u32 s6, $0x1;
	[dreg:$0xf] =	wrdreg s4  }
0xf: {  	s19 =	sshrl.u32 s18, $0x3;
	s11 =	sadd.s32 s8, s16;
	[dreg:$0x17] =	wrdreg s30  }
0x10: {  	s20 =	sshrl.u32 s9, $0x3;
	s12 =	sadd.s32 s0, s10;
	[dreg:$0x7] =	wrdreg s11  }
0x11: {  	s14 =	sshrl.u32 s18, $0x2;
	s10 =	sadd.s32 s28, s10;
	[dreg:$0x8] =	wrdreg s12  }
0x12: {  	s15 =	sshrl.u32 s9, $0x2;
	s14 =	sadd.s32 s8, s14;
	[dreg:$0x9] =	wrdreg s10  }
0x13: {  	[dreg:$0xb] =	wrdreg s14;
	s12 =	sshll.u32 s18, $0x4;
	s8 =	sadd.s32 s8, s15  }
0x14: {  	s26 =	sshll.u32 s9, $0x4;
	[dreg:$0xc] =	wrdreg s8;
	s24 =	sadd.s32 s0, s12  }
0x15: {  	s11 =	smul.u32 $0x300, s17;
	s25 =	sadd.s32 s28, s12;
	[dreg:$0x13] =	wrdreg s24  }
0x16: {  	s10 =	smul.u32 $0x300, s19;
	s28 =	sadd.s32 s28, s26;
	[dreg:$0x14] =	wrdreg s25  }
0x17: {  	s6 =	simm.s32 $0xD200;
	s13 =	sadd.s32 s5, s11;
	[dreg:$0x15] =	wrdreg s28  }
0x18: {  	s21 =	sadd.s32 s5, s10;
	s22 =	sadd.s32 s2, s11;
	[dreg:$0xa] =	wrdreg s13  }
0x19: {  	s23 =	sadd.s32 s2, s10;
	s13 =	smul.u32 $0x300, s20;
	[dreg:$0xd] =	wrdreg s21  }
0x1a: {  	s24 =	sadd.s32 $0x10300, s0;
	s25 =	sadd.s32 $0x10400, s0;
	[dreg:$0x10] =	wrdreg s22  }
0x1b: {  	[dreg:$0x11] =	wrdreg s23;
	s22 =	simm.s32 $0x4200;
	s5 =	sadd.s32 s5, s13  }
0x1c: {  	v2 =	vlaneseq.u32;
	s23 =	simm.s32 $0x1B200;
	s2 =	sadd.s32 s2, s13;
	[dreg:$0xe] =	wrdreg s5  }
0x1d: {  	vm0 =	vmmov $0xffff;
	v1 =	vshrl.u32 v2, $0x3;
	[dreg:$0x12] =	wrdreg s2;
	s2 =	sadd.s32 s0, s26;
	s26 =	simm.s32 $0x2  }
0x1e: {  	v0 =	vand.u32 $0x7, v2;
	v2 =	vor.u32 $0x8, v2;
	v1 =	vmul.u32 $0x8, v1;
	s0 =	simm.s32 $0x0;
	[dreg:$0x16] =	wrdreg s2;
	s2 =	simm.s32 $0x1BA00  }
.LBB2_1:
0x1f: {  	s4 =	rddreg [dreg:$0x3]  }
0x20: {  	[tilespmem:s1], [sflag:$0x1] =	stream.linear.gather [hbm4b:s4+s1], $0x20, $0x38;
	[tilespmem:$0x1C200] =	vst v63  }
0x21: {  	s12 =	rddreg [dreg:$0x4];
	s5 =	simm.s32 $0x200  }
0x22: {  	[tilespmem:s5], [sflag:$0x1] =	stream.linear.gather [hbm4b:s12+s1], $0x800, $0x38;
	[tilespmem:$0x1C200] =	vst v63  }
0x23: {  	s13 =	rddreg [dreg:$0x5];
	s14 =	simm.s32 $0x2200  }
0x24: {  	[tilespmem:s14], [sflag:$0x1] =	stream.linear.gather [hbm4b:s13+s1], $0x800, $0x38;
	[tilespmem:$0x1C200] =	vst v63  }
0x25: {  	s15 =	rddreg [dreg:$0x6]  }
0x26: {  	[tilespmem:s22], [sflag:$0x1] =	stream.linear.gather [hbm4b:s15+s1], $0x3000, $0x38;
	[tilespmem:$0x1C200] =	vst v63  }
0x27: {  	s16 =	rddreg [dreg:$0x7];
	s17 =	simm.s32 $0x80  }
0x28: {  	[tilespmem:s17], [sflag:$0x1] =	stream.linear.gather [hbm4b:s16+s1], $0x20, $0x38;
	[tilespmem:$0x1C200] =	vst v63  }
0x29: {  	s18 =	rddreg [dreg:$0x8];
	s19 =	simm.s32 $0xA00  }
0x2a: {  	[tilespmem:s19], [sflag:$0x1] =	stream.linear.gather [hbm4b:s18+s1], $0x800, $0x38;
	[tilespmem:$0x1C200] =	vst v63  }
0x2b: {  	s20 =	rddreg [dreg:$0x9];
	s21 =	simm.s32 $0x2A00  }
0x2c: {  	[tilespmem:s21], [sflag:$0x1] =	stream.linear.gather [hbm4b:s20+s1], $0x800, $0x38;
	[tilespmem:$0x1C200] =	vst v63  }
0x2d: {  	s28 =	rddreg [dreg:$0xa];
	s30 =	simm.s32 $0x7200  }
0x2e: {  	[tilespmem:s30], [sflag:$0x1] =	stream.linear.gather [hbm4b:s28+s1], $0x3000, $0x38;
	[tilespmem:$0x1C200] =	vst v63  }
0x2f: {  	s7 =	simm.s32 $0x100;
	s5 =	rddreg [dreg:$0xb]  }
0x30: {  	[tilespmem:s7], [sflag:$0x1] =	stream.linear.gather [hbm4b:s5+s1], $0x20, $0x38;
	[tilespmem:$0x1C200] =	vst v63  }
0x31: {  	s8 =	rddreg [dreg:$0x13];
	s9 =	simm.s32 $0x1200  }
0x32: {  	[tilespmem:s9], [sflag:$0x1] =	stream.linear.gather [hbm4b:s8+s1], $0x800, $0x38;
	[tilespmem:$0x1C200] =	vst v63  }
0x33: {  	s10 =	rddreg [dreg:$0x14];
	s11 =	simm.s32 $0x3200  }
0x34: {  	[tilespmem:s11], [sflag:$0x1] =	stream.linear.gather [hbm4b:s10+s1], $0x800, $0x38;
	[tilespmem:$0x1C200] =	vst v63  }
0x35: {  	s12 =	rddreg [dreg:$0xd];
	s13 =	simm.s32 $0xA200  }
0x36: {  	[tilespmem:s13], [sflag:$0x1] =	stream.linear.gather [hbm4b:s12+s1], $0x3000, $0x38;
	[tilespmem:$0x1C200] =	vst v63  }
0x37: {  	s14 =	rddreg [dreg:$0xc];
	s15 =	simm.s32 $0x180  }
0x38: {  	[tilespmem:s15], [sflag:$0x1] =	stream.linear.gather [hbm4b:s14+s1], $0x20, $0x38;
	[tilespmem:$0x1C200] =	vst v63  }
0x39: {  	s16 =	rddreg [dreg:$0x16];
	s17 =	simm.s32 $0x1A00  }
0x3a: {  	[tilespmem:s17], [sflag:$0x1] =	stream.linear.gather [hbm4b:s16+s1], $0x800, $0x38;
	[tilespmem:$0x1C200] =	vst v63  }
0x3b: {  	s18 =	rddreg [dreg:$0x15];
	s19 =	simm.s32 $0x3A00  }
0x3c: {  	[tilespmem:s19], [sflag:$0x1] =	stream.linear.gather [hbm4b:s18+s1], $0x800, $0x38;
	[tilespmem:$0x1C200] =	vst v63  }
0x3d: {  	s20 =	rddreg [dreg:$0xe]  }
0x3e: {  	[tilespmem:s6], [sflag:$0x1] =	stream.linear.gather [hbm4b:s20+s1], $0x3000, $0x38;
	[tilespmem:$0x1C200] =	vst v63  }
0x3f: {  	_ =	swait.ge [sflag:s31], $0x20  }
0x40: {  	[sflag:s31] =	ssyncset.done $0x0  }
0x41: {  	[sflag:s31] =	ssyncadd.s32 $0xFFFFFFE0  }
0x42: {  	_ =	swait.ge [sflag:s31], $0x800  }
0x43: {  	[sflag:s31] =	ssyncset.done $0x0  }
0x44: {  	[sflag:s31] =	ssyncadd.s32 $0xFFFFF800  }
0x45: {  	_ =	swait.ge [sflag:s31], $0x800  }
0x46: {  	[sflag:s31] =	ssyncset.done $0x0  }
0x47: {  	[sflag:s31] =	ssyncadd.s32 $0xFFFFF800  }
0x48: {  	_ =	swait.ge [sflag:s31], $0x3000  }
0x49: {  	[sflag:s31] =	ssyncset.done $0x0  }
0x4a: {  	[sflag:s31] =	ssyncadd.s32 $0xFFFFD000  }
0x4b: {  	_ =	swait.ge [sflag:s31], $0x20  }
0x4c: {  	[sflag:s31] =	ssyncset.done $0x0  }
0x4d: {  	[sflag:s31] =	ssyncadd.s32 $0xFFFFFFE0  }
0x4e: {  	_ =	swait.ge [sflag:s31], $0x800  }
0x4f: {  	[sflag:s31] =	ssyncset.done $0x0  }
0x50: {  	[sflag:s31] =	ssyncadd.s32 $0xFFFFF800  }
0x51: {  	_ =	swait.ge [sflag:s31], $0x800  }
0x52: {  	[sflag:s31] =	ssyncset.done $0x0  }
0x53: {  	[sflag:s31] =	ssyncadd.s32 $0xFFFFF800  }
0x54: {  	_ =	swait.ge [sflag:s31], $0x3000  }
0x55: {  	[sflag:s31] =	ssyncset.done $0x0  }
0x56: {  	[sflag:s31] =	ssyncadd.s32 $0xFFFFD000  }
0x57: {  	_ =	swait.ge [sflag:s31], $0x20  }
0x58: {  	[sflag:s31] =	ssyncset.done $0x0  }
0x59: {  	[sflag:s31] =	ssyncadd.s32 $0xFFFFFFE0  }
0x5a: {  	_ =	swait.ge [sflag:s31], $0x800  }
0x5b: {  	[sflag:s31] =	ssyncset.done $0x0  }
0x5c: {  	[sflag:s31] =	ssyncadd.s32 $0xFFFFF800  }
0x5d: {  	_ =	swait.ge [sflag:s31], $0x800  }
0x5e: {  	[sflag:s31] =	ssyncset.done $0x0  }
0x5f: {  	[sflag:s31] =	ssyncadd.s32 $0xFFFFF800  }
0x60: {  	_ =	swait.ge [sflag:s31], $0x3000  }
0x61: {  	[sflag:s31] =	ssyncset.done $0x0  }
0x62: {  	[sflag:s31] =	ssyncadd.s32 $0xFFFFD000  }
0x63: {  	_ =	swait.ge [sflag:s31], $0x20  }
0x64: {  	[sflag:s31] =	ssyncset.done $0x0  }
0x65: {  	[sflag:s31] =	ssyncadd.s32 $0xFFFFFFE0  }
0x66: {  	_ =	swait.ge [sflag:s31], $0x800  }
0x67: {  	[sflag:s31] =	ssyncset.done $0x0  }
0x68: {  	[sflag:s31] =	ssyncadd.s32 $0xFFFFF800  }
0x69: {  	_ =	swait.ge [sflag:s31], $0x800  }
0x6a: {  	[sflag:s31] =	ssyncset.done $0x0  }
0x6b: {  	[sflag:s31] =	ssyncadd.s32 $0xFFFFF800  }
0x6c: {  	_ =	swait.ge [sflag:s31], $0x3000  }
0x6d: {  	[sflag:s31] =	ssyncset.done $0x0  }
0x6e: {  	[sflag:s31] =	ssyncadd.s32 $0xFFFFD000  }
0x6f: {  	v3 =	vld [tilespmem:$0x0];
	_ =	sdelay $0x4  }
0x70: {  	v4 =	vshrl.u32 v3, $0x3  }
0x71: {  	v4 =	vmul.u32 $0x30, v4  }
0x72: {  	v3 =	vand.u32 $0x7, v3  }
0x73: {  	v3 =	vor.u32 v3, v4  }
0x74: {  	v4 =	vperm.xlane v3, v0;
	_ =	sdelay $0x1  }
0x75: {  	v4 =	vadd.s32 v1, v4;
	_ =	sdelay $0x3  }
0x76: {  	s21 =	simm.s32 $0x10200;
	v3 =	vperm.xlane v3, v2  }
0x77: {  	[tilespmem:s21], [sflag:$0x2] =	stream.indirect_vreg.gather [hbm4b:s3+s1], $0x80, v4, vm0, $0xb8;
	[tilespmem:$0x1C200] =	vst v63  }
0x78: {  	s28 =	simm.s32 $0x10A00;
	v3 =	vadd.s32 v1, v3  }
0x79: {  	[tilespmem:s28], [sflag:$0x2] =	stream.indirect_vreg.gather [hbm4b:s24+s1], $0x80, v4, vm0, $0xb8;
	[tilespmem:$0x1C200] =	vst v63  }
0x7a: {  	s30 =	simm.s32 $0x11200  }
0x7b: {  	[tilespmem:s30], [sflag:$0x2] =	stream.indirect_vreg.gather [hbm4b:s25+s1], $0x80, v4, vm0, $0xb8;
	[tilespmem:$0x1C200] =	vst v63  }
0x7c: {  	s5 =	simm.s32 $0x11A00  }
0x7d: {  	[tilespmem:s5], [sflag:$0x2] =	stream.indirect_vreg.gather [hbm4b:s3+s1], $0x80, v3, vm0, $0xb8;
	[tilespmem:$0x1C200] =	vst v63  }
0x7e: {  	s6 =	simm.s32 $0x12200  }
0x7f: {  	[tilespmem:s6], [sflag:$0x2] =	stream.indirect_vreg.gather [hbm4b:s24+s1], $0x80, v3, vm0, $0xb8;
	[tilespmem:$0x1C200] =	vst v63  }
0x80: {  	s7 =	simm.s32 $0x12A00  }
0x81: {  	[tilespmem:s7], [sflag:$0x2] =	stream.indirect_vreg.gather [hbm4b:s25+s1], $0x80, v3, vm0, $0xb8;
	[tilespmem:$0x1C200] =	vst v63  }
0x82: {  	v3 =	vld [tilespmem:$0x10];
	_ =	sdelay $0x4  }
0x83: {  	v61 =	vshrl.u32 v3, $0x3  }
0x84: {  	v4 =	vmul.u32 $0x30, v61  }
0x85: {  	v3 =	vand.u32 $0x7, v3  }
0x86: {  	v3 =	vor.u32 v3, v4  }
0x87: {  	v4 =	vperm.xlane v3, v0;
	_ =	sdelay $0x1  }
0x88: {  	v4 =	vadd.s32 v1, v4;
	_ =	sdelay $0x3  }
0x89: {  	s8 =	simm.s32 $0x13200;
	v3 =	vperm.xlane v3, v2  }
0x8a: {  	[tilespmem:s8], [sflag:$0x2] =	stream.indirect_vreg.gather [hbm4b:s3+s1], $0x80, v4, vm0, $0xb8;
	[tilespmem:$0x1C200] =	vst v63  }
0x8b: {  	s9 =	simm.s32 $0x13A00;
	v3 =	vadd.s32 v1, v3  }
0x8c: {  	[tilespmem:s9], [sflag:$0x2] =	stream.indirect_vreg.gather [hbm4b:s24+s1], $0x80, v4, vm0, $0xb8;
	[tilespmem:$0x1C200] =	vst v63  }
0x8d: {  	s10 =	simm.s32 $0x14200  }
0x8e: {  	[tilespmem:s10], [sflag:$0x2] =	stream.indirect_vreg.gather [hbm4b:s25+s1], $0x80, v4, vm0, $0xb8;
	[tilespmem:$0x1C200] =	vst v63  }
0x8f: {  	s11 =	simm.s32 $0x14A00  }
0x90: {  	[tilespmem:s11], [sflag:$0x2] =	stream.indirect_vreg.gather [hbm4b:s3+s1], $0x80, v3, vm0, $0xb8;
	[tilespmem:$0x1C200] =	vst v63  }
0x91: {  	s12 =	simm.s32 $0x15200  }
0x92: {  	[tilespmem:s12], [sflag:$0x2] =	stream.indirect_vreg.gather [hbm4b:s24+s1], $0x80, v3, vm0, $0xb8;
	[tilespmem:$0x1C200] =	vst v63  }
0x93: {  	s13 =	simm.s32 $0x15A00  }
0x94: {  	[tilespmem:s13], [sflag:$0x2] =	stream.indirect_vreg.gather [hbm4b:s25+s1], $0x80, v3, vm0, $0xb8;
	[tilespmem:$0x1C200] =	vst v63  }
0x95: {  	v3 =	vld [tilespmem:$0x80];
	_ =	sdelay $0x4  }
0x96: {  	v62 =	vshrl.u32 v3, $0x3  }
0x97: {  	v4 =	vmul.u32 $0x30, v62  }
0x98: {  	v3 =	vand.u32 $0x7, v3  }
0x99: {  	v3 =	vor.u32 v3, v4  }
0x9a: {  	v4 =	vperm.xlane v3, v0;
	_ =	sdelay $0x1  }
0x9b: {  	v4 =	vadd.s32 v1, v4;
	_ =	sdelay $0x3  }
0x9c: {  	s14 =	simm.s32 $0x16200;
	v3 =	vperm.xlane v3, v2  }
0x9d: {  	[tilespmem:s14], [sflag:$0x2] =	stream.indirect_vreg.gather [hbm4b:s3+s1], $0x80, v4, vm0, $0xb8;
	[tilespmem:$0x1C200] =	vst v63  }
0x9e: {  	s15 =	simm.s32 $0x16A00;
	v3 =	vadd.s32 v1, v3  }
0x9f: {  	[tilespmem:s15], [sflag:$0x2] =	stream.indirect_vreg.gather [hbm4b:s24+s1], $0x80, v4, vm0, $0xb8;
	[tilespmem:$0x1C200] =	vst v63  }
0xa0: {  	s16 =	simm.s32 $0x17200  }
0xa1: {  	[tilespmem:s16], [sflag:$0x2] =	stream.indirect_vreg.gather [hbm4b:s25+s1], $0x80, v4, vm0, $0xb8;
	[tilespmem:$0x1C200] =	vst v63  }
0xa2: {  	s17 =	simm.s32 $0x17A00  }
0xa3: {  	[tilespmem:s17], [sflag:$0x2] =	stream.indirect_vreg.gather [hbm4b:s3+s1], $0x80, v3, vm0, $0xb8;
	[tilespmem:$0x1C200] =	vst v63  }
0xa4: {  	s18 =	simm.s32 $0x18200  }
0xa5: {  	[tilespmem:s18], [sflag:$0x2] =	stream.indirect_vreg.gather [hbm4b:s24+s1], $0x80, v3, vm0, $0xb8;
	[tilespmem:$0x1C200] =	vst v63  }
0xa6: {  	s19 =	simm.s32 $0x18A00  }
0xa7: {  	[tilespmem:s19], [sflag:$0x2] =	stream.indirect_vreg.gather [hbm4b:s25+s1], $0x80, v3, vm0, $0xb8;
	[tilespmem:$0x1C200] =	vst v63  }
0xa8: {  	v3 =	vld [tilespmem:$0x90];
	_ =	sdelay $0x4  }
0xa9: {  	v63 =	vshrl.u32 v3, $0x3  }
0xaa: {  	v4 =	vmul.u32 $0x30, v63  }
0xab: {  	v3 =	vand.u32 $0x7, v3  }
0xac: {  	v3 =	vor.u32 v3, v4  }
0xad: {  	v4 =	vperm.xlane v3, v0;
	_ =	sdelay $0x1  }
0xae: {  	v4 =	vadd.s32 v1, v4;
	_ =	sdelay $0x3  }
0xaf: {  	s20 =	simm.s32 $0x19200;
	v3 =	vperm.xlane v3, v2  }
0xb0: {  	[tilespmem:s20], [sflag:$0x2] =	stream.indirect_vreg.gather [hbm4b:s3+s1], $0x80, v4, vm0, $0xb8;
	[tilespmem:$0x1C200] =	vst v63  }
0xb1: {  	s21 =	simm.s32 $0x19A00;
	v3 =	vadd.s32 v1, v3  }
0xb2: {  	[tilespmem:s21], [sflag:$0x2] =	stream.indirect_vreg.gather [hbm4b:s24+s1], $0x80, v4, vm0, $0xb8;
	[tilespmem:$0x1C200] =	vst v63  }
0xb3: {  	s28 =	simm.s32 $0x1A200  }
0xb4: {  	[tilespmem:s28], [sflag:$0x2] =	stream.indirect_vreg.gather [hbm4b:s25+s1], $0x80, v4, vm0, $0xb8;
	[tilespmem:$0x1C200] =	vst v63  }
0xb5: {  	s30 =	simm.s32 $0x1AA00  }
0xb6: {  	[tilespmem:s30], [sflag:$0x2] =	stream.indirect_vreg.gather [hbm4b:s3+s1], $0x80, v3, vm0, $0xb8;
	[tilespmem:$0x1C200] =	vst v63  }
0xb7: {  	_ = 	snop  }
0xb8: {  	[tilespmem:s23], [sflag:$0x2] =	stream.indirect_vreg.gather [hbm4b:s24+s1], $0x80, v3, vm0, $0xb8;
	[tilespmem:$0x1C200] =	vst v63  }
0xb9: {  	_ = 	snop  }
0xba: {  	[tilespmem:s2], [sflag:$0x2] =	stream.indirect_vreg.gather [hbm4b:s25+s1], $0x80, v3, vm0, $0xb8;
	[tilespmem:$0x1C200] =	vst v63  }
0xbb: {  	_ =	swait.ge [sflag:s26], $0x6000  }
0xbc: {  	[sflag:s26] =	ssyncset.done $0x0  }
0xbd: {  	s4 =	simm.s32 $0x0;
	[sflag:s26] =	ssyncadd.s32 $0xFFFFA000  }
.LBB2_2:
0xbe: {  	s5 =	sshrl.u32 s4, $0x2  }
0xbf: {  	s5 =	smul.u32 $0x6000, s5  }
0xc0: {  	s6 =	sshll.u32 s4, $0x8  }
0xc1: {  	s7 =	sshll.u32 s4, $0x7;
	s6 =	sand.u32 $0x300, s6;
	s5 =	sshra.s32 s5, $0x2  }
0xc2: {  	s18 =	sshrl.u32 s4, $0x3;
	s8 =	simm.s32 $0x0;
	s5 =	sor.u32 s6, s5  }
0xc3: {  	s9 =	sand.u32 $0x40, s8;
	s8 =	sand.u32 $0x1C00, s8;
	s5 =	sadd.s32 $0x10200, s5  }
0xc4: {  	v3 =	vld [tilespmem:s7+$0x200];
	s10 =	sor.u32 $0x30, s9;
	s6 =	smul.u32 $0x6000, s18;
	s12 =	sadd.s32 s8, s5  }
0xc5: {  	v4 =	vld [tilespmem:s7+$0x2200];
	s11 =	sadd.s32 $0x80, s12;
	s13 =	sadd.s32 s10, s12  }
0xc6: {  	s7 =	sand.u32 $0x380, s7;
	s6 =	sshra.s32 s6, $0x2;
	v7 =	vld [tilespmem:s13+$0x0];
	s19 =	sadd.s32 s10, s11  }
0xc7: {  	s20 =	sor.u32 $0x10, s9;
	s6 =	sor.u32 s7, s6;
	s14 =	sadd.s32 s9, s11;
	v8 =	vld [tilespmem:s19+$0x0]  }
0xc8: {  	s21 =	sor.u32 $0x20, s9;
	s6 =	sadd.s32 $0x4200, s6;
	s15 =	sadd.s32 s20, s11;
	v10 =	vld [tilespmem:s14+$0x0]  }
0xc9: {  	s11 =	sadd.s32 s21, s11;
	s8 =	sadd.s32 s8, s6;
	v12 =	vld [tilespmem:s15+$0x0]  }
0xca: {  	v6 =	vld [tilespmem:s11+$0x0];
	s11 =	sadd.s32 s10, s8  }
0xcb: {  	s28 =	sadd.s32 s9, s12;
	v5 =	vld [tilespmem:s11+$0x0]  }
0xcc: {  	s30 =	sadd.s32 s20, s12;
	s12 =	sadd.s32 s21, s12;
	v9 =	vld [tilespmem:s28+$0x0];
	v13 =	vmul.f32 v7, v3;
	v14 =	vmul.f32 v8, v4  }
0xcd: {  	v11 =	vld [tilespmem:s30+$0x0];
	s13 =	simm.s32 $0x40;
	s10 =	simm.s32 $0x0;
	s9 =	sadd.s32 s9, s8  }
0xce: {  	s7 =	sadd.s32 s20, s8;
	s8 =	sadd.s32 s21, s8;
	v8 =	vmul.f32 v10, v4;
	v7 =	vmul.f32 v12, v4;
	v10 =	vld [tilespmem:s12+$0x0];
	s12 =	simm.s32 $0x200;
	v12 =	vadd.f32 v14, v13  }
.LBB2_3:
0xcf: {  	s14 =	sand.u32 $0x40, s13;
	s15 =	sand.u32 $0x1C00, s12;
	s10 =	sadd.s32 $0x4, s10;
	v13 =	vld [tilespmem:s9+$0x0];
	v6 =	vmul.f32 v6, v4  }
0xd0: {  	s16 =	sadd.s32 s15, s5;
	s30 =	sor.u32 $0x30, s14;
	p0 =	slt.u32 s10, $0x2C;
	v14 =	vld [tilespmem:s7+$0x0];
	v5 =	vadd.f32 v12, v5  }
0xd1: {  	s18 =	sor.u32 $0x10, s14;
	s17 =	sadd.s32 $0x80, s16;
	s19 =	sadd.s32 s30, s16;
	v9 =	vmul.f32 v9, v3;
	v12 =	vld [tilespmem:s8+$0x0]  }
0xd2: {  	s28 =	sor.u32 $0x20, s14;
	s20 =	sadd.s32 s14, s17;
	v15 =	vld [tilespmem:s19+$0x0];
	s19 =	sadd.s32 s30, s17;
	v11 =	vmul.f32 v11, v3;
	[tilespmem:s11+$0x0] =	vst v5  }
0xd3: {  	s21 =	sadd.s32 s14, s16;
	s11 =	sadd.s32 s18, s17;
	s17 =	sadd.s32 s28, s17;
	v16 =	vld [tilespmem:s19+$0x0];
	v5 =	vadd.f32 v8, v9;
	v8 =	vmul.f32 v10, v3  }
0xd4: {  	s15 =	sadd.s32 s15, s6;
	s19 =	sadd.s32 s18, s16;
	s16 =	sadd.s32 s28, s16;
	v10 =	vld [tilespmem:s20+$0x0];
	v7 =	vadd.f32 v7, v11  }
0xd5: {  	s14 =	sadd.s32 s14, s15;
	v17 =	vld [tilespmem:s11+$0x0];
	v9 =	vadd.f32 v5, v13;
	v8 =	vadd.f32 v6, v8  }
.Ltmp0:
0xd6: {  	s18 =	sadd.s32 s18, s15;
	s11 =	sadd.s32 s30, s15;
	v6 =	vld [tilespmem:s17+$0x0];
	v7 =	vadd.f32 v7, v14;
	(pc) =	sbr.rel @p0 .LBB2_3-.Ltmp0, $4  }
0xd7: {  	s15 =	sadd.s32 s28, s15;
	v5 =	vld [tilespmem:s11+$0x0];
	[tilespmem:s9+$0x0] =	vst v9;
	v12 =	vadd.f32 v8, v12;
	s9 =	smov.u32 s14  }
0xd8: {  	v13 =	vmul.f32 v15, v3;
	v9 =	vld [tilespmem:s21+$0x0];
	v14 =	vmul.f32 v16, v4;
	[tilespmem:s7+$0x0] =	vst v7;
	s7 =	smov.u32 s18  }
0xd9: {  	v8 =	vmul.f32 v10, v4;
	v11 =	vld [tilespmem:s19+$0x0];
	[tilespmem:s8+$0x0] =	vst v12;
	s8 =	smov.u32 s15  }
0xda: {  	s12 =	sadd.s32 $0x200, s12;
	s13 =	sadd.s32 $0x40, s13;
	v7 =	vmul.f32 v17, v4;
	v10 =	vld [tilespmem:s16+$0x0];
	v12 =	vadd.f32 v14, v13  }
0xdb: {  	_ = 	snop  }
0xdc: {  	v13 =	vld [tilespmem:s9+$0x0]  }
0xdd: {  	v14 =	vld [tilespmem:s7+$0x0];
	v9 =	vmul.f32 v9, v3  }
0xde: {  	v15 =	vld [tilespmem:s8+$0x0];
	v11 =	vmul.f32 v11, v3  }
0xdf: {  	v4 =	vmul.f32 v6, v4;
	s4 =	sadd.s32 $0x1, s4;
	v62 =	vadd.f32 v8, v9;
	v3 =	vmul.f32 v10, v3  }
0xe0: {  	v5 =	vadd.f32 v12, v5;
	p0 =	sne.s32 s4, $0x10;
	v7 =	vadd.f32 v7, v11  }
.Ltmp1:
0xe1: {  	v6 =	vadd.f32 v62, v13;
	v3 =	vadd.f32 v4, v3;
	(pc) =	sbr.rel @p0 .LBB2_2-.Ltmp1, $4  }
0xe2: {  	[tilespmem:s11+$0x0] =	vst v5;
	v63 =	vadd.f32 v7, v14  }
0xe3: {  	[tilespmem:s9+$0x0] =	vst v6;
	v3 =	vadd.f32 v3, v15  }
0xe4: {  	[tilespmem:s7+$0x0] =	vst v63  }
0xe5: {  	[tilespmem:s8+$0x0] =	vst v3  }
0xe6: {  	s4 =	simm.s32 $0x0;
	s5 =	rddreg [dreg:$0xf]  }
0xe7: {  	[hbm4b:s5+s4] =	stream.linear.scatter [tilespmem:s22], [sflag:$0x3], $0x3000, $0x38;
	[tilespmem:$0x1C200] =	vst v63  }
0xe8: {  	v3 =	vld [tilespmem:$0x100];
	_ =	sdelay $0x4  }
0xe9: {  	v4 =	vshrl.u32 v3, $0x3  }
0xea: {  	v4 =	vmul.u32 $0x30, v4  }
0xeb: {  	v3 =	vand.u32 $0x7, v3  }
0xec: {  	v3 =	vor.u32 v3, v4  }
0xed: {  	v4 =	vperm.xlane v3, v0;
	_ =	sdelay $0x1  }
0xee: {  	v4 =	vadd.s32 v1, v4;
	_ =	sdelay $0x3  }
0xef: {  	s13 =	simm.s32 $0x10200;
	v3 =	vperm.xlane v3, v2  }
0xf0: {  	[tilespmem:s13], [sflag:$0x2] =	stream.indirect_vreg.gather [hbm4b:s3+s4], $0x80, v4, vm0, $0xb8;
	[tilespmem:$0x1C200] =	vst v63  }
0xf1: {  	s14 =	simm.s32 $0x10A00;
	v3 =	vadd.s32 v1, v3  }
0xf2: {  	[tilespmem:s14], [sflag:$0x2] =	stream.indirect_vreg.gather [hbm4b:s24+s4], $0x80, v4, vm0, $0xb8;
	[tilespmem:$0x1C200] =	vst v63  }
0xf3: {  	s15 =	simm.s32 $0x11200  }
0xf4: {  	[tilespmem:s15], [sflag:$0x2] =	stream.indirect_vreg.gather [hbm4b:s25+s4], $0x80, v4, vm0, $0xb8;
	[tilespmem:$0x1C200] =	vst v63  }
0xf5: {  	s16 =	simm.s32 $0x11A00  }
0xf6: {  	[tilespmem:s16], [sflag:$0x2] =	stream.indirect_vreg.gather [hbm4b:s3+s4], $0x80, v3, vm0, $0xb8;
	[tilespmem:$0x1C200] =	vst v63  }
0xf7: {  	s17 =	simm.s32 $0x12200  }
0xf8: {  	[tilespmem:s17], [sflag:$0x2] =	stream.indirect_vreg.gather [hbm4b:s24+s4], $0x80, v3, vm0, $0xb8;
	[tilespmem:$0x1C200] =	vst v63  }
0xf9: {  	s18 =	simm.s32 $0x12A00  }
0xfa: {  	[tilespmem:s18], [sflag:$0x2] =	stream.indirect_vreg.gather [hbm4b:s25+s4], $0x80, v3, vm0, $0xb8;
	[tilespmem:$0x1C200] =	vst v63  }
0xfb: {  	v3 =	vld [tilespmem:$0x110];
	_ =	sdelay $0x4  }
0xfc: {  	v63 =	vshrl.u32 v3, $0x3  }
0xfd: {  	v4 =	vmul.u32 $0x30, v63  }
0xfe: {  	v3 =	vand.u32 $0x7, v3  }
0xff: {  	v3 =	vor.u32 v3, v4  }
0x100: {  	v4 =	vperm.xlane v3, v0;
	_ =	sdelay $0x1  }
0x101: {  	v4 =	vadd.s32 v1, v4;
	_ =	sdelay $0x3  }
0x102: {  	s19 =	simm.s32 $0x13200;
	v3 =	vperm.xlane v3, v2  }
0x103: {  	[tilespmem:s19], [sflag:$0x2] =	stream.indirect_vreg.gather [hbm4b:s3+s4], $0x80, v4, vm0, $0xb8;
	[tilespmem:$0x1C200] =	vst v63  }
0x104: {  	s20 =	simm.s32 $0x13A00;
	v3 =	vadd.s32 v1, v3  }
0x105: {  	[tilespmem:s20], [sflag:$0x2] =	stream.indirect_vreg.gather [hbm4b:s24+s4], $0x80, v4, vm0, $0xb8;
	[tilespmem:$0x1C200] =	vst v63  }
0x106: {  	s21 =	simm.s32 $0x14200  }
0x107: {  	[tilespmem:s21], [sflag:$0x2] =	stream.indirect_vreg.gather [hbm4b:s25+s4], $0x80, v4, vm0, $0xb8;
	[tilespmem:$0x1C200] =	vst v63  }
0x108: {  	s22 =	simm.s32 $0x14A00  }
0x109: {  	[tilespmem:s22], [sflag:$0x2] =	stream.indirect_vreg.gather [hbm4b:s3+s4], $0x80, v3, vm0, $0xb8;
	[tilespmem:$0x1C200] =	vst v63  }
0x10a: {  	s28 =	simm.s32 $0x15200  }
0x10b: {  	[tilespmem:s28], [sflag:$0x2] =	stream.indirect_vreg.gather [hbm4b:s24+s4], $0x80, v3, vm0, $0xb8;
	[tilespmem:$0x1C200] =	vst v63  }
0x10c: {  	s30 =	simm.s32 $0x15A00  }
0x10d: {  	[tilespmem:s30], [sflag:$0x2] =	stream.indirect_vreg.gather [hbm4b:s25+s4], $0x80, v3, vm0, $0xb8;
	[tilespmem:$0x1C200] =	vst v63  }
0x10e: {  	_ =	swait.ge [sflag:s26], $0x6000  }
0x10f: {  	[sflag:s26] =	ssyncset.done $0x0  }
0x110: {  	s5 =	simm.s32 $0x0;
	[sflag:s26] =	ssyncadd.s32 $0xFFFFA000  }
.LBB2_6:
0x111: {  	s6 =	sshrl.u32 s5, $0x2  }
0x112: {  	s6 =	smul.u32 $0x6000, s6  }
0x113: {  	s7 =	sshll.u32 s5, $0x8  }
0x114: {  	s7 =	sand.u32 $0x300, s7;
	s6 =	sshra.s32 s6, $0x2  }
0x115: {  	s8 =	sshll.u32 s5, $0x7;
	s18 =	sshrl.u32 s5, $0x3;
	s6 =	sor.u32 s7, s6  }
0x116: {  	s9 =	sand.u32 $0x40, s4;
	s10 =	sand.u32 $0x1C00, s4;
	s6 =	sadd.s32 $0x16200, s6  }
0x117: {  	v3 =	vld [tilespmem:s8+$0xA00];
	s11 =	sor.u32 $0x30, s9;
	s7 =	smul.u32 $0x6000, s18;
	s13 =	sadd.s32 s10, s6  }
0x118: {  	v4 =	vld [tilespmem:s8+$0x2A00];
	s12 =	sadd.s32 $0x80, s13;
	s14 =	sadd.s32 s11, s13  }
0x119: {  	s8 =	sand.u32 $0x380, s8;
	s7 =	sshra.s32 s7, $0x2;
	v7 =	vld [tilespmem:s14+$0x0];
	s19 =	sadd.s32 s11, s12  }
0x11a: {  	s20 =	sor.u32 $0x10, s9;
	s7 =	sor.u32 s8, s7;
	s15 =	sadd.s32 s9, s12;
	v8 =	vld [tilespmem:s19+$0x0]  }
0x11b: {  	s21 =	sor.u32 $0x20, s9;
	s7 =	sadd.s32 $0x7200, s7;
	s16 =	sadd.s32 s20, s12;
	v10 =	vld [tilespmem:s15+$0x0]  }
0x11c: {  	s12 =	sadd.s32 s21, s12;
	s22 =	sadd.s32 s10, s7;
	v12 =	vld [tilespmem:s16+$0x0]  }
0x11d: {  	v6 =	vld [tilespmem:s12+$0x0];
	s12 =	sadd.s32 s11, s22  }
0x11e: {  	s28 =	sadd.s32 s9, s13;
	v5 =	vld [tilespmem:s12+$0x0]  }
0x11f: {  	s30 =	sadd.s32 s20, s13;
	s13 =	sadd.s32 s21, s13;
	v9 =	vld [tilespmem:s28+$0x0];
	v13 =	vmul.f32 v7, v3;
	v14 =	vmul.f32 v8, v4  }
0x120: {  	v11 =	vld [tilespmem:s30+$0x0];
	s14 =	simm.s32 $0x40;
	s11 =	simm.s32 $0x0;
	s10 =	sadd.s32 s9, s22  }
0x121: {  	s8 =	sadd.s32 s20, s22;
	s9 =	sadd.s32 s21, s22;
	v8 =	vmul.f32 v10, v4;
	v7 =	vmul.f32 v12, v4;
	v10 =	vld [tilespmem:s13+$0x0];
	s13 =	simm.s32 $0x200;
	v12 =	vadd.f32 v14, v13  }
.LBB2_7:
0x122: {  	s15 =	sand.u32 $0x40, s14;
	s16 =	sand.u32 $0x1C00, s13;
	s11 =	sadd.s32 $0x4, s11;
	v13 =	vld [tilespmem:s10+$0x0];
	v6 =	vmul.f32 v6, v4  }
0x123: {  	s17 =	sadd.s32 s16, s6;
	s18 =	sor.u32 $0x30, s15;
	p0 =	slt.u32 s11, $0x2C;
	v14 =	vld [tilespmem:s8+$0x0];
	v5 =	vadd.f32 v12, v5  }
0x124: {  	s20 =	sor.u32 $0x10, s15;
	s19 =	sadd.s32 $0x80, s17;
	s21 =	sadd.s32 s18, s17;
	v9 =	vmul.f32 v9, v3;
	v12 =	vld [tilespmem:s9+$0x0]  }
0x125: {  	s30 =	sor.u32 $0x20, s15;
	s28 =	sadd.s32 s15, s19;
	v15 =	vld [tilespmem:s21+$0x0];
	s21 =	sadd.s32 s18, s19;
	v11 =	vmul.f32 v11, v3;
	[tilespmem:s12+$0x0] =	vst v5  }
0x126: {  	s22 =	sadd.s32 s15, s17;
	s12 =	sadd.s32 s20, s19;
	s19 =	sadd.s32 s30, s19;
	v16 =	vld [tilespmem:s21+$0x0];
	v5 =	vadd.f32 v8, v9;
	v8 =	vmul.f32 v10, v3  }
0x127: {  	s16 =	sadd.s32 s16, s7;
	s21 =	sadd.s32 s20, s17;
	s17 =	sadd.s32 s30, s17;
	v10 =	vld [tilespmem:s28+$0x0];
	v7 =	vadd.f32 v7, v11  }
0x128: {  	s15 =	sadd.s32 s15, s16;
	v17 =	vld [tilespmem:s12+$0x0];
	v9 =	vadd.f32 v5, v13;
	v8 =	vadd.f32 v6, v8  }
.Ltmp2:
0x129: {  	s20 =	sadd.s32 s20, s16;
	s12 =	sadd.s32 s18, s16;
	v6 =	vld [tilespmem:s19+$0x0];
	v7 =	vadd.f32 v7, v14;
	(pc) =	sbr.rel @p0 .LBB2_7-.Ltmp2, $4  }
0x12a: {  	s16 =	sadd.s32 s30, s16;
	v5 =	vld [tilespmem:s12+$0x0];
	[tilespmem:s10+$0x0] =	vst v9;
	v12 =	vadd.f32 v8, v12;
	s10 =	smov.u32 s15  }
0x12b: {  	v13 =	vmul.f32 v15, v3;
	v9 =	vld [tilespmem:s22+$0x0];
	v14 =	vmul.f32 v16, v4;
	[tilespmem:s8+$0x0] =	vst v7;
	s8 =	smov.u32 s20  }
0x12c: {  	v8 =	vmul.f32 v10, v4;
	v11 =	vld [tilespmem:s21+$0x0];
	[tilespmem:s9+$0x0] =	vst v12;
	s9 =	smov.u32 s16  }
0x12d: {  	s13 =	sadd.s32 $0x200, s13;
	s14 =	sadd.s32 $0x40, s14;
	v7 =	vmul.f32 v17, v4;
	v10 =	vld [tilespmem:s17+$0x0];
	v12 =	vadd.f32 v14, v13  }
0x12e: {  	_ = 	snop  }
0x12f: {  	v13 =	vld [tilespmem:s10+$0x0]  }
0x130: {  	v14 =	vld [tilespmem:s8+$0x0];
	v9 =	vmul.f32 v9, v3  }
0x131: {  	v15 =	vld [tilespmem:s9+$0x0];
	v11 =	vmul.f32 v11, v3  }
0x132: {  	v4 =	vmul.f32 v6, v4;
	s5 =	sadd.s32 $0x1, s5;
	v62 =	vadd.f32 v8, v9;
	v3 =	vmul.f32 v10, v3  }
0x133: {  	v5 =	vadd.f32 v12, v5;
	p0 =	sne.s32 s5, $0x10;
	v7 =	vadd.f32 v7, v11  }
.Ltmp3:
0x134: {  	v6 =	vadd.f32 v62, v13;
	v3 =	vadd.f32 v4, v3;
	(pc) =	sbr.rel @p0 .LBB2_6-.Ltmp3, $4  }
0x135: {  	[tilespmem:s12+$0x0] =	vst v5;
	v63 =	vadd.f32 v7, v14  }
0x136: {  	[tilespmem:s10+$0x0] =	vst v6;
	v3 =	vadd.f32 v3, v15  }
0x137: {  	[tilespmem:s8+$0x0] =	vst v63  }
0x138: {  	[tilespmem:s9+$0x0] =	vst v3  }
0x139: {  	s4 =	simm.s32 $0x0;
	s5 =	rddreg [dreg:$0x10];
	s6 =	simm.s32 $0x7200  }
0x13a: {  	[hbm4b:s5+s4] =	stream.linear.scatter [tilespmem:s6], [sflag:$0x3], $0x3000, $0x38;
	[tilespmem:$0x1C200] =	vst v63  }
0x13b: {  	v3 =	vld [tilespmem:$0x180];
	_ =	sdelay $0x4  }
0x13c: {  	v4 =	vshrl.u32 v3, $0x3  }
0x13d: {  	v4 =	vmul.u32 $0x30, v4  }
0x13e: {  	v3 =	vand.u32 $0x7, v3  }
0x13f: {  	v3 =	vor.u32 v3, v4  }
0x140: {  	v4 =	vperm.xlane v3, v0;
	_ =	sdelay $0x1  }
0x141: {  	v4 =	vadd.s32 v1, v4;
	_ =	sdelay $0x3  }
0x142: {  	s15 =	simm.s32 $0x16200;
	v3 =	vperm.xlane v3, v2  }
0x143: {  	[tilespmem:s15], [sflag:$0x2] =	stream.indirect_vreg.gather [hbm4b:s3+s4], $0x80, v4, vm0, $0xb8;
	[tilespmem:$0x1C200] =	vst v63  }
0x144: {  	s16 =	simm.s32 $0x16A00;
	v3 =	vadd.s32 v1, v3  }
0x145: {  	[tilespmem:s16], [sflag:$0x2] =	stream.indirect_vreg.gather [hbm4b:s24+s4], $0x80, v4, vm0, $0xb8;
	[tilespmem:$0x1C200] =	vst v63  }
0x146: {  	s17 =	simm.s32 $0x17200  }
0x147: {  	[tilespmem:s17], [sflag:$0x2] =	stream.indirect_vreg.gather [hbm4b:s25+s4], $0x80, v4, vm0, $0xb8;
	[tilespmem:$0x1C200] =	vst v63  }
0x148: {  	s18 =	simm.s32 $0x17A00  }
0x149: {  	[tilespmem:s18], [sflag:$0x2] =	stream.indirect_vreg.gather [hbm4b:s3+s4], $0x80, v3, vm0, $0xb8;
	[tilespmem:$0x1C200] =	vst v63  }
0x14a: {  	s19 =	simm.s32 $0x18200  }
0x14b: {  	[tilespmem:s19], [sflag:$0x2] =	stream.indirect_vreg.gather [hbm4b:s24+s4], $0x80, v3, vm0, $0xb8;
	[tilespmem:$0x1C200] =	vst v63  }
0x14c: {  	s20 =	simm.s32 $0x18A00  }
0x14d: {  	[tilespmem:s20], [sflag:$0x2] =	stream.indirect_vreg.gather [hbm4b:s25+s4], $0x80, v3, vm0, $0xb8;
	[tilespmem:$0x1C200] =	vst v63  }
0x14e: {  	v3 =	vld [tilespmem:$0x190];
	_ =	sdelay $0x4  }
0x14f: {  	v63 =	vshrl.u32 v3, $0x3  }
0x150: {  	v4 =	vmul.u32 $0x30, v63  }
0x151: {  	v3 =	vand.u32 $0x7, v3  }
0x152: {  	v3 =	vor.u32 v3, v4  }
0x153: {  	v4 =	vperm.xlane v3, v0;
	_ =	sdelay $0x1  }
0x154: {  	v4 =	vadd.s32 v1, v4;
	_ =	sdelay $0x3  }
0x155: {  	s21 =	simm.s32 $0x19200;
	v3 =	vperm.xlane v3, v2  }
0x156: {  	[tilespmem:s21], [sflag:$0x2] =	stream.indirect_vreg.gather [hbm4b:s3+s4], $0x80, v4, vm0, $0xb8;
	[tilespmem:$0x1C200] =	vst v63  }
0x157: {  	s22 =	simm.s32 $0x19A00;
	v3 =	vadd.s32 v1, v3  }
0x158: {  	[tilespmem:s22], [sflag:$0x2] =	stream.indirect_vreg.gather [hbm4b:s24+s4], $0x80, v4, vm0, $0xb8;
	[tilespmem:$0x1C200] =	vst v63  }
0x159: {  	s28 =	simm.s32 $0x1A200  }
0x15a: {  	[tilespmem:s28], [sflag:$0x2] =	stream.indirect_vreg.gather [hbm4b:s25+s4], $0x80, v4, vm0, $0xb8;
	[tilespmem:$0x1C200] =	vst v63  }
0x15b: {  	s30 =	simm.s32 $0x1AA00  }
0x15c: {  	[tilespmem:s30], [sflag:$0x2] =	stream.indirect_vreg.gather [hbm4b:s3+s4], $0x80, v3, vm0, $0xb8;
	[tilespmem:$0x1C200] =	vst v63  }
0x15d: {  	_ = 	snop  }
0x15e: {  	[tilespmem:s23], [sflag:$0x2] =	stream.indirect_vreg.gather [hbm4b:s24+s4], $0x80, v3, vm0, $0xb8;
	[tilespmem:$0x1C200] =	vst v63  }
0x15f: {  	_ = 	snop  }
0x160: {  	[tilespmem:s2], [sflag:$0x2] =	stream.indirect_vreg.gather [hbm4b:s25+s4], $0x80, v3, vm0, $0xb8;
	[tilespmem:$0x1C200] =	vst v63  }
0x161: {  	_ =	swait.ge [sflag:s26], $0x6000  }
0x162: {  	[sflag:s26] =	ssyncset.done $0x0  }
0x163: {  	s5 =	simm.s32 $0x0;
	[sflag:s26] =	ssyncadd.s32 $0xFFFFA000  }
.LBB2_10:
0x164: {  	s6 =	sshrl.u32 s5, $0x2  }
0x165: {  	s6 =	smul.u32 $0x6000, s6  }
0x166: {  	s7 =	sshll.u32 s5, $0x8  }
0x167: {  	s7 =	sand.u32 $0x300, s7;
	s6 =	sshra.s32 s6, $0x2  }
0x168: {  	s8 =	sshll.u32 s5, $0x7;
	s18 =	sshrl.u32 s5, $0x3;
	s6 =	sor.u32 s7, s6  }
0x169: {  	s9 =	sand.u32 $0x40, s4;
	s10 =	sand.u32 $0x1C00, s4;
	s6 =	sadd.s32 $0x10200, s6  }
0x16a: {  	v3 =	vld [tilespmem:s8+$0x1200];
	s11 =	sor.u32 $0x30, s9;
	s7 =	smul.u32 $0x6000, s18;
	s13 =	sadd.s32 s10, s6  }
0x16b: {  	v4 =	vld [tilespmem:s8+$0x3200];
	s12 =	sadd.s32 $0x80, s13;
	s14 =	sadd.s32 s11, s13  }
0x16c: {  	s8 =	sand.u32 $0x380, s8;
	s7 =	sshra.s32 s7, $0x2;
	v7 =	vld [tilespmem:s14+$0x0];
	s19 =	sadd.s32 s11, s12  }
0x16d: {  	s20 =	sor.u32 $0x10, s9;
	s7 =	sor.u32 s8, s7;
	s15 =	sadd.s32 s9, s12;
	v8 =	vld [tilespmem:s19+$0x0]  }
0x16e: {  	s21 =	sor.u32 $0x20, s9;
	s7 =	sadd.s32 $0xA200, s7;
	s16 =	sadd.s32 s20, s12;
	v10 =	vld [tilespmem:s15+$0x0]  }
0x16f: {  	s12 =	sadd.s32 s21, s12;
	s22 =	sadd.s32 s10, s7;
	v12 =	vld [tilespmem:s16+$0x0]  }
0x170: {  	v6 =	vld [tilespmem:s12+$0x0];
	s12 =	sadd.s32 s11, s22  }
0x171: {  	s28 =	sadd.s32 s9, s13;
	v5 =	vld [tilespmem:s12+$0x0]  }
0x172: {  	s30 =	sadd.s32 s20, s13;
	s13 =	sadd.s32 s21, s13;
	v9 =	vld [tilespmem:s28+$0x0];
	v13 =	vmul.f32 v7, v3;
	v14 =	vmul.f32 v8, v4  }
0x173: {  	v11 =	vld [tilespmem:s30+$0x0];
	s14 =	simm.s32 $0x40;
	s11 =	simm.s32 $0x0;
	s10 =	sadd.s32 s9, s22  }
0x174: {  	s8 =	sadd.s32 s20, s22;
	s9 =	sadd.s32 s21, s22;
	v8 =	vmul.f32 v10, v4;
	v7 =	vmul.f32 v12, v4;
	v10 =	vld [tilespmem:s13+$0x0];
	s13 =	simm.s32 $0x200;
	v12 =	vadd.f32 v14, v13  }
.LBB2_11:
0x175: {  	s15 =	sand.u32 $0x40, s14;
	s16 =	sand.u32 $0x1C00, s13;
	s11 =	sadd.s32 $0x4, s11;
	v13 =	vld [tilespmem:s10+$0x0];
	v6 =	vmul.f32 v6, v4  }
0x176: {  	s17 =	sadd.s32 s16, s6;
	s18 =	sor.u32 $0x30, s15;
	p0 =	slt.u32 s11, $0x2C;
	v14 =	vld [tilespmem:s8+$0x0];
	v5 =	vadd.f32 v12, v5  }
0x177: {  	s20 =	sor.u32 $0x10, s15;
	s19 =	sadd.s32 $0x80, s17;
	s21 =	sadd.s32 s18, s17;
	v9 =	vmul.f32 v9, v3;
	v12 =	vld [tilespmem:s9+$0x0]  }
0x178: {  	s28 =	sor.u32 $0x20, s15;
	s22 =	sadd.s32 s15, s19;
	v15 =	vld [tilespmem:s21+$0x0];
	s21 =	sadd.s32 s18, s19;
	v11 =	vmul.f32 v11, v3;
	[tilespmem:s12+$0x0] =	vst v5  }
0x179: {  	s30 =	sadd.s32 s15, s17;
	s12 =	sadd.s32 s20, s19;
	s19 =	sadd.s32 s28, s19;
	v16 =	vld [tilespmem:s21+$0x0];
	v5 =	vadd.f32 v8, v9;
	v8 =	vmul.f32 v10, v3  }
0x17a: {  	s16 =	sadd.s32 s16, s7;
	s21 =	sadd.s32 s20, s17;
	s17 =	sadd.s32 s28, s17;
	v10 =	vld [tilespmem:s22+$0x0];
	v7 =	vadd.f32 v7, v11  }
0x17b: {  	s15 =	sadd.s32 s15, s16;
	v17 =	vld [tilespmem:s12+$0x0];
	v9 =	vadd.f32 v5, v13;
	v8 =	vadd.f32 v6, v8  }
.Ltmp4:
0x17c: {  	s20 =	sadd.s32 s20, s16;
	s12 =	sadd.s32 s18, s16;
	v6 =	vld [tilespmem:s19+$0x0];
	v7 =	vadd.f32 v7, v14;
	(pc) =	sbr.rel @p0 .LBB2_11-.Ltmp4, $4  }
0x17d: {  	s16 =	sadd.s32 s28, s16;
	v5 =	vld [tilespmem:s12+$0x0];
	[tilespmem:s10+$0x0] =	vst v9;
	v12 =	vadd.f32 v8, v12;
	s10 =	smov.u32 s15  }
0x17e: {  	v13 =	vmul.f32 v15, v3;
	v9 =	vld [tilespmem:s30+$0x0];
	v14 =	vmul.f32 v16, v4;
	[tilespmem:s8+$0x0] =	vst v7;
	s8 =	smov.u32 s20  }
0x17f: {  	v8 =	vmul.f32 v10, v4;
	v11 =	vld [tilespmem:s21+$0x0];
	[tilespmem:s9+$0x0] =	vst v12;
	s9 =	smov.u32 s16  }
0x180: {  	s13 =	sadd.s32 $0x200, s13;
	s14 =	sadd.s32 $0x40, s14;
	v7 =	vmul.f32 v17, v4;
	v10 =	vld [tilespmem:s17+$0x0];
	v12 =	vadd.f32 v14, v13  }
0x181: {  	_ = 	snop  }
0x182: {  	v13 =	vld [tilespmem:s10+$0x0]  }
0x183: {  	v14 =	vld [tilespmem:s8+$0x0];
	v9 =	vmul.f32 v9, v3  }
0x184: {  	v15 =	vld [tilespmem:s9+$0x0];
	v11 =	vmul.f32 v11, v3  }
0x185: {  	v4 =	vmul.f32 v6, v4;
	s5 =	sadd.s32 $0x1, s5;
	v62 =	vadd.f32 v8, v9;
	v3 =	vmul.f32 v10, v3  }
0x186: {  	v5 =	vadd.f32 v12, v5;
	p0 =	sne.s32 s5, $0x10;
	v7 =	vadd.f32 v7, v11  }
.Ltmp5:
0x187: {  	v6 =	vadd.f32 v62, v13;
	v3 =	vadd.f32 v4, v3;
	(pc) =	sbr.rel @p0 .LBB2_10-.Ltmp5, $4  }
0x188: {  	[tilespmem:s12+$0x0] =	vst v5;
	v63 =	vadd.f32 v7, v14  }
0x189: {  	[tilespmem:s10+$0x0] =	vst v6;
	v3 =	vadd.f32 v3, v15  }
0x18a: {  	[tilespmem:s8+$0x0] =	vst v63  }
0x18b: {  	[tilespmem:s9+$0x0] =	vst v3  }
0x18c: {  	s4 =	simm.s32 $0x0;
	s5 =	rddreg [dreg:$0x11];
	s6 =	simm.s32 $0xA200  }
0x18d: {  	[hbm4b:s5+s4] =	stream.linear.scatter [tilespmem:s6], [sflag:$0x3], $0x3000, $0x38;
	[tilespmem:$0x1C200] =	vst v63  }
0x18e: {  	_ =	swait.ge [sflag:s26], $0x6000  }
0x18f: {  	[sflag:s26] =	ssyncset.done $0x0  }
0x190: {  	s5 =	simm.s32 $0x0;
	[sflag:s26] =	ssyncadd.s32 $0xFFFFA000  }
.LBB2_14:
0x191: {  	s6 =	sshrl.u32 s5, $0x2  }
0x192: {  	s6 =	smul.u32 $0x6000, s6  }
0x193: {  	s7 =	sshll.u32 s5, $0x8  }
0x194: {  	s7 =	sand.u32 $0x300, s7;
	s6 =	sshra.s32 s6, $0x2  }
0x195: {  	s8 =	sshll.u32 s5, $0x7;
	s18 =	sshrl.u32 s5, $0x3;
	s6 =	sor.u32 s7, s6  }
0x196: {  	s9 =	sand.u32 $0x40, s4;
	s10 =	sand.u32 $0x1C00, s4;
	s6 =	sadd.s32 $0x16200, s6  }
0x197: {  	v3 =	vld [tilespmem:s8+$0x1A00];
	s11 =	sor.u32 $0x30, s9;
	s7 =	smul.u32 $0x6000, s18;
	s13 =	sadd.s32 s10, s6  }
0x198: {  	v4 =	vld [tilespmem:s8+$0x3A00];
	s12 =	sadd.s32 $0x80, s13;
	s14 =	sadd.s32 s11, s13  }
0x199: {  	s8 =	sand.u32 $0x380, s8;
	s7 =	sshra.s32 s7, $0x2;
	v7 =	vld [tilespmem:s14+$0x0];
	s19 =	sadd.s32 s11, s12  }
0x19a: {  	s20 =	sor.u32 $0x10, s9;
	s7 =	sor.u32 s8, s7;
	s15 =	sadd.s32 s9, s12;
	v8 =	vld [tilespmem:s19+$0x0]  }
0x19b: {  	s21 =	sor.u32 $0x20, s9;
	s7 =	sadd.s32 $0xD200, s7;
	s16 =	sadd.s32 s20, s12;
	v10 =	vld [tilespmem:s15+$0x0]  }
0x19c: {  	s12 =	sadd.s32 s21, s12;
	s22 =	sadd.s32 s10, s7;
	v12 =	vld [tilespmem:s16+$0x0]  }
0x19d: {  	v6 =	vld [tilespmem:s12+$0x0];
	s12 =	sadd.s32 s11, s22  }
0x19e: {  	s28 =	sadd.s32 s9, s13;
	v5 =	vld [tilespmem:s12+$0x0]  }
0x19f: {  	s30 =	sadd.s32 s20, s13;
	s13 =	sadd.s32 s21, s13;
	v9 =	vld [tilespmem:s28+$0x0];
	v13 =	vmul.f32 v7, v3;
	v14 =	vmul.f32 v8, v4  }
0x1a0: {  	v11 =	vld [tilespmem:s30+$0x0];
	s14 =	simm.s32 $0x40;
	s11 =	simm.s32 $0x0;
	s10 =	sadd.s32 s9, s22  }
0x1a1: {  	s8 =	sadd.s32 s20, s22;
	s9 =	sadd.s32 s21, s22;
	v8 =	vmul.f32 v10, v4;
	v7 =	vmul.f32 v12, v4;
	v10 =	vld [tilespmem:s13+$0x0];
	s13 =	simm.s32 $0x200;
	v12 =	vadd.f32 v14, v13  }
.LBB2_15:
0x1a2: {  	s15 =	sand.u32 $0x40, s14;
	s16 =	sand.u32 $0x1C00, s13;
	s11 =	sadd.s32 $0x4, s11;
	v13 =	vld [tilespmem:s10+$0x0];
	v6 =	vmul.f32 v6, v4  }
0x1a3: {  	s17 =	sadd.s32 s16, s6;
	s18 =	sor.u32 $0x30, s15;
	p0 =	slt.u32 s11, $0x2C;
	v14 =	vld [tilespmem:s8+$0x0];
	v5 =	vadd.f32 v12, v5  }
0x1a4: {  	s20 =	sor.u32 $0x10, s15;
	s19 =	sadd.s32 $0x80, s17;
	s21 =	sadd.s32 s18, s17;
	v9 =	vmul.f32 v9, v3;
	v12 =	vld [tilespmem:s9+$0x0]  }
0x1a5: {  	s28 =	sor.u32 $0x20, s15;
	s22 =	sadd.s32 s15, s19;
	v15 =	vld [tilespmem:s21+$0x0];
	s21 =	sadd.s32 s18, s19;
	v11 =	vmul.f32 v11, v3;
	[tilespmem:s12+$0x0] =	vst v5  }
0x1a6: {  	s30 =	sadd.s32 s15, s17;
	s12 =	sadd.s32 s20, s19;
	s19 =	sadd.s32 s28, s19;
	v16 =	vld [tilespmem:s21+$0x0];
	v5 =	vadd.f32 v8, v9;
	v8 =	vmul.f32 v10, v3  }
0x1a7: {  	s16 =	sadd.s32 s16, s7;
	s21 =	sadd.s32 s20, s17;
	s17 =	sadd.s32 s28, s17;
	v10 =	vld [tilespmem:s22+$0x0];
	v7 =	vadd.f32 v7, v11  }
0x1a8: {  	s15 =	sadd.s32 s15, s16;
	v17 =	vld [tilespmem:s12+$0x0];
	v9 =	vadd.f32 v5, v13;
	v8 =	vadd.f32 v6, v8  }
.Ltmp6:
0x1a9: {  	s20 =	sadd.s32 s20, s16;
	s12 =	sadd.s32 s18, s16;
	v6 =	vld [tilespmem:s19+$0x0];
	v7 =	vadd.f32 v7, v14;
	(pc) =	sbr.rel @p0 .LBB2_15-.Ltmp6, $4  }
0x1aa: {  	s16 =	sadd.s32 s28, s16;
	v5 =	vld [tilespmem:s12+$0x0];
	[tilespmem:s10+$0x0] =	vst v9;
	v12 =	vadd.f32 v8, v12;
	s10 =	smov.u32 s15  }
0x1ab: {  	v13 =	vmul.f32 v15, v3;
	v9 =	vld [tilespmem:s30+$0x0];
	v14 =	vmul.f32 v16, v4;
	[tilespmem:s8+$0x0] =	vst v7;
	s8 =	smov.u32 s20  }
0x1ac: {  	v8 =	vmul.f32 v10, v4;
	v11 =	vld [tilespmem:s21+$0x0];
	[tilespmem:s9+$0x0] =	vst v12;
	s9 =	smov.u32 s16  }
0x1ad: {  	s13 =	sadd.s32 $0x200, s13;
	s14 =	sadd.s32 $0x40, s14;
	v7 =	vmul.f32 v17, v4;
	v10 =	vld [tilespmem:s17+$0x0];
	v12 =	vadd.f32 v14, v13  }
0x1ae: {  	_ = 	snop  }
0x1af: {  	v13 =	vld [tilespmem:s10+$0x0]  }
0x1b0: {  	v14 =	vld [tilespmem:s8+$0x0];
	v9 =	vmul.f32 v9, v3  }
0x1b1: {  	v15 =	vld [tilespmem:s9+$0x0];
	v11 =	vmul.f32 v11, v3  }
0x1b2: {  	v4 =	vmul.f32 v6, v4;
	s5 =	sadd.s32 $0x1, s5;
	v62 =	vadd.f32 v8, v9;
	v3 =	vmul.f32 v10, v3  }
0x1b3: {  	v5 =	vadd.f32 v12, v5;
	p0 =	sne.s32 s5, $0x10;
	v7 =	vadd.f32 v7, v11  }
.Ltmp7:
0x1b4: {  	v6 =	vadd.f32 v62, v13;
	v3 =	vadd.f32 v4, v3;
	(pc) =	sbr.rel @p0 .LBB2_14-.Ltmp7, $4  }
0x1b5: {  	[tilespmem:s12+$0x0] =	vst v5;
	v63 =	vadd.f32 v7, v14  }
0x1b6: {  	[tilespmem:s10+$0x0] =	vst v6;
	v3 =	vadd.f32 v3, v15  }
0x1b7: {  	[tilespmem:s8+$0x0] =	vst v63  }
0x1b8: {  	[tilespmem:s9+$0x0] =	vst v3  }
0x1b9: {  	s4 =	rddreg [dreg:$0x12];
	s6 =	simm.s32 $0xD200  }
0x1ba: {  	[hbm4b:s4+s1] =	stream.linear.scatter [tilespmem:s6], [sflag:$0x3], $0x3000, $0x38;
	[tilespmem:$0x1C200] =	vst v63  }
0x1bb: {  	_ =	swait.ge [sflag:s29], $0x3000  }
0x1bc: {  	[sflag:s29] =	ssyncset.done $0x0  }
0x1bd: {  	[sflag:s29] =	ssyncadd.s32 $0xFFFFD000  }
0x1be: {  	_ =	swait.ge [sflag:s29], $0x3000  }
0x1bf: {  	[sflag:s29] =	ssyncset.done $0x0  }
0x1c0: {  	[sflag:s29] =	ssyncadd.s32 $0xFFFFD000  }
0x1c1: {  	_ =	swait.ge [sflag:s29], $0x3000  }
0x1c2: {  	[sflag:s29] =	ssyncset.done $0x0  }
0x1c3: {  	[sflag:s29] =	ssyncadd.s32 $0xFFFFD000  }
0x1c4: {  	_ =	swait.ge [sflag:s29], $0x3000  }
0x1c5: {  	s0 =	sadd.s32 $0x1, s0;
	s30 =	rddreg [dreg:$0x17]  }
0x1c6: {  	p0 =	sne.s32 s0, s30  }
.Ltmp8:
0x1c7: {  	_ = 	snop;
	(pc) =	sbr.rel @p0 .LBB2_1-.Ltmp8, $3  }
0x1c8: {  	_ =	sdelay $0x1  }
0x1c9: {  	[sflag:s29] =	ssyncset.done $0x0  }
0x1ca: {  	s22 =	simm.s32 $0x4200;
	[sflag:s29] =	ssyncadd.s32 $0xFFFFD000  }
0x1cb: {  	_ =	sfence.sel $0x180000  }
0x1cc: {  	[bflag:$0x0] =	sbarrier.arrive $0xFFFF  }
0x1cd: {  	_ =	strace $0x9000004A  }
0x1ce: {  	s0 =	stileid.u32;
	[bflag:$0x2] =	sbarrier.arrive $0xFFFF  }
0x1cf: {  	p0 =	sne.s32 s0, $0x0;
	s0 =	rddreg [dreg:$0x2]  }
0x1d0: {  	s0 =	sadd.s32 @!p0 $0x100000, s0  }
0x1d1: {  	[sflag:s0] =	ssyncadd.tile.s32 @!p0 $0x1;
	_ =	shalt  }
.Lfunc_end2:
_tile_overlayer_lowered:
.L_overlay_start_2:
0x1d2: {  	(tag) =	ssettag $0x2  }
0x1d3: {  	s0 =	rddreg [dreg:$0x0];
	s2 =	stileid.u32  }
0x1d4: {  	s1 =	rddreg [dreg:$0x1];
	p0 =	sne.s32 s2, $0x0  }
0x1d5: {  	s3 =	rddreg [dreg:$0x2];
	[bflag:$0x3] =	sbarrier.arrive $0xFFFF;
	s2 =	simm.s32 @!p0 $0x1C04  }
0x1d6: {  	[timem:s3], [sflag:s2] =	dma.local @!p0 [hbm:s0], s1  }
0x1d7: {  	s0 =	simm.s32 @!p0 $0x4  }
0x1d8: {  	_ =	swait.ge @!p0 [sflag:s0], s1  }
0x1d9: {  	s1 =	ssub.s32 @!p0 $0x0, s1;
	[sflag:s0] =	ssyncset.done @!p0 $0x0  }
0x1da: {  	[sflag:s0] =	ssyncadd.s32 @!p0 s1  }
0x1db: {  	[bflag:$0x3] =	sbarrier.arrive $0xFFFF  }
0x1dc: {  	_ =	shalt  }

// kernel: kernel.7.cloned.1.call-start
scs
__scs_entry_jumppad:
0x0: {  	(pc) =	sbr.rel $0x88, $3  }
0x1: {  	(tag) =	ssettag $0x0;
	lr =	simm.s32 $0x1  }
0x2: {  	[smem:$0x3F98] =	sst lr;
	_ =	strace $0xD0000000  }
0x3: {  	_ = 	snop  }
0x4: {  	_ = 	snop  }
0x5: {  	_ = 	snop  }
0x6: {  	_ = 	snop  }
0x7: {  	_ = 	snop  }
__scs_overlays_trampoline_lowered:
0x8: {  	[smem:$0x3FA7] =	sst s0  }
0x9: {  	[smem:$0x3FA8] =	sst s1  }
0xa: {  	[smem:$0x3FA9] =	sst s2  }
0xb: {  	[smem:$0x3FAA] =	sst s3  }
0xc: {  	[smem:$0x3FAB] =	sst s4  }
0xd: {  	[smem:$0x3FAC] =	sst s5  }
0xe: {  	[smem:$0x3FAD] =	sst s6  }
0xf: {  	[smem:$0x3FAE] =	sst s7  }
0x10: {  	[smem:$0x3FAF] =	sst s8  }
0x11: {  	[smem:$0x3FB0] =	sst s9;
	s0 =	simm.s32 @!p0 $0x0  }
0x12: {  	s1 =	sld [smem:$0x3F96];
	s0 =	simm.s32 @p0 $0x1  }
0x13: {  	[smem:$0x3FB1] =	sst s0;
	s0 =	simm.s32 @!p1 $0x0  }
0x14: {  	s2 =	sld [smem:$0x3F95];
	s0 =	simm.s32 @p1 $0x1  }
0x15: {  	[smem:$0x3FB2] =	sst s0;
	s0 =	simm.s32 @!p2 $0x0  }
0x16: {  	s3 =	sld [smem:$0x3FDB];
	s0 =	simm.s32 @p2 $0x1  }
0x17: {  	s4 =	simm.s32 $0x1BF5;
	[smem:$0x3FB4] =	sst s0  }
0x18: {  	s0 =	sld [smem:$0x3F97];
	_ =	swait.ge [sflag:s4], $0x0  }
0x19: {  	s7 =	sld [smem:$0x3F98]  }
0x1a: {  	s8 =	sadd.s32 $0xFFFFE003, lr  }
0x1b: {  	s9 =	sadd.s32 $0xFFFFFEF7, lr;
	s5 =	simm.s32 $0xFFFFFFFF;
	p2 =	slt.u32 s8, $0xFFFFF086  }
0x1c: {  	p1 =	slt.u32 s9, $0xF7A;
	s5 =	simm.s32 @!p2 $0x0  }
0x1d: {  	s5 =	simm.s32 @p1 $0x1;
	p0 =	seq.s32 s7, s2  }
0x1e: {  	s7 =	smul.u32 @!p0 $0xF7A, s2;
	p2 =	seq.s32 @!p0 s5, $0x0  }
0x1f: {  	s9 =	smul.u32 $0xF7A, s1;
	s8 =	simm.s32 @!p0 $0x1BF5;
	p2 =	por !p2, p0  }
0x20: {  	[sflag:s8] =	ssyncset.s32 @!p0 $0xFFFFF086;
	s6 =	sadd.s32 @!p0 s3, s7;
	s7 =	simm.s32 @!p0 $0x108  }
0x21: {  	s3 =	sadd.s32 s3, s9;
	s6 =	sadd.s32 @!p0 $0x88, s6;
	s7 =	simm.s32 @p2 $0x1082  }
0x22: {  	[simem:s7], [sflag:s8] =	dma.local @!p0 [hbm:s6], $0xF7A  }
0x23: {  	s9 =	sor.u32 $0xD0000000, s2;
	s6 =	simm.s32 $0x108;
	_ =	swait.ge @!p0 [sflag:s8], $0x0  }
0x24: {  	s3 =	sadd.s32 $0x88, s3;
	s6 =	simm.s32 @!p1 $0x1082;
	[sflag:s4] =	ssyncset.s32 $0xFFFFF086  }
0x25: {  	[simem:s6], [sflag:s4] =	dma.local [hbm:s3], $0xF7A  }
0x26: {  	[smem:$0x3F98] =	sst s1;
	(tag) =	ssettag s2;
	_ =	strace s9  }
0x27: {  	s1 =	sld [smem:$0x3FA8]  }
0x28: {  	s2 =	sld [smem:$0x3FA9]  }
0x29: {  	s4 =	sld [smem:$0x3FAB]  }
0x2a: {  	p0 =	seq.s32 s5, $0x0;
	s5 =	sld [smem:$0x3FAC]  }
0x2b: {  	s6 =	sld [smem:$0x3FAD]  }
0x2c: {  	s7 =	sld [smem:$0x3FAE]  }
0x2d: {  	s3 =	simm.s32 $0x108;
	s8 =	sld [smem:$0x3FAF]  }
0x2e: {  	s3 =	simm.s32 @!p0 $0x1082;
	s9 =	sld [smem:$0x3FB0]  }
0x2f: {  	lr =	sadd.s32 s0, s3;
	s0 =	sld [smem:$0x3FA7]  }
0x30: {  	s3 =	sld [smem:$0x3FAA]  }
0x31: {  	[smem:$0x3FB3] =	sst s10  }
0x32: {  	s10 =	sld [smem:$0x3FB1];
	_ =	sdelay $0x3  }
0x33: {  	p0 =	seq.s32 s10, $0x1;
	s10 =	sld [smem:$0x3FB3];
	_ =	sdelay $0x3  }
0x34: {  	[smem:$0x3FB3] =	sst s10  }
0x35: {  	s10 =	sld [smem:$0x3FB2];
	_ =	sdelay $0x3  }
0x36: {  	p1 =	seq.s32 s10, $0x1;
	s10 =	sld [smem:$0x3FB3];
	_ =	sdelay $0x3  }
0x37: {  	[smem:$0x3FB3] =	sst s10  }
0x38: {  	s10 =	sld [smem:$0x3FB4]  }
0x39: {  	_ = 	snop;
	(pc) =	sbr.ind lr, $3  }
0x3a: {  	_ = 	snop  }
0x3b: {  	_ = 	snop  }
0x3c: {  	p2 =	seq.s32 s10, $0x1;
	s10 =	sld [smem:$0x3FB3]  }
0x3d: {  	_ =	shalt  }
0x3e: {  	_ =	shalt  }
0x3f: {  	_ =	shalt  }
0x40: {  	_ =	shalt  }
0x41: {  	_ =	shalt  }
0x42: {  	_ =	shalt  }
0x43: {  	_ =	shalt  }
0x44: {  	_ =	shalt  }
0x45: {  	_ =	shalt  }
0x46: {  	_ =	shalt  }
0x47: {  	_ =	shalt  }
0x48: {  	_ =	shalt  }
0x49: {  	_ =	shalt  }
0x4a: {  	_ =	shalt  }
0x4b: {  	_ =	shalt  }
0x4c: {  	_ =	shalt  }
0x4d: {  	_ =	shalt  }
0x4e: {  	_ =	shalt  }
0x4f: {  	_ =	shalt  }
0x50: {  	_ =	shalt  }
0x51: {  	_ =	shalt  }
0x52: {  	_ =	shalt  }
0x53: {  	_ =	shalt  }
0x54: {  	_ =	shalt  }
0x55: {  	_ =	shalt  }
0x56: {  	_ =	shalt  }
0x57: {  	_ =	shalt  }
0x58: {  	_ =	shalt  }
0x59: {  	_ =	shalt  }
0x5a: {  	_ =	shalt  }
0x5b: {  	_ =	shalt  }
0x5c: {  	_ =	shalt  }
0x5d: {  	_ =	shalt  }
0x5e: {  	_ =	shalt  }
0x5f: {  	_ =	shalt  }
0x60: {  	_ =	shalt  }
0x61: {  	_ =	shalt  }
0x62: {  	_ =	shalt  }
0x63: {  	_ =	shalt  }
0x64: {  	_ =	shalt  }
0x65: {  	_ =	shalt  }
0x66: {  	_ =	shalt  }
0x67: {  	_ =	shalt  }
0x68: {  	_ =	shalt  }
0x69: {  	_ =	shalt  }
0x6a: {  	_ =	shalt  }
0x6b: {  	_ =	shalt  }
0x6c: {  	_ =	shalt  }
0x6d: {  	_ =	shalt  }
0x6e: {  	_ =	shalt  }
0x6f: {  	_ =	shalt  }
0x70: {  	_ =	shalt  }
0x71: {  	_ =	shalt  }
0x72: {  	_ =	shalt  }
0x73: {  	_ =	shalt  }
0x74: {  	_ =	shalt  }
0x75: {  	_ =	shalt  }
0x76: {  	_ =	shalt  }
0x77: {  	_ =	shalt  }
0x78: {  	_ =	shalt  }
0x79: {  	_ =	shalt  }
0x7a: {  	_ =	shalt  }
0x7b: {  	_ =	shalt  }
0x7c: {  	_ =	shalt  }
0x7d: {  	_ =	shalt  }
0x7e: {  	_ =	shalt  }
0x7f: {  	_ =	shalt  }
0x80: {  	_ =	shalt  }
0x81: {  	_ =	shalt  }
0x82: {  	_ =	shalt  }
0x83: {  	_ =	shalt  }
0x84: {  	_ =	shalt  }
0x85: {  	_ =	shalt  }
0x86: {  	_ =	shalt  }
0x87: {  	_ =	shalt  }
.Lfunc_end0:
.L_simem_size_0:
called_computation_lowered:
.L_overlay_start_0:
0x88: {  	s2 =	sld [smem:$0x3FD9]  }
0x89: {  	s3 =	sld [smem:$0x3FFE];
	_ =	sdelay $0x1  }
0x8a: {  	s1 =	srdreg.scid  }
0x8b: {  	s0 =	sand.u32 $0x1, s1  }
0x8c: {  	s17 =	sshll.u32 s0, $0xA;
	s2 =	sadd.s32 s3, s2  }
0x8d: {  	s2 =	sadd.s32 s2, s17  }
0x8e: {  	[smem:$0x3FBF] =	sst s2  }
0x8f: {  	_ = 	snop  }
0x90: {  	s2 =	sld [smem:$0x3FC9]  }
0x91: {  	s18 =	sld [smem:$0x3FD0];
	(tm) =	ssettm $0x1  }
0x92: {  	s4 =	sld [smem:$0x3FFB];
	_ =	sdelay $0x3  }
0x93: {  	_ =	strace s4  }
0x94: {  	s4 =	sld [smem:$0x3FFC];
	_ =	sdelay $0x3  }
0x95: {  	_ =	strace s4  }
0x96: {  	s4 =	sld [smem:$0x3FFD];
	_ =	sdelay $0x3  }
0x97: {  	_ =	strace s4  }
0x98: {  	_ =	strace $0x8FFFFFFF  }
0x99: {  	s19 =	sld [smem:$0x3FDB];
	_ =	sdelay $0x1  }
0x9a: {  	s5 =	simm.s32 $_scs_section_size  }
0x9b: {  	s6 =	simm.s32 $_size__tile_overlayer_lowered;
	s7 =	simm.s32 $_tile_overlayer_lowered  }
0x9c: {  	s22 =	simm.s32 $0x1BFF;
	s21 =	sshll.u32 s7, $0x1;
	s4 =	sadd.s32 s5, s19  }
0x9d: {  	s8 =	simm.s32 $0x0;
	s20 =	sshll.u32 s6, $0x1;
	s6 =	sadd.s32 s21, s4  }
0x9e: {  	[timem:s8], [sflag:s22] =	dma.local [hbm:s6], s20  }
0x9f: {  	_ =	swait.ge [sflag:s22], s20  }
0xa0: {  	s5 =	ssub.s32 $0x0, s20;
	[sflag:s22] =	ssyncset.done $0x0  }
0xa1: {  	[sflag:s22] =	ssyncadd.s32 s5;
	_ =	sdelay $0x1  }
0xa2: {  	s23 =	simm.s32 $0x1B8B  }
0xa3: {  	_ =	swait.ge [sflag:s23], $0x1  }
0xa4: {  	[sflag:s23] =	ssyncset.done $0x0  }
0xa5: {  	s25 =	simm.s32 $0x1B8E;
	s24 =	sld [smem:$0x3FFE];
	[sflag:s23] =	ssyncadd.s32 $0xFFFFFFFF  }
0xa6: {  	s26 =	simm.s32 $execute0_lowered;
	[smem:$0x3FD2] =	sst s25  }
0xa7: {  	s6 =	sshll.u32 s26, $0x1;
	_ =	strace $0x80000046;
	[dreg:$0x1] =	wrdreg $0xFFFFFFFF  }
0xa8: {  	s28 =	simm.s32 $_size_execute0_lowered;
	s4 =	sadd.s32 s4, s6;
	[dreg:$0x0] =	wrdreg $0x0  }
0xa9: {  	s6 =	sshll.u32 s28, $0x1;
	[dreg:$0x2] =	wrdreg s4  }
0xaa: {  	[dreg:$0x3] =	wrdreg s6  }
0xab: {  	[dreg:$0x4] =	wrdreg $0xC0  }
0xac: {  	_ =	task [dreg:s8], $0x5FFFF  }
0xad: {  	[dreg:$0x1] =	wrdreg $0xFFFFFFFF  }
0xae: {  	[dreg:$0x0] =	wrdreg $0x60  }
0xaf: {  	[dreg:$0x2] =	wrdreg s2  }
0xb0: {  	[dreg:$0x3] =	wrdreg s18  }
0xb1: {  	[dreg:$0x4] =	wrdreg s24  }
0xb2: {  	[dreg:$0x5] =	wrdreg $0x9  }
0xb3: {  	_ =	task.clear_ibuf [dreg:s8], $0x6FFFF;
	_ =	strace $0x90000046  }
0xb4: {  	s29 =	simm.s32 $0x9;
	_ =	strace $0x80000048  }
0xb5: {  	_ =	swait.ge [sflag:s29], $0x1  }
0xb6: {  	[sflag:s29] =	ssyncadd.s32 $0xFFFFFFFF  }
0xb7: {  	_ =	strace $0x90000048  }
0xb8: {  	_ =	sfence  }
0xb9: {  	s30 =	sld [smem:$0x0];
	_ =	sdelay $0x2  }
0xba: {  	s31 =	sshll.u32 s1, $0xD;
	s1 =	sshrl.u32 s1, $0x2  }
0xbb: {  	s3 =	sand.u32 $0x4000, s31;
	s1 =	sadd.s32 s1, s30  }
0xbc: {  	s0 =	sor.u32 s3, s0;
	s1 =	sshll.u32 s1, $0x11  }
0xbd: {  	s0 =	sor.u32 s1, s0  }
0xbe: {  	s0 =	sadd.s32 $0x8F2B, s0  }
0xbf: {  	[sflag:s0] =	ssyncadd.remote.s32 $0x1  }
0xc0: {  	_ =	sfence.sel $0xFFFF  }
0xc1: {  	[dreg:$0x0] =	wrdreg $0xFFFFFFFF;
	(pc) =	sbr.abs _section_cstart, $3  }
0xc2: {  	[dreg:$0x1] =	wrdreg $0xFFFFFFFF  }
0xc3: {  	_ =	task.clear_ibuf [dreg:s8], $0x2FFFF;
	_ =	strace $0x9FFFFFFF  }
0xc4: {  	(tm) =	ssettm $0x7FFFFFFF  }
0xc5: {  	_ =	shalt  }
tec
execute0_lowered:
.L_overlay_start_1:
0x0: {  	(tag) =	ssettag $0x1  }
0x1: {  	s1 =	rddreg [dreg:$0x0]  }
0x2: {  	s0 =	rddreg [dreg:$0x1]  }
0x3: {  	s2 =	rddreg [dreg:$0x2]  }
0x4: {  	s4 =	srdreg.scid;
	s3 =	simm.s32 $0x0;
	s6 =	stileid.u32  }
0x5: {  	s24 =	simm.s32 $0x100;
	s25 =	simm.s32 $0x80;
	s26 =	simm.s32 $0x180  }
0x6: {  	s10 =	simm.s32 $0x1;
	s28 =	simm.s32 $0x5200;
	s29 =	simm.s32 $0x5A00  }
0x7: {  	s30 =	simm.s32 $0x6200;
	s31 =	simm.s32 $0x6A00;
	s11 =	simm.s32 $0x8200  }
0x8: {  	s12 =	simm.s32 $0x8A00;
	s13 =	simm.s32 $0x9200;
	s14 =	simm.s32 $0x9A00  }
0x9: {  	s15 =	simm.s32 $0xA200;
	s16 =	simm.s32 $0xAA00;
	s5 =	sand.u32 $0x1, s4  }
0xa: {  	[smem:$0x7FF] =	sst s3;
	s20 =	sshll.u32 s6, $0x5;
	s7 =	sadd.s32 $0x10000, s2  }
0xb: {  	s4 =	sadd.s32 $0x10200, s2;
	_ =	strace $0x80000047;
	[dreg:$0x8] =	wrdreg s24  }
0xc: {  	s21 =	sshll.u32 s5, $0x4;
	s5 =	ssub.s32 $0x2, s5;
	[dreg:$0x9] =	wrdreg s25  }
0xd: {  	[dreg:$0xa] =	wrdreg s26;
	s24 =	simm.s32 $0x3A00;
	s25 =	simm.s32 $0x4200  }
0xe: {  	s26 =	simm.s32 $0x4A00;
	s6 =	sor.u32 s21, s20;
	s9 =	sshrl.u32 s5, $0x1  }
0xf: {  	s21 =	simm.s32 $0x2200;
	s8 =	sadd.s32 s0, s6;
	s22 =	sadd.s32 s7, s6  }
0x10: {  	s6 =	sor.u32 $0x8, s6;
	s9 =	ssub.s32 s5, s9;
	[dreg:$0x4] =	wrdreg s8  }
0x11: {  	s5 =	sadd.s32 $0x100, s1;
	[dreg:$0x5] =	wrdreg s22;
	s0 =	sadd.s32 s0, s6  }
0x12: {  	v2 =	vlaneseq.u32;
	s23 =	sadd.s32 s7, s6;
	s6 =	sadd.s32 $0x200, s1;
	s7 =	sadd.s32 $0x10300, s2  }
0x13: {  	vm0 =	vmmov $0xffff;
	v1 =	vshrl.u32 v2, $0x3;
	s8 =	sadd.s32 $0x10400, s2;
	s9 =	smax.u32 s9, $0x1;
	[dreg:$0x6] =	wrdreg s0  }
0x14: {  	v0 =	vand.u32 $0x7, v2;
	v2 =	vor.u32 $0x8, v2;
	v1 =	vmul.u32 $0x8, v1;
	s22 =	simm.s32 $0x2A00;
	[dreg:$0x7] =	wrdreg s23;
	s23 =	simm.s32 $0x3200  }
.LBB2_1:
0x15: {  	s17 =	rddreg [dreg:$0x4]  }
0x16: {  	s18 =	rddreg [dreg:$0x5]  }
0x17: {  	s19 =	rddreg [dreg:$0x8]  }
0x18: {  	s0 =	rddreg [dreg:$0x9]  }
0x19: {  	[tilespmem:s3], [sflag:$0x1] =	stream.linear.gather [hbm4b:s17+s3], $0x40, $0x38;
	[tilespmem:$0x18200] =	vst v63  }
0x1a: {  	s2 =	rddreg [dreg:$0x7]  }
0x1b: {  	[tilespmem:s19], [sflag:$0x1] =	stream.linear.gather [hbm4b:s18+s3], $0x40, $0x38;
	[tilespmem:$0x18200] =	vst v63  }
0x1c: {  	s19 =	rddreg [dreg:$0x6]  }
0x1d: {  	[tilespmem:s0], [sflag:$0x1] =	stream.linear.gather [hbm4b:s19+s3], $0x40, $0x38;
	[tilespmem:$0x18200] =	vst v63  }
0x1e: {  	s20 =	rddreg [dreg:$0xa]  }
0x1f: {  	[tilespmem:s20], [sflag:$0x1] =	stream.linear.gather [hbm4b:s2+s3], $0x40, $0x38;
	[tilespmem:$0x18200] =	vst v63  }
0x20: {  	_ =	swait.ge [sflag:s10], $0x40  }
0x21: {  	[sflag:s10] =	ssyncset.done $0x0  }
0x22: {  	[sflag:s10] =	ssyncadd.s32 $0xFFFFFFC0  }
0x23: {  	_ =	swait.ge [sflag:s10], $0x40  }
0x24: {  	[sflag:s10] =	ssyncset.done $0x0  }
0x25: {  	[sflag:s10] =	ssyncadd.s32 $0xFFFFFFC0  }
0x26: {  	_ =	swait.ge [sflag:s10], $0x40  }
0x27: {  	[sflag:s10] =	ssyncset.done $0x0  }
0x28: {  	[sflag:s10] =	ssyncadd.s32 $0xFFFFFFC0  }
0x29: {  	_ =	swait.ge [sflag:s10], $0x40  }
0x2a: {  	[sflag:s10] =	ssyncset.done $0x0  }
0x2b: {  	[sflag:s10] =	ssyncadd.s32 $0xFFFFFFC0  }
0x2c: {  	v3 =	vld [tilespmem:$0x0];
	_ =	sdelay $0x4  }
0x2d: {  	v4 =	vshrl.u32 v3, $0x3  }
0x2e: {  	v4 =	vmul.u32 $0x30, v4  }
0x2f: {  	v3 =	vand.u32 $0x7, v3  }
0x30: {  	v3 =	vor.u32 v3, v4  }
0x31: {  	v4 =	vperm.xlane v3, v0;
	_ =	sdelay $0x1  }
0x32: {  	v4 =	vadd.s32 v1, v4;
	_ =	sdelay $0x3  }
0x33: {  	s17 =	simm.s32 $0x200;
	v3 =	vperm.xlane v3, v2  }
0x34: {  	[tilespmem:s17], [sflag:$0x2] =	stream.indirect_vreg.gather [hbm4b:s1+s3], $0x80, v4, vm0, $0xb8;
	[tilespmem:$0x18200] =	vst v63  }
0x35: {  	s18 =	simm.s32 $0xA00;
	v3 =	vadd.s32 v1, v3  }
0x36: {  	[tilespmem:s18], [sflag:$0x2] =	stream.indirect_vreg.gather [hbm4b:s5+s3], $0x80, v4, vm0, $0xb8;
	[tilespmem:$0x18200] =	vst v63  }
0x37: {  	s19 =	simm.s32 $0x1200  }
0x38: {  	[tilespmem:s19], [sflag:$0x2] =	stream.indirect_vreg.gather [hbm4b:s6+s3], $0x80, v4, vm0, $0xb8;
	[tilespmem:$0x18200] =	vst v63  }
0x39: {  	s20 =	simm.s32 $0x1A00  }
0x3a: {  	[tilespmem:s20], [sflag:$0x2] =	stream.indirect_vreg.gather [hbm4b:s1+s3], $0x80, v3, vm0, $0xb8;
	[tilespmem:$0x18200] =	vst v63  }
0x3b: {  	_ = 	snop  }
0x3c: {  	[tilespmem:s21], [sflag:$0x2] =	stream.indirect_vreg.gather [hbm4b:s5+s3], $0x80, v3, vm0, $0xb8;
	[tilespmem:$0x18200] =	vst v63  }
0x3d: {  	_ = 	snop  }
0x3e: {  	[tilespmem:s22], [sflag:$0x2] =	stream.indirect_vreg.gather [hbm4b:s6+s3], $0x80, v3, vm0, $0xb8;
	[tilespmem:$0x18200] =	vst v63  }
0x3f: {  	v3 =	vld [tilespmem:$0x10];
	_ =	sdelay $0x4  }
0x40: {  	v49 =	vshrl.u32 v3, $0x3  }
0x41: {  	v4 =	vmul.u32 $0x30, v49  }
0x42: {  	v3 =	vand.u32 $0x7, v3  }
0x43: {  	v3 =	vor.u32 v3, v4  }
0x44: {  	v4 =	vperm.xlane v3, v0;
	_ =	sdelay $0x1  }
0x45: {  	v4 =	vadd.s32 v1, v4;
	_ =	sdelay $0x3  }
0x46: {  	v3 =	vperm.xlane v3, v2  }
0x47: {  	[tilespmem:s23], [sflag:$0x2] =	stream.indirect_vreg.gather [hbm4b:s1+s3], $0x80, v4, vm0, $0xb8;
	[tilespmem:$0x18200] =	vst v63  }
0x48: {  	v3 =	vadd.s32 v1, v3  }
0x49: {  	[tilespmem:s24], [sflag:$0x2] =	stream.indirect_vreg.gather [hbm4b:s5+s3], $0x80, v4, vm0, $0xb8;
	[tilespmem:$0x18200] =	vst v63  }
0x4a: {  	_ = 	snop  }
0x4b: {  	[tilespmem:s25], [sflag:$0x2] =	stream.indirect_vreg.gather [hbm4b:s6+s3], $0x80, v4, vm0, $0xb8;
	[tilespmem:$0x18200] =	vst v63  }
0x4c: {  	_ = 	snop  }
0x4d: {  	[tilespmem:s26], [sflag:$0x2] =	stream.indirect_vreg.gather [hbm4b:s1+s3], $0x80, v3, vm0, $0xb8;
	[tilespmem:$0x18200] =	vst v63  }
0x4e: {  	_ = 	snop  }
0x4f: {  	[tilespmem:s28], [sflag:$0x2] =	stream.indirect_vreg.gather [hbm4b:s5+s3], $0x80, v3, vm0, $0xb8;
	[tilespmem:$0x18200] =	vst v63  }
0x50: {  	_ = 	snop  }
0x51: {  	[tilespmem:s29], [sflag:$0x2] =	stream.indirect_vreg.gather [hbm4b:s6+s3], $0x80, v3, vm0, $0xb8;
	[tilespmem:$0x18200] =	vst v63  }
0x52: {  	v3 =	vld [tilespmem:$0x20];
	_ =	sdelay $0x4  }
0x53: {  	v50 =	vshrl.u32 v3, $0x3  }
0x54: {  	v4 =	vmul.u32 $0x30, v50  }
0x55: {  	v3 =	vand.u32 $0x7, v3  }
0x56: {  	v3 =	vor.u32 v3, v4  }
0x57: {  	v4 =	vperm.xlane v3, v0;
	_ =	sdelay $0x1  }
0x58: {  	v4 =	vadd.s32 v1, v4;
	_ =	sdelay $0x3  }
0x59: {  	v3 =	vperm.xlane v3, v2  }
0x5a: {  	[tilespmem:s30], [sflag:$0x2] =	stream.indirect_vreg.gather [hbm4b:s1+s3], $0x80, v4, vm0, $0xb8;
	[tilespmem:$0x18200] =	vst v63  }
0x5b: {  	v3 =	vadd.s32 v1, v3  }
0x5c: {  	[tilespmem:s31], [sflag:$0x2] =	stream.indirect_vreg.gather [hbm4b:s5+s3], $0x80, v4, vm0, $0xb8;
	[tilespmem:$0x18200] =	vst v63  }
0x5d: {  	s0 =	simm.s32 $0x7200  }
0x5e: {  	[tilespmem:s0], [sflag:$0x2] =	stream.indirect_vreg.gather [hbm4b:s6+s3], $0x80, v4, vm0, $0xb8;
	[tilespmem:$0x18200] =	vst v63  }
0x5f: {  	s2 =	simm.s32 $0x7A00  }
0x60: {  	[tilespmem:s2], [sflag:$0x2] =	stream.indirect_vreg.gather [hbm4b:s1+s3], $0x80, v3, vm0, $0xb8;
	[tilespmem:$0x18200] =	vst v63  }
0x61: {  	_ = 	snop  }
0x62: {  	[tilespmem:s11], [sflag:$0x2] =	stream.indirect_vreg.gather [hbm4b:s5+s3], $0x80, v3, vm0, $0xb8;
	[tilespmem:$0x18200] =	vst v63  }
0x63: {  	_ = 	snop  }
0x64: {  	[tilespmem:s12], [sflag:$0x2] =	stream.indirect_vreg.gather [hbm4b:s6+s3], $0x80, v3, vm0, $0xb8;
	[tilespmem:$0x18200] =	vst v63  }
0x65: {  	v3 =	vld [tilespmem:$0x30];
	_ =	sdelay $0x4  }
0x66: {  	v51 =	vshrl.u32 v3, $0x3  }
0x67: {  	v4 =	vmul.u32 $0x30, v51  }
0x68: {  	v3 =	vand.u32 $0x7, v3  }
0x69: {  	v3 =	vor.u32 v3, v4  }
0x6a: {  	v4 =	vperm.xlane v3, v0;
	_ =	sdelay $0x1  }
0x6b: {  	v4 =	vadd.s32 v1, v4;
	_ =	sdelay $0x3  }
0x6c: {  	v3 =	vperm.xlane v3, v2  }
0x6d: {  	[tilespmem:s13], [sflag:$0x2] =	stream.indirect_vreg.gather [hbm4b:s1+s3], $0x80, v4, vm0, $0xb8;
	[tilespmem:$0x18200] =	vst v63  }
0x6e: {  	v3 =	vadd.s32 v1, v3  }
0x6f: {  	[tilespmem:s14], [sflag:$0x2] =	stream.indirect_vreg.gather [hbm4b:s5+s3], $0x80, v4, vm0, $0xb8;
	[tilespmem:$0x18200] =	vst v63  }
0x70: {  	_ = 	snop  }
0x71: {  	[tilespmem:s15], [sflag:$0x2] =	stream.indirect_vreg.gather [hbm4b:s6+s3], $0x80, v4, vm0, $0xb8;
	[tilespmem:$0x18200] =	vst v63  }
0x72: {  	_ = 	snop  }
0x73: {  	[tilespmem:s16], [sflag:$0x2] =	stream.indirect_vreg.gather [hbm4b:s1+s3], $0x80, v3, vm0, $0xb8;
	[tilespmem:$0x18200] =	vst v63  }
0x74: {  	s0 =	simm.s32 $0xB200  }
0x75: {  	[tilespmem:s0], [sflag:$0x2] =	stream.indirect_vreg.gather [hbm4b:s5+s3], $0x80, v3, vm0, $0xb8;
	[tilespmem:$0x18200] =	vst v63  }
0x76: {  	s0 =	simm.s32 $0xBA00  }
0x77: {  	[tilespmem:s0], [sflag:$0x2] =	stream.indirect_vreg.gather [hbm4b:s6+s3], $0x80, v3, vm0, $0xb8;
	[tilespmem:$0x18200] =	vst v63  }
0x78: {  	v3 =	vld [tilespmem:$0x80];
	_ =	sdelay $0x4  }
0x79: {  	v52 =	vshrl.u32 v3, $0x3  }
0x7a: {  	v4 =	vmul.u32 $0x30, v52  }
0x7b: {  	v3 =	vand.u32 $0x7, v3  }
0x7c: {  	v3 =	vor.u32 v3, v4  }
0x7d: {  	v4 =	vperm.xlane v3, v0;
	_ =	sdelay $0x1  }
0x7e: {  	v4 =	vadd.s32 v1, v4;
	_ =	sdelay $0x3  }
0x7f: {  	s0 =	simm.s32 $0xC200;
	v3 =	vperm.xlane v3, v2  }
0x80: {  	[tilespmem:s0], [sflag:$0x2] =	stream.indirect_vreg.gather [hbm4b:s1+s3], $0x80, v4, vm0, $0xb8;
	[tilespmem:$0x18200] =	vst v63  }
0x81: {  	v3 =	vadd.s32 v1, v3;
	s0 =	simm.s32 $0xCA00  }
0x82: {  	[tilespmem:s0], [sflag:$0x2] =	stream.indirect_vreg.gather [hbm4b:s5+s3], $0x80, v4, vm0, $0xb8;
	[tilespmem:$0x18200] =	vst v63  }
0x83: {  	s0 =	simm.s32 $0xD200  }
0x84: {  	[tilespmem:s0], [sflag:$0x2] =	stream.indirect_vreg.gather [hbm4b:s6+s3], $0x80, v4, vm0, $0xb8;
	[tilespmem:$0x18200] =	vst v63  }
0x85: {  	s0 =	simm.s32 $0xDA00  }
0x86: {  	[tilespmem:s0], [sflag:$0x2] =	stream.indirect_vreg.gather [hbm4b:s1+s3], $0x80, v3, vm0, $0xb8;
	[tilespmem:$0x18200] =	vst v63  }
0x87: {  	s0 =	simm.s32 $0xE200  }
0x88: {  	[tilespmem:s0], [sflag:$0x2] =	stream.indirect_vreg.gather [hbm4b:s5+s3], $0x80, v3, vm0, $0xb8;
	[tilespmem:$0x18200] =	vst v63  }
0x89: {  	s0 =	simm.s32 $0xEA00  }
0x8a: {  	[tilespmem:s0], [sflag:$0x2] =	stream.indirect_vreg.gather [hbm4b:s6+s3], $0x80, v3, vm0, $0xb8;
	[tilespmem:$0x18200] =	vst v63  }
0x8b: {  	v3 =	vld [tilespmem:$0x90];
	_ =	sdelay $0x4  }
0x8c: {  	v53 =	vshrl.u32 v3, $0x3  }
0x8d: {  	v4 =	vmul.u32 $0x30, v53  }
0x8e: {  	v3 =	vand.u32 $0x7, v3  }
0x8f: {  	v3 =	vor.u32 v3, v4  }
0x90: {  	v4 =	vperm.xlane v3, v0;
	_ =	sdelay $0x1  }
0x91: {  	v4 =	vadd.s32 v1, v4;
	_ =	sdelay $0x3  }
0x92: {  	s0 =	simm.s32 $0xF200;
	v3 =	vperm.xlane v3, v2  }
0x93: {  	[tilespmem:s0], [sflag:$0x2] =	stream.indirect_vreg.gather [hbm4b:s1+s3], $0x80, v4, vm0, $0xb8;
	[tilespmem:$0x18200] =	vst v63  }
0x94: {  	v3 =	vadd.s32 v1, v3;
	s0 =	simm.s32 $0xFA00  }
0x95: {  	[tilespmem:s0], [sflag:$0x2] =	stream.indirect_vreg.gather [hbm4b:s5+s3], $0x80, v4, vm0, $0xb8;
	[tilespmem:$0x18200] =	vst v63  }
0x96: {  	s0 =	simm.s32 $0x10200  }
0x97: {  	[tilespmem:s0], [sflag:$0x2] =	stream.indirect_vreg.gather [hbm4b:s6+s3], $0x80, v4, vm0, $0xb8;
	[tilespmem:$0x18200] =	vst v63  }
0x98: {  	s0 =	simm.s32 $0x10A00  }
0x99: {  	[tilespmem:s0], [sflag:$0x2] =	stream.indirect_vreg.gather [hbm4b:s1+s3], $0x80, v3, vm0, $0xb8;
	[tilespmem:$0x18200] =	vst v63  }
0x9a: {  	s0 =	simm.s32 $0x11200  }
0x9b: {  	[tilespmem:s0], [sflag:$0x2] =	stream.indirect_vreg.gather [hbm4b:s5+s3], $0x80, v3, vm0, $0xb8;
	[tilespmem:$0x18200] =	vst v63  }
0x9c: {  	s0 =	simm.s32 $0x11A00  }
0x9d: {  	[tilespmem:s0], [sflag:$0x2] =	stream.indirect_vreg.gather [hbm4b:s6+s3], $0x80, v3, vm0, $0xb8;
	[tilespmem:$0x18200] =	vst v63  }
0x9e: {  	v3 =	vld [tilespmem:$0xA0];
	_ =	sdelay $0x4  }
0x9f: {  	v54 =	vshrl.u32 v3, $0x3  }
0xa0: {  	v4 =	vmul.u32 $0x30, v54  }
0xa1: {  	v3 =	vand.u32 $0x7, v3  }
0xa2: {  	v3 =	vor.u32 v3, v4  }
0xa3: {  	v4 =	vperm.xlane v3, v0;
	_ =	sdelay $0x1  }
0xa4: {  	v4 =	vadd.s32 v1, v4;
	_ =	sdelay $0x3  }
0xa5: {  	s0 =	simm.s32 $0x12200;
	v3 =	vperm.xlane v3, v2  }
0xa6: {  	[tilespmem:s0], [sflag:$0x2] =	stream.indirect_vreg.gather [hbm4b:s1+s3], $0x80, v4, vm0, $0xb8;
	[tilespmem:$0x18200] =	vst v63  }
0xa7: {  	v3 =	vadd.s32 v1, v3;
	s0 =	simm.s32 $0x12A00  }
0xa8: {  	[tilespmem:s0], [sflag:$0x2] =	stream.indirect_vreg.gather [hbm4b:s5+s3], $0x80, v4, vm0, $0xb8;
	[tilespmem:$0x18200] =	vst v63  }
0xa9: {  	s0 =	simm.s32 $0x13200  }
0xaa: {  	[tilespmem:s0], [sflag:$0x2] =	stream.indirect_vreg.gather [hbm4b:s6+s3], $0x80, v4, vm0, $0xb8;
	[tilespmem:$0x18200] =	vst v63  }
0xab: {  	s0 =	simm.s32 $0x13A00  }
0xac: {  	[tilespmem:s0], [sflag:$0x2] =	stream.indirect_vreg.gather [hbm4b:s1+s3], $0x80, v3, vm0, $0xb8;
	[tilespmem:$0x18200] =	vst v63  }
0xad: {  	s0 =	simm.s32 $0x14200  }
0xae: {  	[tilespmem:s0], [sflag:$0x2] =	stream.indirect_vreg.gather [hbm4b:s5+s3], $0x80, v3, vm0, $0xb8;
	[tilespmem:$0x18200] =	vst v63  }
0xaf: {  	s0 =	simm.s32 $0x14A00  }
0xb0: {  	[tilespmem:s0], [sflag:$0x2] =	stream.indirect_vreg.gather [hbm4b:s6+s3], $0x80, v3, vm0, $0xb8;
	[tilespmem:$0x18200] =	vst v63  }
0xb1: {  	v3 =	vld [tilespmem:$0xB0];
	_ =	sdelay $0x4  }
0xb2: {  	v55 =	vshrl.u32 v3, $0x3  }
0xb3: {  	v4 =	vmul.u32 $0x30, v55  }
0xb4: {  	v3 =	vand.u32 $0x7, v3  }
0xb5: {  	v3 =	vor.u32 v3, v4  }
0xb6: {  	v4 =	vperm.xlane v3, v0;
	_ =	sdelay $0x1  }
0xb7: {  	v4 =	vadd.s32 v1, v4;
	_ =	sdelay $0x3  }
0xb8: {  	s0 =	simm.s32 $0x15200;
	v3 =	vperm.xlane v3, v2  }
0xb9: {  	[tilespmem:s0], [sflag:$0x2] =	stream.indirect_vreg.gather [hbm4b:s1+s3], $0x80, v4, vm0, $0xb8;
	[tilespmem:$0x18200] =	vst v63  }
0xba: {  	v3 =	vadd.s32 v1, v3;
	s0 =	simm.s32 $0x15A00  }
0xbb: {  	[tilespmem:s0], [sflag:$0x2] =	stream.indirect_vreg.gather [hbm4b:s5+s3], $0x80, v4, vm0, $0xb8;
	[tilespmem:$0x18200] =	vst v63  }
0xbc: {  	s0 =	simm.s32 $0x16200  }
0xbd: {  	[tilespmem:s0], [sflag:$0x2] =	stream.indirect_vreg.gather [hbm4b:s6+s3], $0x80, v4, vm0, $0xb8;
	[tilespmem:$0x18200] =	vst v63  }
0xbe: {  	s0 =	simm.s32 $0x16A00  }
0xbf: {  	[tilespmem:s0], [sflag:$0x2] =	stream.indirect_vreg.gather [hbm4b:s1+s3], $0x80, v3, vm0, $0xb8;
	[tilespmem:$0x18200] =	vst v63  }
0xc0: {  	s0 =	simm.s32 $0x17200  }
0xc1: {  	[tilespmem:s0], [sflag:$0x2] =	stream.indirect_vreg.gather [hbm4b:s5+s3], $0x80, v3, vm0, $0xb8;
	[tilespmem:$0x18200] =	vst v63  }
0xc2: {  	s0 =	simm.s32 $0x17A00  }
0xc3: {  	[tilespmem:s0], [sflag:$0x2] =	stream.indirect_vreg.gather [hbm4b:s6+s3], $0x80, v3, vm0, $0xb8;
	[tilespmem:$0x18200] =	vst v63  }
0xc4: {  	s0 =	simm.s32 $0x2  }
0xc5: {  	_ =	swait.ge [sflag:s0], $0xC000  }
0xc6: {  	[sflag:s0] =	ssyncset.done $0x0  }
0xc7: {  	[sflag:s0] =	ssyncadd.s32 $0xFFFF4000  }
0xc8: {  	v3 =	vld [tilespmem:$0x100];
	_ =	sdelay $0x4  }
0xc9: {  	v56 =	vshrl.u32 v3, $0x3  }
0xca: {  	v4 =	vmul.u32 $0x30, v56  }
0xcb: {  	v3 =	vand.u32 $0x7, v3  }
0xcc: {  	v3 =	vor.u32 v3, v4  }
0xcd: {  	v4 =	vperm.xlane v3, v0;
	_ =	sdelay $0x1  }
0xce: {  	v4 =	vadd.s32 v1, v4;
	_ =	sdelay $0x3  }
0xcf: {  	v3 =	vperm.xlane v3, v2  }
0xd0: {  	[hbm4b:s4+s3] =	stream.indirect_vreg.scatter [tilespmem:s17], [sflag:$0x3], $0x80, v4, vm0, $0xb8;
	[tilespmem:$0x18200] =	vst v63  }
0xd1: {  	v3 =	vadd.s32 v1, v3  }
0xd2: {  	[hbm4b:s7+s3] =	stream.indirect_vreg.scatter [tilespmem:s18], [sflag:$0x3], $0x80, v4, vm0, $0xb8;
	[tilespmem:$0x18200] =	vst v63  }
0xd3: {  	_ = 	snop  }
0xd4: {  	[hbm4b:s8+s3] =	stream.indirect_vreg.scatter [tilespmem:s19], [sflag:$0x3], $0x80, v4, vm0, $0xb8;
	[tilespmem:$0x18200] =	vst v63  }
0xd5: {  	_ = 	snop  }
0xd6: {  	[hbm4b:s4+s3] =	stream.indirect_vreg.scatter [tilespmem:s20], [sflag:$0x3], $0x80, v3, vm0, $0xb8;
	[tilespmem:$0x18200] =	vst v63  }
0xd7: {  	_ = 	snop  }
0xd8: {  	[hbm4b:s7+s3] =	stream.indirect_vreg.scatter [tilespmem:s21], [sflag:$0x3], $0x80, v3, vm0, $0xb8;
	[tilespmem:$0x18200] =	vst v63  }
0xd9: {  	_ = 	snop  }
0xda: {  	[hbm4b:s8+s3] =	stream.indirect_vreg.scatter [tilespmem:s22], [sflag:$0x3], $0x80, v3, vm0, $0xb8;
	[tilespmem:$0x18200] =	vst v63  }
0xdb: {  	v3 =	vld [tilespmem:$0x110];
	_ =	sdelay $0x4  }
0xdc: {  	v57 =	vshrl.u32 v3, $0x3  }
0xdd: {  	v4 =	vmul.u32 $0x30, v57  }
0xde: {  	v3 =	vand.u32 $0x7, v3  }
0xdf: {  	v3 =	vor.u32 v3, v4  }
0xe0: {  	v4 =	vperm.xlane v3, v0;
	_ =	sdelay $0x1  }
0xe1: {  	v4 =	vadd.s32 v1, v4;
	_ =	sdelay $0x3  }
0xe2: {  	v3 =	vperm.xlane v3, v2  }
0xe3: {  	[hbm4b:s4+s3] =	stream.indirect_vreg.scatter [tilespmem:s23], [sflag:$0x3], $0x80, v4, vm0, $0xb8;
	[tilespmem:$0x18200] =	vst v63  }
0xe4: {  	v3 =	vadd.s32 v1, v3  }
0xe5: {  	[hbm4b:s7+s3] =	stream.indirect_vreg.scatter [tilespmem:s24], [sflag:$0x3], $0x80, v4, vm0, $0xb8;
	[tilespmem:$0x18200] =	vst v63  }
0xe6: {  	_ = 	snop  }
0xe7: {  	[hbm4b:s8+s3] =	stream.indirect_vreg.scatter [tilespmem:s25], [sflag:$0x3], $0x80, v4, vm0, $0xb8;
	[tilespmem:$0x18200] =	vst v63  }
0xe8: {  	_ = 	snop  }
0xe9: {  	[hbm4b:s4+s3] =	stream.indirect_vreg.scatter [tilespmem:s26], [sflag:$0x3], $0x80, v3, vm0, $0xb8;
	[tilespmem:$0x18200] =	vst v63  }
0xea: {  	_ = 	snop  }
0xeb: {  	[hbm4b:s7+s3] =	stream.indirect_vreg.scatter [tilespmem:s28], [sflag:$0x3], $0x80, v3, vm0, $0xb8;
	[tilespmem:$0x18200] =	vst v63  }
0xec: {  	_ = 	snop  }
0xed: {  	[hbm4b:s8+s3] =	stream.indirect_vreg.scatter [tilespmem:s29], [sflag:$0x3], $0x80, v3, vm0, $0xb8;
	[tilespmem:$0x18200] =	vst v63  }
0xee: {  	v3 =	vld [tilespmem:$0x120];
	_ =	sdelay $0x4  }
0xef: {  	v58 =	vshrl.u32 v3, $0x3  }
0xf0: {  	v4 =	vmul.u32 $0x30, v58  }
0xf1: {  	v3 =	vand.u32 $0x7, v3  }
0xf2: {  	v3 =	vor.u32 v3, v4  }
0xf3: {  	v4 =	vperm.xlane v3, v0;
	_ =	sdelay $0x1  }
0xf4: {  	v4 =	vadd.s32 v1, v4;
	_ =	sdelay $0x3  }
0xf5: {  	v3 =	vperm.xlane v3, v2  }
0xf6: {  	[hbm4b:s4+s3] =	stream.indirect_vreg.scatter [tilespmem:s30], [sflag:$0x3], $0x80, v4, vm0, $0xb8;
	[tilespmem:$0x18200] =	vst v63  }
0xf7: {  	v3 =	vadd.s32 v1, v3  }
0xf8: {  	[hbm4b:s7+s3] =	stream.indirect_vreg.scatter [tilespmem:s31], [sflag:$0x3], $0x80, v4, vm0, $0xb8;
	[tilespmem:$0x18200] =	vst v63  }
0xf9: {  	s18 =	simm.s32 $0x7200  }
0xfa: {  	[hbm4b:s8+s3] =	stream.indirect_vreg.scatter [tilespmem:s18], [sflag:$0x3], $0x80, v4, vm0, $0xb8;
	[tilespmem:$0x18200] =	vst v63  }
0xfb: {  	_ = 	snop  }
0xfc: {  	[hbm4b:s4+s3] =	stream.indirect_vreg.scatter [tilespmem:s2], [sflag:$0x3], $0x80, v3, vm0, $0xb8;
	[tilespmem:$0x18200] =	vst v63  }
0xfd: {  	_ = 	snop  }
0xfe: {  	[hbm4b:s7+s3] =	stream.indirect_vreg.scatter [tilespmem:s11], [sflag:$0x3], $0x80, v3, vm0, $0xb8;
	[tilespmem:$0x18200] =	vst v63  }
0xff: {  	_ = 	snop  }
0x100: {  	[hbm4b:s8+s3] =	stream.indirect_vreg.scatter [tilespmem:s12], [sflag:$0x3], $0x80, v3, vm0, $0xb8;
	[tilespmem:$0x18200] =	vst v63  }
0x101: {  	v3 =	vld [tilespmem:$0x130];
	_ =	sdelay $0x4  }
0x102: {  	v59 =	vshrl.u32 v3, $0x3  }
0x103: {  	v4 =	vmul.u32 $0x30, v59  }
0x104: {  	v3 =	vand.u32 $0x7, v3  }
0x105: {  	v3 =	vor.u32 v3, v4  }
0x106: {  	v4 =	vperm.xlane v3, v0;
	_ =	sdelay $0x1  }
0x107: {  	v4 =	vadd.s32 v1, v4;
	_ =	sdelay $0x3  }
0x108: {  	v3 =	vperm.xlane v3, v2  }
0x109: {  	[hbm4b:s4+s3] =	stream.indirect_vreg.scatter [tilespmem:s13], [sflag:$0x3], $0x80, v4, vm0, $0xb8;
	[tilespmem:$0x18200] =	vst v63  }
0x10a: {  	v3 =	vadd.s32 v1, v3  }
0x10b: {  	[hbm4b:s7+s3] =	stream.indirect_vreg.scatter [tilespmem:s14], [sflag:$0x3], $0x80, v4, vm0, $0xb8;
	[tilespmem:$0x18200] =	vst v63  }
0x10c: {  	_ = 	snop  }
0x10d: {  	[hbm4b:s8+s3] =	stream.indirect_vreg.scatter [tilespmem:s15], [sflag:$0x3], $0x80, v4, vm0, $0xb8;
	[tilespmem:$0x18200] =	vst v63  }
0x10e: {  	_ = 	snop  }
0x10f: {  	[hbm4b:s4+s3] =	stream.indirect_vreg.scatter [tilespmem:s16], [sflag:$0x3], $0x80, v3, vm0, $0xb8;
	[tilespmem:$0x18200] =	vst v63  }
0x110: {  	s19 =	simm.s32 $0xB200  }
0x111: {  	[hbm4b:s7+s3] =	stream.indirect_vreg.scatter [tilespmem:s19], [sflag:$0x3], $0x80, v3, vm0, $0xb8;
	[tilespmem:$0x18200] =	vst v63  }
0x112: {  	s20 =	simm.s32 $0xBA00  }
0x113: {  	[hbm4b:s8+s3] =	stream.indirect_vreg.scatter [tilespmem:s20], [sflag:$0x3], $0x80, v3, vm0, $0xb8;
	[tilespmem:$0x18200] =	vst v63  }
0x114: {  	_ =	swait.ge [sflag:s0], $0xC000  }
0x115: {  	[sflag:s0] =	ssyncset.done $0x0  }
0x116: {  	[sflag:s0] =	ssyncadd.s32 $0xFFFF4000  }
0x117: {  	v3 =	vld [tilespmem:$0x180];
	_ =	sdelay $0x4  }
0x118: {  	v60 =	vshrl.u32 v3, $0x3  }
0x119: {  	v4 =	vmul.u32 $0x30, v60  }
0x11a: {  	v3 =	vand.u32 $0x7, v3  }
0x11b: {  	v3 =	vor.u32 v3, v4  }
0x11c: {  	v4 =	vperm.xlane v3, v0;
	_ =	sdelay $0x1  }
0x11d: {  	v4 =	vadd.s32 v1, v4;
	_ =	sdelay $0x3  }
0x11e: {  	s2 =	simm.s32 $0xC200;
	v3 =	vperm.xlane v3, v2  }
0x11f: {  	[hbm4b:s4+s3] =	stream.indirect_vreg.scatter [tilespmem:s2], [sflag:$0x3], $0x80, v4, vm0, $0xb8;
	[tilespmem:$0x18200] =	vst v63  }
0x120: {  	s17 =	simm.s32 $0xCA00;
	v3 =	vadd.s32 v1, v3  }
0x121: {  	[hbm4b:s7+s3] =	stream.indirect_vreg.scatter [tilespmem:s17], [sflag:$0x3], $0x80, v4, vm0, $0xb8;
	[tilespmem:$0x18200] =	vst v63  }
0x122: {  	s18 =	simm.s32 $0xD200  }
0x123: {  	[hbm4b:s8+s3] =	stream.indirect_vreg.scatter [tilespmem:s18], [sflag:$0x3], $0x80, v4, vm0, $0xb8;
	[tilespmem:$0x18200] =	vst v63  }
0x124: {  	s19 =	simm.s32 $0xDA00  }
0x125: {  	[hbm4b:s4+s3] =	stream.indirect_vreg.scatter [tilespmem:s19], [sflag:$0x3], $0x80, v3, vm0, $0xb8;
	[tilespmem:$0x18200] =	vst v63  }
0x126: {  	s20 =	simm.s32 $0xE200  }
0x127: {  	[hbm4b:s7+s3] =	stream.indirect_vreg.scatter [tilespmem:s20], [sflag:$0x3], $0x80, v3, vm0, $0xb8;
	[tilespmem:$0x18200] =	vst v63  }
0x128: {  	s2 =	simm.s32 $0xEA00  }
0x129: {  	[hbm4b:s8+s3] =	stream.indirect_vreg.scatter [tilespmem:s2], [sflag:$0x3], $0x80, v3, vm0, $0xb8;
	[tilespmem:$0x18200] =	vst v63  }
0x12a: {  	v3 =	vld [tilespmem:$0x190];
	_ =	sdelay $0x4  }
0x12b: {  	v61 =	vshrl.u32 v3, $0x3  }
0x12c: {  	v4 =	vmul.u32 $0x30, v61  }
0x12d: {  	v3 =	vand.u32 $0x7, v3  }
0x12e: {  	v3 =	vor.u32 v3, v4  }
0x12f: {  	v4 =	vperm.xlane v3, v0;
	_ =	sdelay $0x1  }
0x130: {  	v4 =	vadd.s32 v1, v4;
	_ =	sdelay $0x3  }
0x131: {  	s17 =	simm.s32 $0xF200;
	v3 =	vperm.xlane v3, v2  }
0x132: {  	[hbm4b:s4+s3] =	stream.indirect_vreg.scatter [tilespmem:s17], [sflag:$0x3], $0x80, v4, vm0, $0xb8;
	[tilespmem:$0x18200] =	vst v63  }
0x133: {  	s18 =	simm.s32 $0xFA00;
	v3 =	vadd.s32 v1, v3  }
0x134: {  	[hbm4b:s7+s3] =	stream.indirect_vreg.scatter [tilespmem:s18], [sflag:$0x3], $0x80, v4, vm0, $0xb8;
	[tilespmem:$0x18200] =	vst v63  }
0x135: {  	s19 =	simm.s32 $0x10200  }
0x136: {  	[hbm4b:s8+s3] =	stream.indirect_vreg.scatter [tilespmem:s19], [sflag:$0x3], $0x80, v4, vm0, $0xb8;
	[tilespmem:$0x18200] =	vst v63  }
0x137: {  	s20 =	simm.s32 $0x10A00  }
0x138: {  	[hbm4b:s4+s3] =	stream.indirect_vreg.scatter [tilespmem:s20], [sflag:$0x3], $0x80, v3, vm0, $0xb8;
	[tilespmem:$0x18200] =	vst v63  }
0x139: {  	s2 =	simm.s32 $0x11200  }
0x13a: {  	[hbm4b:s7+s3] =	stream.indirect_vreg.scatter [tilespmem:s2], [sflag:$0x3], $0x80, v3, vm0, $0xb8;
	[tilespmem:$0x18200] =	vst v63  }
0x13b: {  	s17 =	simm.s32 $0x11A00  }
0x13c: {  	[hbm4b:s8+s3] =	stream.indirect_vreg.scatter [tilespmem:s17], [sflag:$0x3], $0x80, v3, vm0, $0xb8;
	[tilespmem:$0x18200] =	vst v63  }
0x13d: {  	v3 =	vld [tilespmem:$0x1A0];
	_ =	sdelay $0x4  }
0x13e: {  	v62 =	vshrl.u32 v3, $0x3  }
0x13f: {  	v4 =	vmul.u32 $0x30, v62  }
0x140: {  	v3 =	vand.u32 $0x7, v3  }
0x141: {  	v3 =	vor.u32 v3, v4  }
0x142: {  	v4 =	vperm.xlane v3, v0;
	_ =	sdelay $0x1  }
0x143: {  	v4 =	vadd.s32 v1, v4;
	_ =	sdelay $0x3  }
0x144: {  	s18 =	simm.s32 $0x12200;
	v3 =	vperm.xlane v3, v2  }
0x145: {  	[hbm4b:s4+s3] =	stream.indirect_vreg.scatter [tilespmem:s18], [sflag:$0x3], $0x80, v4, vm0, $0xb8;
	[tilespmem:$0x18200] =	vst v63  }
0x146: {  	s19 =	simm.s32 $0x12A00;
	v3 =	vadd.s32 v1, v3  }
0x147: {  	[hbm4b:s7+s3] =	stream.indirect_vreg.scatter [tilespmem:s19], [sflag:$0x3], $0x80, v4, vm0, $0xb8;
	[tilespmem:$0x18200] =	vst v63  }
0x148: {  	s20 =	simm.s32 $0x13200  }
0x149: {  	[hbm4b:s8+s3] =	stream.indirect_vreg.scatter [tilespmem:s20], [sflag:$0x3], $0x80, v4, vm0, $0xb8;
	[tilespmem:$0x18200] =	vst v63  }
0x14a: {  	s2 =	simm.s32 $0x13A00  }
0x14b: {  	[hbm4b:s4+s3] =	stream.indirect_vreg.scatter [tilespmem:s2], [sflag:$0x3], $0x80, v3, vm0, $0xb8;
	[tilespmem:$0x18200] =	vst v63  }
0x14c: {  	s17 =	simm.s32 $0x14200  }
0x14d: {  	[hbm4b:s7+s3] =	stream.indirect_vreg.scatter [tilespmem:s17], [sflag:$0x3], $0x80, v3, vm0, $0xb8;
	[tilespmem:$0x18200] =	vst v63  }
0x14e: {  	s18 =	simm.s32 $0x14A00  }
0x14f: {  	[hbm4b:s8+s3] =	stream.indirect_vreg.scatter [tilespmem:s18], [sflag:$0x3], $0x80, v3, vm0, $0xb8;
	[tilespmem:$0x18200] =	vst v63  }
0x150: {  	v3 =	vld [tilespmem:$0x1B0];
	_ =	sdelay $0x4  }
0x151: {  	v63 =	vshrl.u32 v3, $0x3  }
0x152: {  	v4 =	vmul.u32 $0x30, v63  }
0x153: {  	v3 =	vand.u32 $0x7, v3  }
0x154: {  	v3 =	vor.u32 v3, v4  }
0x155: {  	v4 =	vperm.xlane v3, v0;
	_ =	sdelay $0x1  }
0x156: {  	v4 =	vadd.s32 v1, v4;
	_ =	sdelay $0x3  }
0x157: {  	s19 =	simm.s32 $0x15200;
	v3 =	vperm.xlane v3, v2  }
0x158: {  	[hbm4b:s4+s3] =	stream.indirect_vreg.scatter [tilespmem:s19], [sflag:$0x3], $0x80, v4, vm0, $0xb8;
	[tilespmem:$0x18200] =	vst v63  }
0x159: {  	s20 =	simm.s32 $0x15A00;
	v3 =	vadd.s32 v1, v3  }
0x15a: {  	[hbm4b:s7+s3] =	stream.indirect_vreg.scatter [tilespmem:s20], [sflag:$0x3], $0x80, v4, vm0, $0xb8;
	[tilespmem:$0x18200] =	vst v63  }
0x15b: {  	s2 =	simm.s32 $0x16200  }
0x15c: {  	[hbm4b:s8+s3] =	stream.indirect_vreg.scatter [tilespmem:s2], [sflag:$0x3], $0x80, v4, vm0, $0xb8;
	[tilespmem:$0x18200] =	vst v63  }
0x15d: {  	s17 =	simm.s32 $0x16A00  }
0x15e: {  	[hbm4b:s4+s3] =	stream.indirect_vreg.scatter [tilespmem:s17], [sflag:$0x3], $0x80, v3, vm0, $0xb8;
	[tilespmem:$0x18200] =	vst v63  }
0x15f: {  	s18 =	simm.s32 $0x17200  }
0x160: {  	[hbm4b:s7+s3] =	stream.indirect_vreg.scatter [tilespmem:s18], [sflag:$0x3], $0x80, v3, vm0, $0xb8;
	[tilespmem:$0x18200] =	vst v63  }
0x161: {  	s19 =	simm.s32 $0x17A00;
	s20 =	simm.s32 $0x3  }
0x162: {  	[hbm4b:s8+s3] =	stream.indirect_vreg.scatter [tilespmem:s19], [sflag:$0x3], $0x80, v3, vm0, $0xb8;
	[tilespmem:$0x18200] =	vst v63  }
0x163: {  	p0 =	sne.s32 s9, $0x1;
	_ =	swait.ge [sflag:s20], $0xC000  }
.Ltmp0:
0x164: {  	[sflag:s20] =	ssyncset.done $0x0;
	(pc) =	sbr.rel @p0 .LBB2_1-.Ltmp0, $4  }
0x165: {  	[sflag:s20] =	ssyncadd.s32 $0xFFFF4000  }
0x166: {  	_ =	swait.ge [sflag:s20], $0xC000  }
0x167: {  	[sflag:s20] =	ssyncset.done $0x0  }
0x168: {  	s9 =	sadd.s32 $0xFFFFFFFF, s9;
	[sflag:s20] =	ssyncadd.s32 $0xFFFF4000  }
0x169: {  	_ =	sfence.sel $0x180000  }
0x16a: {  	[bflag:$0x0] =	sbarrier.arrive $0xFFFF  }
0x16b: {  	_ =	strace $0x90000047  }
0x16c: {  	s0 =	stileid.u32;
	[bflag:$0x2] =	sbarrier.arrive $0xFFFF  }
0x16d: {  	p0 =	sne.s32 s0, $0x0;
	s0 =	rddreg [dreg:$0x3]  }
0x16e: {  	s0 =	sadd.s32 @!p0 $0x100000, s0  }
0x16f: {  	[sflag:s0] =	ssyncadd.tile.s32 @!p0 $0x1;
	_ =	shalt  }
.Lfunc_end2:
_tile_overlayer_lowered:
.L_overlay_start_2:
0x170: {  	(tag) =	ssettag $0x2  }
0x171: {  	s0 =	rddreg [dreg:$0x0];
	s2 =	stileid.u32  }
0x172: {  	s1 =	rddreg [dreg:$0x1];
	p0 =	sne.s32 s2, $0x0  }
0x173: {  	s3 =	rddreg [dreg:$0x2];
	[bflag:$0x3] =	sbarrier.arrive $0xFFFF;
	s2 =	simm.s32 @!p0 $0x1C04  }
0x174: {  	[timem:s3], [sflag:s2] =	dma.local @!p0 [hbm:s0], s1  }
0x175: {  	s0 =	simm.s32 @!p0 $0x4  }
0x176: {  	_ =	swait.ge @!p0 [sflag:s0], s1  }
0x177: {  	s1 =	ssub.s32 @!p0 $0x0, s1;
	[sflag:s0] =	ssyncset.done @!p0 $0x0  }
0x178: {  	[sflag:s0] =	ssyncadd.s32 @!p0 s1  }
0x179: {  	[bflag:$0x3] =	sbarrier.arrive $0xFFFF  }
0x17a: {  	_ =	shalt  }

</sc_bundles>
